<compile_context>
chip_gen: v7x
topology: tpu7x:2x2x1
jax: 0.10.2.dev20260603
libtpu: 0.0.44.dev20260713+nightly
codegen_flags: <defaults>
</compile_context>

<pallas_src>
import dataclasses

import jax
import jax.numpy as jnp
from jax import lax
from jax.experimental import pallas as pl
from jax.experimental.pallas import tpu as pltpu
from jax.experimental.pallas import tpu_sc as plsc

_N_C, _N_T, _D = 10000, 1000, 128
_E_C, _E_T = 320000, 16000
_L = 2
_EPS = 1e-5

_NCORE, _NSUB, _NW = 2, 16, 32
_N_C_PAD = 10112
_N_T_PAD = 1024
_E_C_PAD = 323584
_E_T_PAD = 16384
_CG_PAD = 10240

_MESH = plsc.VectorSubcoreMesh(core_axis_name="c", subcore_axis_name="s")
_F32 = jnp.float32
_I32 = jnp.int32

_SC_PARAMS = pltpu.CompilerParams()
if "needs_layout_passes" in pltpu.CompilerParams.__dataclass_fields__:
    _SC_PARAMS = dataclasses.replace(_SC_PARAMS, needs_layout_passes=False)



def _make_edge_agg(n_pad, n_batches, with_deg):
    rows_ps = n_pad // _NSUB

    outs = [jax.ShapeDtypeStruct((_NCORE, n_pad, _D), _F32)]
    if with_deg:
        outs.append(jax.ShapeDtypeStruct((_NW, n_pad), _F32))
    scratch = [
        pltpu.VMEM((n_batches, 128), _I32),
        pltpu.VMEM((n_batches, 128), _I32),
        pltpu.VMEM((128, _D), _F32),
        pltpu.VMEM_SHARED((n_pad, _D), _F32),
        pltpu.SemaphoreType.DMA,
    ]
    if with_deg:
        scratch += [pltpu.SemaphoreType.DMA,
                    pltpu.VMEM((n_pad,), _F32)]

    def body(h_hbm, src_hbm, dst_hbm, zeros_hbm, *refs):
        if with_deg:
            (out_hbm, deg_hbm, idx_s, idx_d, rows_a, agg_sh, sem_g,
             sem_s, deg_v) = refs
        else:
            (out_hbm, idx_s, idx_d, rows_a, agg_sh, sem_g) = refs
        c = lax.axis_index("c")
        s = lax.axis_index("s")
        wid = c * _NSUB + s
        r0 = s * rows_ps
        pltpu.sync_copy(zeros_hbm.at[pl.ds(r0, rows_ps)],
                        agg_sh.at[pl.ds(r0, rows_ps)])
        if with_deg:
            @pl.loop(0, n_pad, step=16)
            def _(i):
                deg_v[pl.ds(i, 16)] = jnp.zeros((16,), _F32)
        pltpu.sync_copy(src_hbm.at[wid], idx_s)
        pltpu.sync_copy(dst_hbm.at[wid], idx_d)
        plsc.subcore_barrier()

        @pl.loop(0, n_batches)
        def _(bi):
            pltpu.async_copy(h_hbm.at[idx_s.at[bi]], rows_a, sem_g).wait()
            if with_deg:
                scat = pltpu.async_copy(rows_a, agg_sh.at[idx_d.at[bi]],
                                        sem_s, add=True)

                @pl.loop(0, 128, step=16)
                def _(k):
                    plsc.addupdate_scatter(
                        deg_v, [idx_d[bi, pl.ds(k, 16)]],
                        jnp.full((16,), 1.0, _F32))

                scat.wait()
            else:
                pltpu.sync_copy(rows_a, agg_sh.at[idx_d.at[bi]], add=True)

        plsc.subcore_barrier()
        pltpu.sync_copy(agg_sh.at[pl.ds(r0, rows_ps)],
                        out_hbm.at[c, pl.ds(r0, rows_ps)])
        if with_deg:
            pltpu.sync_copy(deg_v, deg_hbm.at[wid])

    return pl.kernel(body, out_type=tuple(outs) if with_deg else outs[0],
                     mesh=_MESH, scratch_types=scratch,
                     compiler_params=_SC_PARAMS)


def _make_pool():
    rows_ps = _N_T_PAD // _NSUB
    per_w = _CG_PAD // _NW
    t_batches = _E_T_PAD // (_NW * 128)

    outs = (jax.ShapeDtypeStruct((_NCORE, _N_T_PAD, _D), _F32),
            jax.ShapeDtypeStruct((_NW, _N_T_PAD), _F32))
    scratch = [
        pltpu.VMEM((5, 64), _I32),
        pltpu.VMEM((t_batches, 128), _I32),
        pltpu.VMEM((64, _D), _F32),
        pltpu.VMEM_SHARED((_N_T_PAD, _D), _F32),
        pltpu.SemaphoreType.DMA,
        pltpu.VMEM((_N_T_PAD,), _F32),
    ]

    def body(cg_hbm, cols_hbm, tdst_hbm, zeros_hbm, out_hbm, tdeg_hbm,
             idx_p, idx_t, rows, pool_sh, sem, deg_v):
        c = lax.axis_index("c")
        s = lax.axis_index("s")
        wid = c * _NSUB + s
        r0 = s * rows_ps
        pltpu.sync_copy(zeros_hbm.at[pl.ds(r0, rows_ps)],
                        pool_sh.at[pl.ds(r0, rows_ps)])

        @pl.loop(0, _N_T_PAD, step=16)
        def _(i):
            deg_v[pl.ds(i, 16)] = jnp.zeros((16,), _F32)

        pltpu.sync_copy(cols_hbm.at[wid], idx_p)
        pltpu.sync_copy(tdst_hbm.at[wid], idx_t)
        plsc.subcore_barrier()

        base = wid * per_w

        @pl.loop(0, 5)
        def _(bi):
            pltpu.sync_copy(cg_hbm.at[pl.ds(base + bi * 64, 64)], rows)
            pltpu.sync_copy(rows, pool_sh.at[idx_p.at[bi]], add=True)

        @pl.loop(0, t_batches)
        def _(bi):
            @pl.loop(0, 128, step=16)
            def _(k):
                plsc.addupdate_scatter(
                    deg_v, [idx_t[bi, pl.ds(k, 16)]],
                    jnp.full((16,), 1.0, _F32))

        plsc.subcore_barrier()
        pltpu.sync_copy(pool_sh.at[pl.ds(r0, rows_ps)],
                        out_hbm.at[c, pl.ds(r0, rows_ps)])
        pltpu.sync_copy(deg_v, tdeg_hbm.at[wid])

    return pl.kernel(body, out_type=outs, mesh=_MESH, scratch_types=scratch,
                     compiler_params=_SC_PARAMS)


_cell_agg_deg = _make_edge_agg(_N_C_PAD, _E_C_PAD // (_NW * 128), True)
_cell_agg = _make_edge_agg(_N_C_PAD, _E_C_PAD // (_NW * 128), False)
_tissue_agg = _make_edge_agg(_N_T_PAD, _E_T_PAD // (_NW * 128), False)
_pool_scatter = _make_pool()



def _dot(x, w):
    return jax.lax.dot_general(x, w, (((1,), (0,)), ((), ())),
                               preferred_element_type=_F32)


def _norm2_relu(y, prm):
    g1, b1, g2, b2 = prm[1][None], prm[2][None], prm[3][None], prm[4][None]
    mu = jnp.mean(y, axis=0, keepdims=True)
    var = jnp.mean((y - mu) ** 2, axis=0, keepdims=True)
    s1 = jnp.sqrt(var + _EPS)
    v2 = g1 * g1 * var / (var + _EPS)
    s2 = jnp.sqrt(v2 + _EPS)
    return jnp.maximum((y - mu) * (g1 * g2 / (s1 * s2)) + b2, 0.0)


def _combine(p_ref, degp_ref, prm_ref, n):
    y = p_ref[0, :n, :] + p_ref[1, :n, :]
    deg = jnp.maximum(jnp.sum(degp_ref[...], axis=0)[:n], 1.0)
    y = y / deg[:, None] + prm_ref[0][None]
    return _norm2_relu(y, prm_ref)


def _mm_body(x_ref, w_ref, o_ref):
    o_ref[...] = _dot(x_ref[...], w_ref[...])


def _make_post(n):
    def body(p_ref, degp_ref, w_ref, prm_ref, o_ref):
        o_ref[...] = _dot(_combine(p_ref, degp_ref, prm_ref, n), w_ref[...])
    return body


def _make_final(n, out_rows):
    def body(p_ref, degp_ref, prm_ref, o_ref):
        x = _combine(p_ref, degp_ref, prm_ref, n)
        if out_rows > n:
            o_ref[:n] = x
            o_ref[n:] = jnp.zeros((out_rows - n, _D), _F32)
        else:
            o_ref[...] = x
    return body


def _argmax_body(a_ref, o_ref):
    x = a_ref[...]
    m = jnp.max(x, axis=1, keepdims=True)
    ii = lax.broadcasted_iota(_I32, x.shape, 1)
    idx = jnp.min(jnp.where(x == m, ii, jnp.int32(2**30)), axis=1)
    o_ref[...] = idx[:, None].astype(_I32)


def _tg_body(p_ref, tf_ref, w_ref, o_ref):
    tg = p_ref[0, :_N_T, :] + p_ref[1, :_N_T, :] + tf_ref[...]
    o_ref[...] = _dot(tg, w_ref[...])


def _sds(shape, dtype=_F32):
    return jax.ShapeDtypeStruct(shape, dtype)



def kernel(cell_feat, tissue_feat, assignment_mat, Ws, bs, gn_g, gn_b,
           bn_g, bn_b, cell_edge_index, tissue_edge_index):
    nb_c = _E_C_PAD // (_NW * 128)
    nb_t = _E_T_PAD // (_NW * 128)
    zeros_big = jnp.zeros((_N_C_PAD, _D), _F32)

    csrc = jnp.concatenate(
        [cell_edge_index[0], jnp.zeros((_E_C_PAD - _E_C,), _I32)]
    ).reshape(_NW, nb_c, 128)
    cdst = jnp.concatenate(
        [cell_edge_index[1], jnp.full((_E_C_PAD - _E_C,), _N_C, _I32)]
    ).reshape(_NW, nb_c, 128)
    tsrc = jnp.concatenate(
        [tissue_edge_index[0], jnp.zeros((_E_T_PAD - _E_T,), _I32)]
    ).reshape(_NW, nb_t, 128)
    tdst = jnp.concatenate(
        [tissue_edge_index[1], jnp.full((_E_T_PAD - _E_T,), _N_T, _I32)]
    ).reshape(_NW, nb_t, 128)

    prm = [jnp.stack([bs[i], gn_g[i], gn_b[i], bn_g[i], bn_b[i]])
           for i in range(_L)]

    cols2d = pl.pallas_call(
        _argmax_body,
        grid=(5,),
        in_specs=[pl.BlockSpec((2000, _N_T), lambda i: (i, 0))],
        out_specs=pl.BlockSpec((2000, 1), lambda i: (i, 0)),
        out_shape=_sds((_N_C, 1), _I32),
    )(assignment_mat)
    cols = jnp.concatenate(
        [cols2d[:, 0], jnp.zeros((_CG_PAD - _N_C,), _I32)]
    ).reshape(_NW, 5, 64)

    h1 = pl.pallas_call(_mm_body, out_shape=_sds((_N_C, _D)))(
        cell_feat, Ws[0])
    agg1, degp = _cell_agg_deg(h1, csrc, cdst, zeros_big)
    h2 = pl.pallas_call(_make_post(_N_C), out_shape=_sds((_N_C, _D)))(
        agg1, degp, Ws[1], prm[0])
    agg2 = _cell_agg(h2, csrc, cdst, zeros_big)
    cg = pl.pallas_call(_make_final(_N_C, _CG_PAD),
                        out_shape=_sds((_CG_PAD, _D)))(agg2, degp, prm[1])

    poolp, tdegp = _pool_scatter(cg, cols, tdst, zeros_big)
    ht1 = pl.pallas_call(_tg_body, out_shape=_sds((_N_T, _D)))(
        poolp, tissue_feat, Ws[0])

    tagg1 = _tissue_agg(ht1, tsrc, tdst, zeros_big)
    ht2 = pl.pallas_call(_make_post(_N_T), out_shape=_sds((_N_T, _D)))(
        tagg1, tdegp, Ws[1], prm[0])
    tagg2 = _tissue_agg(ht2, tsrc, tdst, zeros_big)
    out = pl.pallas_call(_make_final(_N_T, _N_T),
                         out_shape=_sds((_N_T, _D)))(tagg2, tdegp, prm[1])
    return out

# --- scband reference (transcript-rebuilt; emitter-appended) ---
"""Pipeline reference for scband-gnnencoder-77446850282127 (READ-ONLY COPY).

The authoritative reference and input builder live on the scoring server;
editing this copy changes nothing except your own understanding.
"""

import jax, jax.numpy as jnp
import numpy as np

N_CELL = 10000
N_TISSUE = 1000
D = 128
E_CELL = 320000
E_TISSUE = 16000
L = 2
EPS = 1e-5


def setup_inputs(seed: int = 0) -> dict:
    key = jax.random.key(seed)
    ks = jax.random.split(key, 8)
    cell_feat = jax.random.normal(ks[0], (N_CELL, D), dtype=jnp.float32)
    tissue_feat = jax.random.normal(ks[1], (N_TISSUE, D), dtype=jnp.float32)
    assignment_mat = jax.random.uniform(ks[2], (N_CELL, N_TISSUE), dtype=jnp.float32)
    cell_edge_index = jax.random.randint(ks[3], (2, E_CELL), 0, N_CELL, dtype=jnp.int32)
    tissue_edge_index = jax.random.randint(ks[4], (2, E_TISSUE), 0, N_TISSUE, dtype=jnp.int32)
    Ws = jax.random.normal(ks[5], (L, D, D), dtype=jnp.float32) * (1.0 / jnp.sqrt(D))
    bs = jnp.zeros((L, D), dtype=jnp.float32)
    gn_g = jnp.ones((L, D), dtype=jnp.float32)
    gn_b = jnp.zeros((L, D), dtype=jnp.float32)
    bn_g = jnp.ones((L, D), dtype=jnp.float32)
    bn_b = jnp.zeros((L, D), dtype=jnp.float32)
    return {
        'cell_feat': cell_feat,
        'tissue_feat': tissue_feat,
        'assignment_mat': assignment_mat,
        'Ws': Ws, 'bs': bs,
        'gn_g': gn_g, 'gn_b': gn_b,
        'bn_g': bn_g, 'bn_b': bn_b,
        'cell_edge_index': cell_edge_index,
        'tissue_edge_index': tissue_edge_index,
    }


def _gcn_conv(x, src, dst, W, b, n_nodes):
    # mean-aggregation graph convolution: gather src feats, linear, scatter-add to dst
    h = x @ W
    msgs = jnp.take(h, src, axis=0)
    agg = jax.ops.segment_sum(msgs, dst, num_segments=n_nodes)
    deg = jax.ops.segment_sum(jnp.ones_like(dst, dtype=x.dtype), dst, num_segments=n_nodes)
    return agg / jnp.clip(deg, 1.0)[:, None] + b


def _graph_norm(x, g, b):
    mu = jnp.mean(x, axis=0, keepdims=True)
    var = jnp.var(x, axis=0, keepdims=True)
    return (x - mu) / jnp.sqrt(var + EPS) * g + b


def _batch_norm(x, g, b):
    mu = jnp.mean(x, axis=0, keepdims=True)
    var = jnp.var(x, axis=0, keepdims=True)
    return (x - mu) / jnp.sqrt(var + EPS) * g + b


def _gnn_stack(x, edge_index, Ws, bs, gn_g, gn_b, bn_g, bn_b, n_nodes):
    src = edge_index[0]
    dst = edge_index[1]
    for i in range(L):
        x = _gcn_conv(x, src, dst, Ws[i], bs[i], n_nodes)
        x = _graph_norm(x, gn_g[i], gn_b[i])
        x = _batch_norm(x, bn_g[i], bn_b[i])
        x = jax.nn.relu(x)
    return x


def _compute_assigned_feats(cg_feat, assignment_mat, tg_feat):
    # hard-assign each cell node to its argmax tissue node, scatter-add features
    cols = jnp.argmax(assignment_mat, axis=1)
    summed = jnp.zeros_like(tg_feat).at[cols].add(cg_feat)
    return summed + tg_feat


def reference(cell_feat, tissue_feat, assignment_mat, Ws, bs, gn_g, gn_b, bn_g, bn_b, cell_edge_index, tissue_edge_index):
    cg = _gnn_stack(cell_feat, cell_edge_index, Ws, bs, gn_g, gn_b, bn_g, bn_b, N_CELL)
    tg = _compute_assigned_feats(cg, assignment_mat, tissue_feat)
    tg = _gnn_stack(tg, tissue_edge_index, Ws, bs, gn_g, gn_b, bn_g, bn_b, N_TISSUE)
    return tg

if __name__ == "__main__":
    import jax
    _d = setup_inputs()
    print(jax.jit(kernel)(*tuple(_d.values())))

</pallas_src>

<mosaic_0001>
#map = affine_map<(d0, d1) -> (0, 0)>
#map1 = affine_map<(d0, d1) -> (0, 0, 0)>
module attributes {stable_mosaic.version = 14 : i64} {
  func.func @body(%arg0: i32, %arg1: i32, %arg2: memref<1000x128xf32, #tpu.memory_space<hbm>>, %arg3: memref<32x4x128xi32, #tpu.memory_space<hbm>>, %arg4: memref<32x4x128xi32, #tpu.memory_space<hbm>>, %arg5: memref<10112x128xf32, #tpu.memory_space<hbm>>, %arg6: memref<2x1024x128xf32, #tpu.memory_space<hbm>>, %arg7: memref<4x128xi32, #tpu.memory_space<vmem>>, %arg8: memref<4x128xi32, #tpu.memory_space<vmem>>, %arg9: memref<128x128xf32, #tpu.memory_space<vmem>>, %arg10: memref<1024x128xf32, #tpu.memory_space<vmem_shared>>, %arg11: memref<!tpu.dma_semaphore, #tpu.memory_space<semaphore_mem>>) attributes {dimension_semantics = [#tpu.dimension_semantics<core_parallel>, #tpu.dimension_semantics<subcore_parallel>], iteration_bounds = array<i64: 2, 16>, scalar_prefetch = 0 : i64, scratch_operands = 5 : i64, tpu.core_type = #tpu.core_type<sc_vector_subcore>, window_params = [{transform_indices = #map}, {transform_indices = #map1}, {transform_indices = #map1}, {transform_indices = #map}, {transform_indices = #map1}]} {
    %mul3A = arith.constant 16 : i32
    %mul3A_0 = arith.muli %arg0, %mul3A : i32
    %add3A = arith.addi %mul3A_0, %arg1 : i32
    %mul3A_1 = arith.constant 64 : i32
    %mul3A_2 = arith.muli %arg1, %mul3A_1 : i32
    "tpu.region"() ({
      %run_scoped3A = tpu.sem_alloc : memref<!tpu.dma_semaphore, #tpu.memory_space<semaphore_mem>>
      %dma_start3A = arith.constant 0 : i32
      %dma_start3A_8 = tpu.memref_slice %arg10[%mul3A_2, %dma_start3A] : memref<1024x128xf32, #tpu.memory_space<vmem_shared>> -> memref<64x128xf32, #tpu.memory_space<vmem_shared>>
      %dma_start3A_9 = arith.constant 0 : i32
      %dma_start3A_10 = tpu.memref_slice %arg5[%mul3A_2, %dma_start3A_9] : memref<10112x128xf32, #tpu.memory_space<hbm>> -> memref<64x128xf32, #tpu.memory_space<hbm>>
      tpu.enqueue_dma source(%dma_start3A_10 : memref<64x128xf32, #tpu.memory_space<hbm>>) target(%dma_start3A_8 : memref<64x128xf32, #tpu.memory_space<vmem_shared>>) target_semaphore(%run_scoped3A : memref<!tpu.dma_semaphore, #tpu.memory_space<semaphore_mem>>)
      %dma_wait3A = arith.constant 0 : i32
      %dma_wait3A_11 = tpu.memref_slice %arg10[%mul3A_2, %dma_wait3A] : memref<1024x128xf32, #tpu.memory_space<vmem_shared>> -> memref<64x128xf32, #tpu.memory_space<vmem_shared>>
      %dma_wait3A_12 = arith.constant 0 : i32
      %dma_wait3A_13 = tpu.memref_slice %arg5[%mul3A_2, %dma_wait3A_12] : memref<10112x128xf32, #tpu.memory_space<hbm>> -> memref<64x128xf32, #tpu.memory_space<hbm>>
      tpu.wait_dma2 semaphore(%run_scoped3A : memref<!tpu.dma_semaphore, #tpu.memory_space<semaphore_mem>>) src(%dma_wait3A_13 : memref<64x128xf32, #tpu.memory_space<hbm>>) dst(%dma_wait3A_11 : memref<64x128xf32, #tpu.memory_space<vmem_shared>>)
      tpu.yield
    }) : () -> ()
    "tpu.region"() ({
      %run_scoped3A = tpu.sem_alloc : memref<!tpu.dma_semaphore, #tpu.memory_space<semaphore_mem>>
      %dma_start3A = arith.constant 0 : i32
      %dma_start3A_8 = arith.constant 0 : i32
      %dma_start3A_9 = tpu.memref_slice %arg3[%add3A, %dma_start3A, %dma_start3A_8] : memref<32x4x128xi32, #tpu.memory_space<hbm>> -> memref<1x4x128xi32, #tpu.memory_space<hbm>>
      %dma_start3A_10 = tpu.memref_squeeze %dma_start3A_9 : memref<1x4x128xi32, #tpu.memory_space<hbm>> -> memref<4x128xi32, #tpu.memory_space<hbm>>
      %dma_start3A_11 = arith.constant 0 : i32
      %dma_start3A_12 = arith.constant 0 : i32
      %dma_start3A_13 = tpu.memref_slice %arg3[%add3A, %dma_start3A_11, %dma_start3A_12] : memref<32x4x128xi32, #tpu.memory_space<hbm>> -> memref<1x4x128xi32, #tpu.memory_space<hbm>>
      %dma_start3A_14 = tpu.memref_squeeze %dma_start3A_13 : memref<1x4x128xi32, #tpu.memory_space<hbm>> -> memref<4x128xi32, #tpu.memory_space<hbm>>
      tpu.enqueue_dma source(%dma_start3A_14 : memref<4x128xi32, #tpu.memory_space<hbm>>) target(%arg7 : memref<4x128xi32, #tpu.memory_space<vmem>>) target_semaphore(%run_scoped3A : memref<!tpu.dma_semaphore, #tpu.memory_space<semaphore_mem>>)
      %dma_wait3A = arith.constant 0 : i32
      %dma_wait3A_15 = arith.constant 0 : i32
      %dma_wait3A_16 = tpu.memref_slice %arg3[%add3A, %dma_wait3A, %dma_wait3A_15] : memref<32x4x128xi32, #tpu.memory_space<hbm>> -> memref<1x4x128xi32, #tpu.memory_space<hbm>>
      %dma_wait3A_17 = tpu.memref_squeeze %dma_wait3A_16 : memref<1x4x128xi32, #tpu.memory_space<hbm>> -> memref<4x128xi32, #tpu.memory_space<hbm>>
      %dma_wait3A_18 = arith.constant 0 : i32
      %dma_wait3A_19 = arith.constant 0 : i32
      %dma_wait3A_20 = tpu.memref_slice %arg3[%add3A, %dma_wait3A_18, %dma_wait3A_19] : memref<32x4x128xi32, #tpu.memory_space<hbm>> -> memref<1x4x128xi32, #tpu.memory_space<hbm>>
      %dma_wait3A_21 = tpu.memref_squeeze %dma_wait3A_20 : memref<1x4x128xi32, #tpu.memory_space<hbm>> -> memref<4x128xi32, #tpu.memory_space<hbm>>
      tpu.wait_dma2 semaphore(%run_scoped3A : memref<!tpu.dma_semaphore, #tpu.memory_space<semaphore_mem>>) src(%dma_wait3A_21 : memref<4x128xi32, #tpu.memory_space<hbm>>) dst(%arg7 : memref<4x128xi32, #tpu.memory_space<vmem>>)
      tpu.yield
    }) : () -> ()
    "tpu.region"() ({
      %run_scoped3A = tpu.sem_alloc : memref<!tpu.dma_semaphore, #tpu.memory_space<semaphore_mem>>
      %dma_start3A = arith.constant 0 : i32
      %dma_start3A_8 = arith.constant 0 : i32
      %dma_start3A_9 = tpu.memref_slice %arg4[%add3A, %dma_start3A, %dma_start3A_8] : memref<32x4x128xi32, #tpu.memory_space<hbm>> -> memref<1x4x128xi32, #tpu.memory_space<hbm>>
      %dma_start3A_10 = tpu.memref_squeeze %dma_start3A_9 : memref<1x4x128xi32, #tpu.memory_space<hbm>> -> memref<4x128xi32, #tpu.memory_space<hbm>>
      %dma_start3A_11 = arith.constant 0 : i32
      %dma_start3A_12 = arith.constant 0 : i32
      %dma_start3A_13 = tpu.memref_slice %arg4[%add3A, %dma_start3A_11, %dma_start3A_12] : memref<32x4x128xi32, #tpu.memory_space<hbm>> -> memref<1x4x128xi32, #tpu.memory_space<hbm>>
      %dma_start3A_14 = tpu.memref_squeeze %dma_start3A_13 : memref<1x4x128xi32, #tpu.memory_space<hbm>> -> memref<4x128xi32, #tpu.memory_space<hbm>>
      tpu.enqueue_dma source(%dma_start3A_14 : memref<4x128xi32, #tpu.memory_space<hbm>>) target(%arg8 : memref<4x128xi32, #tpu.memory_space<vmem>>) target_semaphore(%run_scoped3A : memref<!tpu.dma_semaphore, #tpu.memory_space<semaphore_mem>>)
      %dma_wait3A = arith.constant 0 : i32
      %dma_wait3A_15 = arith.constant 0 : i32
      %dma_wait3A_16 = tpu.memref_slice %arg4[%add3A, %dma_wait3A, %dma_wait3A_15] : memref<32x4x128xi32, #tpu.memory_space<hbm>> -> memref<1x4x128xi32, #tpu.memory_space<hbm>>
      %dma_wait3A_17 = tpu.memref_squeeze %dma_wait3A_16 : memref<1x4x128xi32, #tpu.memory_space<hbm>> -> memref<4x128xi32, #tpu.memory_space<hbm>>
      %dma_wait3A_18 = arith.constant 0 : i32
      %dma_wait3A_19 = arith.constant 0 : i32
      %dma_wait3A_20 = tpu.memref_slice %arg4[%add3A, %dma_wait3A_18, %dma_wait3A_19] : memref<32x4x128xi32, #tpu.memory_space<hbm>> -> memref<1x4x128xi32, #tpu.memory_space<hbm>>
      %dma_wait3A_21 = tpu.memref_squeeze %dma_wait3A_20 : memref<1x4x128xi32, #tpu.memory_space<hbm>> -> memref<4x128xi32, #tpu.memory_space<hbm>>
      tpu.wait_dma2 semaphore(%run_scoped3A : memref<!tpu.dma_semaphore, #tpu.memory_space<semaphore_mem>>) src(%dma_wait3A_21 : memref<4x128xi32, #tpu.memory_space<hbm>>) dst(%arg8 : memref<4x128xi32, #tpu.memory_space<vmem>>)
      tpu.yield
    }) : () -> ()
    %barrier3A = arith.constant 0 : index
    tpu.barrier barrier_id(%barrier3A)
    %scan3A = arith.constant 0 : i32
    %scan3A_3 = arith.constant 4 : i32
    %scan3A_4 = arith.addi %scan3A, %scan3A_3 : i32
    %scan3A_5 = arith.constant 1 : i32
    scf.for %scan3A_8 = %scan3A to %scan3A_4 step %scan3A_5  : i32 {
      %mul3A_9 = arith.constant 1 : i32
      %mul3A_10 = arith.muli %scan3A_8, %mul3A_9 : i32
      %add3A_11 = arith.constant 0 : i32
      %add3A_12 = arith.addi %add3A_11, %mul3A_10 : i32
      %dma_start3A = arith.constant 0 : i32
      %dma_start3A_13 = tpu.memref_slice %arg7[%add3A_12, %dma_start3A] : memref<4x128xi32, #tpu.memory_space<vmem>> -> memref<1x128xi32, #tpu.memory_space<vmem>>
      %dma_start3A_14 = tpu.memref_squeeze %dma_start3A_13 : memref<1x128xi32, #tpu.memory_space<vmem>> -> memref<128xi32, #tpu.memory_space<vmem>>
      %dma_start3A_15 = arith.constant 0 : i32
      %dma_start3A_16 = arith.constant 0 : i32
      %dma_start3A_17 = tpu.memref_slice %arg2[%dma_start3A_15, %dma_start3A_16] : memref<1000x128xf32, #tpu.memory_space<hbm>> -> memref<1000x128xf32, #tpu.memory_space<hbm>>
      tpu.enqueue_indirect_dma source(%dma_start3A_17 : memref<1000x128xf32, #tpu.memory_space<hbm>>) target(%arg9 : memref<128x128xf32, #tpu.memory_space<vmem>>) offsets(%dma_start3A_14 : memref<128xi32, #tpu.memory_space<vmem>>) semaphore(%arg11 : memref<!tpu.dma_semaphore, #tpu.memory_space<semaphore_mem>>)
      %dma_wait3A = arith.constant 0 : i32
      %dma_wait3A_18 = tpu.memref_slice %arg7[%add3A_12, %dma_wait3A] : memref<4x128xi32, #tpu.memory_space<vmem>> -> memref<1x128xi32, #tpu.memory_space<vmem>>
      %dma_wait3A_19 = tpu.memref_squeeze %dma_wait3A_18 : memref<1x128xi32, #tpu.memory_space<vmem>> -> memref<128xi32, #tpu.memory_space<vmem>>
      %dma_wait3A_20 = arith.constant 0 : i32
      %dma_wait3A_21 = arith.constant 0 : i32
      %dma_wait3A_22 = tpu.memref_slice %arg2[%dma_wait3A_20, %dma_wait3A_21] : memref<1000x128xf32, #tpu.memory_space<hbm>> -> memref<1000x128xf32, #tpu.memory_space<hbm>>
      tpu.wait_indirect_dma semaphore(%arg11 : memref<!tpu.dma_semaphore, #tpu.memory_space<semaphore_mem>>) src(%dma_wait3A_22 : memref<1000x128xf32, #tpu.memory_space<hbm>>) dst(%arg9 : memref<128x128xf32, #tpu.memory_space<vmem>>)
      "tpu.region"() ({
        %run_scoped3A = tpu.sem_alloc : memref<!tpu.dma_semaphore, #tpu.memory_space<semaphore_mem>>
        %dma_start3A_23 = arith.constant 0 : i32
        %dma_start3A_24 = tpu.memref_slice %arg8[%add3A_12, %dma_start3A_23] : memref<4x128xi32, #tpu.memory_space<vmem>> -> memref<1x128xi32, #tpu.memory_space<vmem>>
        %dma_start3A_25 = tpu.memref_squeeze %dma_start3A_24 : memref<1x128xi32, #tpu.memory_space<vmem>> -> memref<128xi32, #tpu.memory_space<vmem>>
        %dma_start3A_26 = arith.constant 0 : i32
        %dma_start3A_27 = arith.constant 0 : i32
        %dma_start3A_28 = tpu.memref_slice %arg10[%dma_start3A_26, %dma_start3A_27] : memref<1024x128xf32, #tpu.memory_space<vmem_shared>> -> memref<1024x128xf32, #tpu.memory_space<vmem_shared>>
        tpu.enqueue_indirect_dma source(%arg9 : memref<128x128xf32, #tpu.memory_space<vmem>>) target(%dma_start3A_28 : memref<1024x128xf32, #tpu.memory_space<vmem_shared>>) offsets(%dma_start3A_25 : memref<128xi32, #tpu.memory_space<vmem>>) semaphore(%run_scoped3A : memref<!tpu.dma_semaphore, #tpu.memory_space<semaphore_mem>>) {add = true}
        %dma_wait3A_29 = arith.constant 0 : i32
        %dma_wait3A_30 = tpu.memref_slice %arg8[%add3A_12, %dma_wait3A_29] : memref<4x128xi32, #tpu.memory_space<vmem>> -> memref<1x128xi32, #tpu.memory_space<vmem>>
        %dma_wait3A_31 = tpu.memref_squeeze %dma_wait3A_30 : memref<1x128xi32, #tpu.memory_space<vmem>> -> memref<128xi32, #tpu.memory_space<vmem>>
        %dma_wait3A_32 = arith.constant 0 : i32
        %dma_wait3A_33 = arith.constant 0 : i32
        %dma_wait3A_34 = tpu.memref_slice %arg10[%dma_wait3A_32, %dma_wait3A_33] : memref<1024x128xf32, #tpu.memory_space<vmem_shared>> -> memref<1024x128xf32, #tpu.memory_space<vmem_shared>>
        tpu.wait_indirect_dma semaphore(%run_scoped3A : memref<!tpu.dma_semaphore, #tpu.memory_space<semaphore_mem>>) src(%arg9 : memref<128x128xf32, #tpu.memory_space<vmem>>) dst(%dma_wait3A_34 : memref<1024x128xf32, #tpu.memory_space<vmem_shared>>)
        tpu.yield
      }) : () -> ()
    }
    %scan3A_6 = arith.constant 4 : i32
    %barrier3A_7 = arith.constant 0 : index
    tpu.barrier barrier_id(%barrier3A_7)
    "tpu.region"() ({
      %run_scoped3A = tpu.sem_alloc : memref<!tpu.dma_semaphore, #tpu.memory_space<semaphore_mem>>
      %dma_start3A = arith.constant 0 : i32
      %dma_start3A_8 = tpu.memref_slice %arg6[%arg0, %mul3A_2, %dma_start3A] : memref<2x1024x128xf32, #tpu.memory_space<hbm>> -> memref<1x64x128xf32, #tpu.memory_space<hbm>>
      %dma_start3A_9 = tpu.memref_squeeze %dma_start3A_8 : memref<1x64x128xf32, #tpu.memory_space<hbm>> -> memref<64x128xf32, #tpu.memory_space<hbm>>
      %dma_start3A_10 = arith.constant 0 : i32
      %dma_start3A_11 = tpu.memref_slice %arg10[%mul3A_2, %dma_start3A_10] : memref<1024x128xf32, #tpu.memory_space<vmem_shared>> -> memref<64x128xf32, #tpu.memory_space<vmem_shared>>
      tpu.enqueue_dma source(%dma_start3A_11 : memref<64x128xf32, #tpu.memory_space<vmem_shared>>) target(%dma_start3A_9 : memref<64x128xf32, #tpu.memory_space<hbm>>) target_semaphore(%run_scoped3A : memref<!tpu.dma_semaphore, #tpu.memory_space<semaphore_mem>>)
      %dma_wait3A = arith.constant 0 : i32
      %dma_wait3A_12 = tpu.memref_slice %arg6[%arg0, %mul3A_2, %dma_wait3A] : memref<2x1024x128xf32, #tpu.memory_space<hbm>> -> memref<1x64x128xf32, #tpu.memory_space<hbm>>
      %dma_wait3A_13 = tpu.memref_squeeze %dma_wait3A_12 : memref<1x64x128xf32, #tpu.memory_space<hbm>> -> memref<64x128xf32, #tpu.memory_space<hbm>>
      %dma_wait3A_14 = arith.constant 0 : i32
      %dma_wait3A_15 = tpu.memref_slice %arg10[%mul3A_2, %dma_wait3A_14] : memref<1024x128xf32, #tpu.memory_space<vmem_shared>> -> memref<64x128xf32, #tpu.memory_space<vmem_shared>>
      tpu.wait_dma2 semaphore(%run_scoped3A : memref<!tpu.dma_semaphore, #tpu.memory_space<semaphore_mem>>) src(%dma_wait3A_15 : memref<64x128xf32, #tpu.memory_space<vmem_shared>>) dst(%dma_wait3A_13 : memref<64x128xf32, #tpu.memory_space<hbm>>)
      tpu.yield
    }) : () -> ()
    return
  }
}

#map = affine_map<(d0, d1) -> (0, 0)>
#map1 = affine_map<(d0, d1) -> (0, 0, 0)>
module attributes {stable_mosaic.version = 14 : i64} {
  func.func @body(%arg0: i32, %arg1: i32, %arg2: memref<10000x128xf32, #tpu.memory_space<hbm>>, %arg3: memref<32x79x128xi32, #tpu.memory_space<hbm>>, %arg4: memref<32x79x128xi32, #tpu.memory_space<hbm>>, %arg5: memref<10112x128xf32, #tpu.memory_space<hbm>>, %arg6: memref<2x10112x128xf32, #tpu.memory_space<hbm>>, %arg7: memref<79x128xi32, #tpu.memory_space<vmem>>, %arg8: memref<79x128xi32, #tpu.memory_space<vmem>>, %arg9: memref<128x128xf32, #tpu.memory_space<vmem>>, %arg10: memref<10112x128xf32, #tpu.memory_space<vmem_shared>>, %arg11: memref<!tpu.dma_semaphore, #tpu.memory_space<semaphore_mem>>) attributes {dimension_semantics = [#tpu.dimension_semantics<core_parallel>, #tpu.dimension_semantics<subcore_parallel>], iteration_bounds = array<i64: 2, 16>, scalar_prefetch = 0 : i64, scratch_operands = 5 : i64, tpu.core_type = #tpu.core_type<sc_vector_subcore>, window_params = [{transform_indices = #map}, {transform_indices = #map1}, {transform_indices = #map1}, {transform_indices = #map}, {transform_indices = #map1}]} {
    %mul3A = arith.constant 16 : i32
    %mul3A_0 = arith.muli %arg0, %mul3A : i32
    %add3A = arith.addi %mul3A_0, %arg1 : i32
    %mul3A_1 = arith.constant 632 : i32
    %mul3A_2 = arith.muli %arg1, %mul3A_1 : i32
    "tpu.region"() ({
      %run_scoped3A = tpu.sem_alloc : memref<!tpu.dma_semaphore, #tpu.memory_space<semaphore_mem>>
      %dma_start3A = arith.constant 0 : i32
      %dma_start3A_8 = tpu.memref_slice %arg10[%mul3A_2, %dma_start3A] : memref<10112x128xf32, #tpu.memory_space<vmem_shared>> -> memref<632x128xf32, #tpu.memory_space<vmem_shared>>
      %dma_start3A_9 = arith.constant 0 : i32
      %dma_start3A_10 = tpu.memref_slice %arg5[%mul3A_2, %dma_start3A_9] : memref<10112x128xf32, #tpu.memory_space<hbm>> -> memref<632x128xf32, #tpu.memory_space<hbm>>
      tpu.enqueue_dma source(%dma_start3A_10 : memref<632x128xf32, #tpu.memory_space<hbm>>) target(%dma_start3A_8 : memref<632x128xf32, #tpu.memory_space<vmem_shared>>) target_semaphore(%run_scoped3A : memref<!tpu.dma_semaphore, #tpu.memory_space<semaphore_mem>>)
      %dma_wait3A = arith.constant 0 : i32
      %dma_wait3A_11 = tpu.memref_slice %arg10[%mul3A_2, %dma_wait3A] : memref<10112x128xf32, #tpu.memory_space<vmem_shared>> -> memref<632x128xf32, #tpu.memory_space<vmem_shared>>
      %dma_wait3A_12 = arith.constant 0 : i32
      %dma_wait3A_13 = tpu.memref_slice %arg5[%mul3A_2, %dma_wait3A_12] : memref<10112x128xf32, #tpu.memory_space<hbm>> -> memref<632x128xf32, #tpu.memory_space<hbm>>
      tpu.wait_dma2 semaphore(%run_scoped3A : memref<!tpu.dma_semaphore, #tpu.memory_space<semaphore_mem>>) src(%dma_wait3A_13 : memref<632x128xf32, #tpu.memory_space<hbm>>) dst(%dma_wait3A_11 : memref<632x128xf32, #tpu.memory_space<vmem_shared>>)
      tpu.yield
    }) : () -> ()
    "tpu.region"() ({
      %run_scoped3A = tpu.sem_alloc : memref<!tpu.dma_semaphore, #tpu.memory_space<semaphore_mem>>
      %dma_start3A = arith.constant 0 : i32
      %dma_start3A_8 = arith.constant 0 : i32
      %dma_start3A_9 = tpu.memref_slice %arg3[%add3A, %dma_start3A, %dma_start3A_8] : memref<32x79x128xi32, #tpu.memory_space<hbm>> -> memref<1x79x128xi32, #tpu.memory_space<hbm>>
      %dma_start3A_10 = tpu.memref_squeeze %dma_start3A_9 : memref<1x79x128xi32, #tpu.memory_space<hbm>> -> memref<79x128xi32, #tpu.memory_space<hbm>>
      %dma_start3A_11 = arith.constant 0 : i32
      %dma_start3A_12 = arith.constant 0 : i32
      %dma_start3A_13 = tpu.memref_slice %arg3[%add3A, %dma_start3A_11, %dma_start3A_12] : memref<32x79x128xi32, #tpu.memory_space<hbm>> -> memref<1x79x128xi32, #tpu.memory_space<hbm>>
      %dma_start3A_14 = tpu.memref_squeeze %dma_start3A_13 : memref<1x79x128xi32, #tpu.memory_space<hbm>> -> memref<79x128xi32, #tpu.memory_space<hbm>>
      tpu.enqueue_dma source(%dma_start3A_14 : memref<79x128xi32, #tpu.memory_space<hbm>>) target(%arg7 : memref<79x128xi32, #tpu.memory_space<vmem>>) target_semaphore(%run_scoped3A : memref<!tpu.dma_semaphore, #tpu.memory_space<semaphore_mem>>)
      %dma_wait3A = arith.constant 0 : i32
      %dma_wait3A_15 = arith.constant 0 : i32
      %dma_wait3A_16 = tpu.memref_slice %arg3[%add3A, %dma_wait3A, %dma_wait3A_15] : memref<32x79x128xi32, #tpu.memory_space<hbm>> -> memref<1x79x128xi32, #tpu.memory_space<hbm>>
      %dma_wait3A_17 = tpu.memref_squeeze %dma_wait3A_16 : memref<1x79x128xi32, #tpu.memory_space<hbm>> -> memref<79x128xi32, #tpu.memory_space<hbm>>
      %dma_wait3A_18 = arith.constant 0 : i32
      %dma_wait3A_19 = arith.constant 0 : i32
      %dma_wait3A_20 = tpu.memref_slice %arg3[%add3A, %dma_wait3A_18, %dma_wait3A_19] : memref<32x79x128xi32, #tpu.memory_space<hbm>> -> memref<1x79x128xi32, #tpu.memory_space<hbm>>
      %dma_wait3A_21 = tpu.memref_squeeze %dma_wait3A_20 : memref<1x79x128xi32, #tpu.memory_space<hbm>> -> memref<79x128xi32, #tpu.memory_space<hbm>>
      tpu.wait_dma2 semaphore(%run_scoped3A : memref<!tpu.dma_semaphore, #tpu.memory_space<semaphore_mem>>) src(%dma_wait3A_21 : memref<79x128xi32, #tpu.memory_space<hbm>>) dst(%arg7 : memref<79x128xi32, #tpu.memory_space<vmem>>)
      tpu.yield
    }) : () -> ()
    "tpu.region"() ({
      %run_scoped3A = tpu.sem_alloc : memref<!tpu.dma_semaphore, #tpu.memory_space<semaphore_mem>>
      %dma_start3A = arith.constant 0 : i32
      %dma_start3A_8 = arith.constant 0 : i32
      %dma_start3A_9 = tpu.memref_slice %arg4[%add3A, %dma_start3A, %dma_start3A_8] : memref<32x79x128xi32, #tpu.memory_space<hbm>> -> memref<1x79x128xi32, #tpu.memory_space<hbm>>
      %dma_start3A_10 = tpu.memref_squeeze %dma_start3A_9 : memref<1x79x128xi32, #tpu.memory_space<hbm>> -> memref<79x128xi32, #tpu.memory_space<hbm>>
      %dma_start3A_11 = arith.constant 0 : i32
      %dma_start3A_12 = arith.constant 0 : i32
      %dma_start3A_13 = tpu.memref_slice %arg4[%add3A, %dma_start3A_11, %dma_start3A_12] : memref<32x79x128xi32, #tpu.memory_space<hbm>> -> memref<1x79x128xi32, #tpu.memory_space<hbm>>
      %dma_start3A_14 = tpu.memref_squeeze %dma_start3A_13 : memref<1x79x128xi32, #tpu.memory_space<hbm>> -> memref<79x128xi32, #tpu.memory_space<hbm>>
      tpu.enqueue_dma source(%dma_start3A_14 : memref<79x128xi32, #tpu.memory_space<hbm>>) target(%arg8 : memref<79x128xi32, #tpu.memory_space<vmem>>) target_semaphore(%run_scoped3A : memref<!tpu.dma_semaphore, #tpu.memory_space<semaphore_mem>>)
      %dma_wait3A = arith.constant 0 : i32
      %dma_wait3A_15 = arith.constant 0 : i32
      %dma_wait3A_16 = tpu.memref_slice %arg4[%add3A, %dma_wait3A, %dma_wait3A_15] : memref<32x79x128xi32, #tpu.memory_space<hbm>> -> memref<1x79x128xi32, #tpu.memory_space<hbm>>
      %dma_wait3A_17 = tpu.memref_squeeze %dma_wait3A_16 : memref<1x79x128xi32, #tpu.memory_space<hbm>> -> memref<79x128xi32, #tpu.memory_space<hbm>>
      %dma_wait3A_18 = arith.constant 0 : i32
      %dma_wait3A_19 = arith.constant 0 : i32
      %dma_wait3A_20 = tpu.memref_slice %arg4[%add3A, %dma_wait3A_18, %dma_wait3A_19] : memref<32x79x128xi32, #tpu.memory_space<hbm>> -> memref<1x79x128xi32, #tpu.memory_space<hbm>>
      %dma_wait3A_21 = tpu.memref_squeeze %dma_wait3A_20 : memref<1x79x128xi32, #tpu.memory_space<hbm>> -> memref<79x128xi32, #tpu.memory_space<hbm>>
      tpu.wait_dma2 semaphore(%run_scoped3A : memref<!tpu.dma_semaphore, #tpu.memory_space<semaphore_mem>>) src(%dma_wait3A_21 : memref<79x128xi32, #tpu.memory_space<hbm>>) dst(%arg8 : memref<79x128xi32, #tpu.memory_space<vmem>>)
      tpu.yield
    }) : () -> ()
    %barrier3A = arith.constant 0 : index
    tpu.barrier barrier_id(%barrier3A)
    %scan3A = arith.constant 0 : i32
    %scan3A_3 = arith.constant 79 : i32
    %scan3A_4 = arith.addi %scan3A, %scan3A_3 : i32
    %scan3A_5 = arith.constant 1 : i32
    scf.for %scan3A_8 = %scan3A to %scan3A_4 step %scan3A_5  : i32 {
      %mul3A_9 = arith.constant 1 : i32
      %mul3A_10 = arith.muli %scan3A_8, %mul3A_9 : i32
      %add3A_11 = arith.constant 0 : i32
      %add3A_12 = arith.addi %add3A_11, %mul3A_10 : i32
      %dma_start3A = arith.constant 0 : i32
      %dma_start3A_13 = tpu.memref_slice %arg7[%add3A_12, %dma_start3A] : memref<79x128xi32, #tpu.memory_space<vmem>> -> memref<1x128xi32, #tpu.memory_space<vmem>>
      %dma_start3A_14 = tpu.memref_squeeze %dma_start3A_13 : memref<1x128xi32, #tpu.memory_space<vmem>> -> memref<128xi32, #tpu.memory_space<vmem>>
      %dma_start3A_15 = arith.constant 0 : i32
      %dma_start3A_16 = arith.constant 0 : i32
      %dma_start3A_17 = tpu.memref_slice %arg2[%dma_start3A_15, %dma_start3A_16] : memref<10000x128xf32, #tpu.memory_space<hbm>> -> memref<10000x128xf32, #tpu.memory_space<hbm>>
      tpu.enqueue_indirect_dma source(%dma_start3A_17 : memref<10000x128xf32, #tpu.memory_space<hbm>>) target(%arg9 : memref<128x128xf32, #tpu.memory_space<vmem>>) offsets(%dma_start3A_14 : memref<128xi32, #tpu.memory_space<vmem>>) semaphore(%arg11 : memref<!tpu.dma_semaphore, #tpu.memory_space<semaphore_mem>>)
      %dma_wait3A = arith.constant 0 : i32
      %dma_wait3A_18 = tpu.memref_slice %arg7[%add3A_12, %dma_wait3A] : memref<79x128xi32, #tpu.memory_space<vmem>> -> memref<1x128xi32, #tpu.memory_space<vmem>>
      %dma_wait3A_19 = tpu.memref_squeeze %dma_wait3A_18 : memref<1x128xi32, #tpu.memory_space<vmem>> -> memref<128xi32, #tpu.memory_space<vmem>>
      %dma_wait3A_20 = arith.constant 0 : i32
      %dma_wait3A_21 = arith.constant 0 : i32
      %dma_wait3A_22 = tpu.memref_slice %arg2[%dma_wait3A_20, %dma_wait3A_21] : memref<10000x128xf32, #tpu.memory_space<hbm>> -> memref<10000x128xf32, #tpu.memory_space<hbm>>
      tpu.wait_indirect_dma semaphore(%arg11 : memref<!tpu.dma_semaphore, #tpu.memory_space<semaphore_mem>>) src(%dma_wait3A_22 : memref<10000x128xf32, #tpu.memory_space<hbm>>) dst(%arg9 : memref<128x128xf32, #tpu.memory_space<vmem>>)
      "tpu.region"() ({
        %run_scoped3A = tpu.sem_alloc : memref<!tpu.dma_semaphore, #tpu.memory_space<semaphore_mem>>
        %dma_start3A_23 = arith.constant 0 : i32
        %dma_start3A_24 = tpu.memref_slice %arg8[%add3A_12, %dma_start3A_23] : memref<79x128xi32, #tpu.memory_space<vmem>> -> memref<1x128xi32, #tpu.memory_space<vmem>>
        %dma_start3A_25 = tpu.memref_squeeze %dma_start3A_24 : memref<1x128xi32, #tpu.memory_space<vmem>> -> memref<128xi32, #tpu.memory_space<vmem>>
        %dma_start3A_26 = arith.constant 0 : i32
        %dma_start3A_27 = arith.constant 0 : i32
        %dma_start3A_28 = tpu.memref_slice %arg10[%dma_start3A_26, %dma_start3A_27] : memref<10112x128xf32, #tpu.memory_space<vmem_shared>> -> memref<10112x128xf32, #tpu.memory_space<vmem_shared>>
        tpu.enqueue_indirect_dma source(%arg9 : memref<128x128xf32, #tpu.memory_space<vmem>>) target(%dma_start3A_28 : memref<10112x128xf32, #tpu.memory_space<vmem_shared>>) offsets(%dma_start3A_25 : memref<128xi32, #tpu.memory_space<vmem>>) semaphore(%run_scoped3A : memref<!tpu.dma_semaphore, #tpu.memory_space<semaphore_mem>>) {add = true}
        %dma_wait3A_29 = arith.constant 0 : i32
        %dma_wait3A_30 = tpu.memref_slice %arg8[%add3A_12, %dma_wait3A_29] : memref<79x128xi32, #tpu.memory_space<vmem>> -> memref<1x128xi32, #tpu.memory_space<vmem>>
        %dma_wait3A_31 = tpu.memref_squeeze %dma_wait3A_30 : memref<1x128xi32, #tpu.memory_space<vmem>> -> memref<128xi32, #tpu.memory_space<vmem>>
        %dma_wait3A_32 = arith.constant 0 : i32
        %dma_wait3A_33 = arith.constant 0 : i32
        %dma_wait3A_34 = tpu.memref_slice %arg10[%dma_wait3A_32, %dma_wait3A_33] : memref<10112x128xf32, #tpu.memory_space<vmem_shared>> -> memref<10112x128xf32, #tpu.memory_space<vmem_shared>>
        tpu.wait_indirect_dma semaphore(%run_scoped3A : memref<!tpu.dma_semaphore, #tpu.memory_space<semaphore_mem>>) src(%arg9 : memref<128x128xf32, #tpu.memory_space<vmem>>) dst(%dma_wait3A_34 : memref<10112x128xf32, #tpu.memory_space<vmem_shared>>)
        tpu.yield
      }) : () -> ()
    }
    %scan3A_6 = arith.constant 79 : i32
    %barrier3A_7 = arith.constant 0 : index
    tpu.barrier barrier_id(%barrier3A_7)
    "tpu.region"() ({
      %run_scoped3A = tpu.sem_alloc : memref<!tpu.dma_semaphore, #tpu.memory_space<semaphore_mem>>
      %dma_start3A = arith.constant 0 : i32
      %dma_start3A_8 = tpu.memref_slice %arg6[%arg0, %mul3A_2, %dma_start3A] : memref<2x10112x128xf32, #tpu.memory_space<hbm>> -> memref<1x632x128xf32, #tpu.memory_space<hbm>>
      %dma_start3A_9 = tpu.memref_squeeze %dma_start3A_8 : memref<1x632x128xf32, #tpu.memory_space<hbm>> -> memref<632x128xf32, #tpu.memory_space<hbm>>
      %dma_start3A_10 = arith.constant 0 : i32
      %dma_start3A_11 = tpu.memref_slice %arg10[%mul3A_2, %dma_start3A_10] : memref<10112x128xf32, #tpu.memory_space<vmem_shared>> -> memref<632x128xf32, #tpu.memory_space<vmem_shared>>
      tpu.enqueue_dma source(%dma_start3A_11 : memref<632x128xf32, #tpu.memory_space<vmem_shared>>) target(%dma_start3A_9 : memref<632x128xf32, #tpu.memory_space<hbm>>) target_semaphore(%run_scoped3A : memref<!tpu.dma_semaphore, #tpu.memory_space<semaphore_mem>>)
      %dma_wait3A = arith.constant 0 : i32
      %dma_wait3A_12 = tpu.memref_slice %arg6[%arg0, %mul3A_2, %dma_wait3A] : memref<2x10112x128xf32, #tpu.memory_space<hbm>> -> memref<1x632x128xf32, #tpu.memory_space<hbm>>
      %dma_wait3A_13 = tpu.memref_squeeze %dma_wait3A_12 : memref<1x632x128xf32, #tpu.memory_space<hbm>> -> memref<632x128xf32, #tpu.memory_space<hbm>>
      %dma_wait3A_14 = arith.constant 0 : i32
      %dma_wait3A_15 = tpu.memref_slice %arg10[%mul3A_2, %dma_wait3A_14] : memref<10112x128xf32, #tpu.memory_space<vmem_shared>> -> memref<632x128xf32, #tpu.memory_space<vmem_shared>>
      tpu.wait_dma2 semaphore(%run_scoped3A : memref<!tpu.dma_semaphore, #tpu.memory_space<semaphore_mem>>) src(%dma_wait3A_15 : memref<632x128xf32, #tpu.memory_space<vmem_shared>>) dst(%dma_wait3A_13 : memref<632x128xf32, #tpu.memory_space<hbm>>)
      tpu.yield
    }) : () -> ()
    return
  }
}

#map = affine_map<(d0, d1) -> (0, 0)>
#map1 = affine_map<(d0, d1) -> (0, 0, 0)>
module attributes {stable_mosaic.version = 14 : i64} {
  func.func @body(%arg0: i32, %arg1: i32, %arg2: memref<10240x128xf32, #tpu.memory_space<hbm>>, %arg3: memref<32x5x64xi32, #tpu.memory_space<hbm>>, %arg4: memref<32x4x128xi32, #tpu.memory_space<hbm>>, %arg5: memref<10112x128xf32, #tpu.memory_space<hbm>>, %arg6: memref<2x1024x128xf32, #tpu.memory_space<hbm>>, %arg7: memref<32x1024xf32, #tpu.memory_space<hbm>>, %arg8: memref<5x64xi32, #tpu.memory_space<vmem>>, %arg9: memref<4x128xi32, #tpu.memory_space<vmem>>, %arg10: memref<64x128xf32, #tpu.memory_space<vmem>>, %arg11: memref<1024x128xf32, #tpu.memory_space<vmem_shared>>, %arg12: memref<!tpu.dma_semaphore, #tpu.memory_space<semaphore_mem>>, %arg13: memref<1024xf32, #tpu.memory_space<vmem>>) attributes {dimension_semantics = [#tpu.dimension_semantics<core_parallel>, #tpu.dimension_semantics<subcore_parallel>], iteration_bounds = array<i64: 2, 16>, scalar_prefetch = 0 : i64, scratch_operands = 6 : i64, tpu.core_type = #tpu.core_type<sc_vector_subcore>, window_params = [{transform_indices = #map}, {transform_indices = #map1}, {transform_indices = #map1}, {transform_indices = #map}, {transform_indices = #map1}, {transform_indices = #map}]} {
    %mul3A = arith.constant 16 : i32
    %mul3A_0 = arith.muli %arg0, %mul3A : i32
    %add3A = arith.addi %mul3A_0, %arg1 : i32
    %mul3A_1 = arith.constant 64 : i32
    %mul3A_2 = arith.muli %arg1, %mul3A_1 : i32
    "tpu.region"() ({
      %run_scoped3A = tpu.sem_alloc : memref<!tpu.dma_semaphore, #tpu.memory_space<semaphore_mem>>
      %dma_start3A = arith.constant 0 : i32
      %dma_start3A_20 = tpu.memref_slice %arg11[%mul3A_2, %dma_start3A] : memref<1024x128xf32, #tpu.memory_space<vmem_shared>> -> memref<64x128xf32, #tpu.memory_space<vmem_shared>>
      %dma_start3A_21 = arith.constant 0 : i32
      %dma_start3A_22 = tpu.memref_slice %arg5[%mul3A_2, %dma_start3A_21] : memref<10112x128xf32, #tpu.memory_space<hbm>> -> memref<64x128xf32, #tpu.memory_space<hbm>>
      tpu.enqueue_dma source(%dma_start3A_22 : memref<64x128xf32, #tpu.memory_space<hbm>>) target(%dma_start3A_20 : memref<64x128xf32, #tpu.memory_space<vmem_shared>>) target_semaphore(%run_scoped3A : memref<!tpu.dma_semaphore, #tpu.memory_space<semaphore_mem>>)
      %dma_wait3A = arith.constant 0 : i32
      %dma_wait3A_23 = tpu.memref_slice %arg11[%mul3A_2, %dma_wait3A] : memref<1024x128xf32, #tpu.memory_space<vmem_shared>> -> memref<64x128xf32, #tpu.memory_space<vmem_shared>>
      %dma_wait3A_24 = arith.constant 0 : i32
      %dma_wait3A_25 = tpu.memref_slice %arg5[%mul3A_2, %dma_wait3A_24] : memref<10112x128xf32, #tpu.memory_space<hbm>> -> memref<64x128xf32, #tpu.memory_space<hbm>>
      tpu.wait_dma2 semaphore(%run_scoped3A : memref<!tpu.dma_semaphore, #tpu.memory_space<semaphore_mem>>) src(%dma_wait3A_25 : memref<64x128xf32, #tpu.memory_space<hbm>>) dst(%dma_wait3A_23 : memref<64x128xf32, #tpu.memory_space<vmem_shared>>)
      tpu.yield
    }) : () -> ()
    %scan3A = arith.constant 0 : i32
    %scan3A_3 = arith.constant 64 : i32
    %scan3A_4 = arith.addi %scan3A, %scan3A_3 : i32
    %scan3A_5 = arith.constant 1 : i32
    scf.for %scan3A_20 = %scan3A to %scan3A_4 step %scan3A_5  : i32 {
      %mul3A_21 = arith.constant 16 : i32
      %mul3A_22 = arith.muli %scan3A_20, %mul3A_21 : i32
      %add3A_23 = arith.constant 0 : i32
      %add3A_24 = arith.addi %add3A_23, %mul3A_22 : i32
      %broadcast_in_dim3A = arith.constant 0.000000e+00 : f32
      %broadcast_in_dim3A_25 = vector.broadcast %broadcast_in_dim3A : f32 to vector<16xf32>
      %swap3A = arith.index_cast %add3A_24 : i32 to index
      %swap3A_26 = tpu.vector_load %arg13[%swap3A] {strides = array<i32>} : memref<1024xf32, #tpu.memory_space<vmem>>, vector<16xf32>,
      tpu.vector_store %arg13[%swap3A], %broadcast_in_dim3A_25 {strides = array<i32>} : memref<1024xf32, #tpu.memory_space<vmem>>, vector<16xf32>,
    }
    %scan3A_6 = arith.constant 64 : i32
    "tpu.region"() ({
      %run_scoped3A = tpu.sem_alloc : memref<!tpu.dma_semaphore, #tpu.memory_space<semaphore_mem>>
      %dma_start3A = arith.constant 0 : i32
      %dma_start3A_20 = arith.constant 0 : i32
      %dma_start3A_21 = tpu.memref_slice %arg3[%add3A, %dma_start3A, %dma_start3A_20] : memref<32x5x64xi32, #tpu.memory_space<hbm>> -> memref<1x5x64xi32, #tpu.memory_space<hbm>>
      %dma_start3A_22 = tpu.memref_squeeze %dma_start3A_21 : memref<1x5x64xi32, #tpu.memory_space<hbm>> -> memref<5x64xi32, #tpu.memory_space<hbm>>
      %dma_start3A_23 = arith.constant 0 : i32
      %dma_start3A_24 = arith.constant 0 : i32
      %dma_start3A_25 = tpu.memref_slice %arg3[%add3A, %dma_start3A_23, %dma_start3A_24] : memref<32x5x64xi32, #tpu.memory_space<hbm>> -> memref<1x5x64xi32, #tpu.memory_space<hbm>>
      %dma_start3A_26 = tpu.memref_squeeze %dma_start3A_25 : memref<1x5x64xi32, #tpu.memory_space<hbm>> -> memref<5x64xi32, #tpu.memory_space<hbm>>
      tpu.enqueue_dma source(%dma_start3A_26 : memref<5x64xi32, #tpu.memory_space<hbm>>) target(%arg8 : memref<5x64xi32, #tpu.memory_space<vmem>>) target_semaphore(%run_scoped3A : memref<!tpu.dma_semaphore, #tpu.memory_space<semaphore_mem>>)
      %dma_wait3A = arith.constant 0 : i32
      %dma_wait3A_27 = arith.constant 0 : i32
      %dma_wait3A_28 = tpu.memref_slice %arg3[%add3A, %dma_wait3A, %dma_wait3A_27] : memref<32x5x64xi32, #tpu.memory_space<hbm>> -> memref<1x5x64xi32, #tpu.memory_space<hbm>>
      %dma_wait3A_29 = tpu.memref_squeeze %dma_wait3A_28 : memref<1x5x64xi32, #tpu.memory_space<hbm>> -> memref<5x64xi32, #tpu.memory_space<hbm>>
      %dma_wait3A_30 = arith.constant 0 : i32
      %dma_wait3A_31 = arith.constant 0 : i32
      %dma_wait3A_32 = tpu.memref_slice %arg3[%add3A, %dma_wait3A_30, %dma_wait3A_31] : memref<32x5x64xi32, #tpu.memory_space<hbm>> -> memref<1x5x64xi32, #tpu.memory_space<hbm>>
      %dma_wait3A_33 = tpu.memref_squeeze %dma_wait3A_32 : memref<1x5x64xi32, #tpu.memory_space<hbm>> -> memref<5x64xi32, #tpu.memory_space<hbm>>
      tpu.wait_dma2 semaphore(%run_scoped3A : memref<!tpu.dma_semaphore, #tpu.memory_space<semaphore_mem>>) src(%dma_wait3A_33 : memref<5x64xi32, #tpu.memory_space<hbm>>) dst(%arg8 : memref<5x64xi32, #tpu.memory_space<vmem>>)
      tpu.yield
    }) : () -> ()
    "tpu.region"() ({
      %run_scoped3A = tpu.sem_alloc : memref<!tpu.dma_semaphore, #tpu.memory_space<semaphore_mem>>
      %dma_start3A = arith.constant 0 : i32
      %dma_start3A_20 = arith.constant 0 : i32
      %dma_start3A_21 = tpu.memref_slice %arg4[%add3A, %dma_start3A, %dma_start3A_20] : memref<32x4x128xi32, #tpu.memory_space<hbm>> -> memref<1x4x128xi32, #tpu.memory_space<hbm>>
      %dma_start3A_22 = tpu.memref_squeeze %dma_start3A_21 : memref<1x4x128xi32, #tpu.memory_space<hbm>> -> memref<4x128xi32, #tpu.memory_space<hbm>>
      %dma_start3A_23 = arith.constant 0 : i32
      %dma_start3A_24 = arith.constant 0 : i32
      %dma_start3A_25 = tpu.memref_slice %arg4[%add3A, %dma_start3A_23, %dma_start3A_24] : memref<32x4x128xi32, #tpu.memory_space<hbm>> -> memref<1x4x128xi32, #tpu.memory_space<hbm>>
      %dma_start3A_26 = tpu.memref_squeeze %dma_start3A_25 : memref<1x4x128xi32, #tpu.memory_space<hbm>> -> memref<4x128xi32, #tpu.memory_space<hbm>>
      tpu.enqueue_dma source(%dma_start3A_26 : memref<4x128xi32, #tpu.memory_space<hbm>>) target(%arg9 : memref<4x128xi32, #tpu.memory_space<vmem>>) target_semaphore(%run_scoped3A : memref<!tpu.dma_semaphore, #tpu.memory_space<semaphore_mem>>)
      %dma_wait3A = arith.constant 0 : i32
      %dma_wait3A_27 = arith.constant 0 : i32
      %dma_wait3A_28 = tpu.memref_slice %arg4[%add3A, %dma_wait3A, %dma_wait3A_27] : memref<32x4x128xi32, #tpu.memory_space<hbm>> -> memref<1x4x128xi32, #tpu.memory_space<hbm>>
      %dma_wait3A_29 = tpu.memref_squeeze %dma_wait3A_28 : memref<1x4x128xi32, #tpu.memory_space<hbm>> -> memref<4x128xi32, #tpu.memory_space<hbm>>
      %dma_wait3A_30 = arith.constant 0 : i32
      %dma_wait3A_31 = arith.constant 0 : i32
      %dma_wait3A_32 = tpu.memref_slice %arg4[%add3A, %dma_wait3A_30, %dma_wait3A_31] : memref<32x4x128xi32, #tpu.memory_space<hbm>> -> memref<1x4x128xi32, #tpu.memory_space<hbm>>
      %dma_wait3A_33 = tpu.memref_squeeze %dma_wait3A_32 : memref<1x4x128xi32, #tpu.memory_space<hbm>> -> memref<4x128xi32, #tpu.memory_space<hbm>>
      tpu.wait_dma2 semaphore(%run_scoped3A : memref<!tpu.dma_semaphore, #tpu.memory_space<semaphore_mem>>) src(%dma_wait3A_33 : memref<4x128xi32, #tpu.memory_space<hbm>>) dst(%arg9 : memref<4x128xi32, #tpu.memory_space<vmem>>)
      tpu.yield
    }) : () -> ()
    %barrier3A = arith.constant 0 : index
    tpu.barrier barrier_id(%barrier3A)
    %mul3A_7 = arith.constant 320 : i32
    %mul3A_8 = arith.muli %add3A, %mul3A_7 : i32
    %scan3A_9 = arith.constant 0 : i32
    %scan3A_10 = arith.constant 5 : i32
    %scan3A_11 = arith.addi %scan3A_9, %scan3A_10 : i32
    %scan3A_12 = arith.constant 1 : i32
    scf.for %scan3A_20 = %scan3A_9 to %scan3A_11 step %scan3A_12  : i32 {
      %mul3A_21 = arith.constant 1 : i32
      %mul3A_22 = arith.muli %scan3A_20, %mul3A_21 : i32
      %add3A_23 = arith.constant 0 : i32
      %add3A_24 = arith.addi %add3A_23, %mul3A_22 : i32
      %mul3A_25 = arith.constant 64 : i32
      %mul3A_26 = arith.muli %add3A_24, %mul3A_25 : i32
      %add3A_27 = arith.addi %mul3A_8, %mul3A_26 : i32
      "tpu.region"() ({
        %run_scoped3A = tpu.sem_alloc : memref<!tpu.dma_semaphore, #tpu.memory_space<semaphore_mem>>
        %dma_start3A = arith.constant 0 : i32
        %dma_start3A_28 = tpu.memref_slice %arg2[%add3A_27, %dma_start3A] : memref<10240x128xf32, #tpu.memory_space<hbm>> -> memref<64x128xf32, #tpu.memory_space<hbm>>
        %dma_start3A_29 = arith.constant 0 : i32
        %dma_start3A_30 = tpu.memref_slice %arg2[%add3A_27, %dma_start3A_29] : memref<10240x128xf32, #tpu.memory_space<hbm>> -> memref<64x128xf32, #tpu.memory_space<hbm>>
        tpu.enqueue_dma source(%dma_start3A_30 : memref<64x128xf32, #tpu.memory_space<hbm>>) target(%arg10 : memref<64x128xf32, #tpu.memory_space<vmem>>) target_semaphore(%run_scoped3A : memref<!tpu.dma_semaphore, #tpu.memory_space<semaphore_mem>>)
        %dma_wait3A = arith.constant 0 : i32
        %dma_wait3A_31 = tpu.memref_slice %arg2[%add3A_27, %dma_wait3A] : memref<10240x128xf32, #tpu.memory_space<hbm>> -> memref<64x128xf32, #tpu.memory_space<hbm>>
        %dma_wait3A_32 = arith.constant 0 : i32
        %dma_wait3A_33 = tpu.memref_slice %arg2[%add3A_27, %dma_wait3A_32] : memref<10240x128xf32, #tpu.memory_space<hbm>> -> memref<64x128xf32, #tpu.memory_space<hbm>>
        tpu.wait_dma2 semaphore(%run_scoped3A : memref<!tpu.dma_semaphore, #tpu.memory_space<semaphore_mem>>) src(%dma_wait3A_33 : memref<64x128xf32, #tpu.memory_space<hbm>>) dst(%arg10 : memref<64x128xf32, #tpu.memory_space<vmem>>)
        tpu.yield
      }) : () -> ()
      "tpu.region"() ({
        %run_scoped3A = tpu.sem_alloc : memref<!tpu.dma_semaphore, #tpu.memory_space<semaphore_mem>>
        %dma_start3A = arith.constant 0 : i32
        %dma_start3A_28 = tpu.memref_slice %arg8[%add3A_24, %dma_start3A] : memref<5x64xi32, #tpu.memory_space<vmem>> -> memref<1x64xi32, #tpu.memory_space<vmem>>
        %dma_start3A_29 = tpu.memref_squeeze %dma_start3A_28 : memref<1x64xi32, #tpu.memory_space<vmem>> -> memref<64xi32, #tpu.memory_space<vmem>>
        %dma_start3A_30 = arith.constant 0 : i32
        %dma_start3A_31 = arith.constant 0 : i32
        %dma_start3A_32 = tpu.memref_slice %arg11[%dma_start3A_30, %dma_start3A_31] : memref<1024x128xf32, #tpu.memory_space<vmem_shared>> -> memref<1024x128xf32, #tpu.memory_space<vmem_shared>>
        tpu.enqueue_indirect_dma source(%arg10 : memref<64x128xf32, #tpu.memory_space<vmem>>) target(%dma_start3A_32 : memref<1024x128xf32, #tpu.memory_space<vmem_shared>>) offsets(%dma_start3A_29 : memref<64xi32, #tpu.memory_space<vmem>>) semaphore(%run_scoped3A : memref<!tpu.dma_semaphore, #tpu.memory_space<semaphore_mem>>) {add = true}
        %dma_wait3A = arith.constant 0 : i32
        %dma_wait3A_33 = tpu.memref_slice %arg8[%add3A_24, %dma_wait3A] : memref<5x64xi32, #tpu.memory_space<vmem>> -> memref<1x64xi32, #tpu.memory_space<vmem>>
        %dma_wait3A_34 = tpu.memref_squeeze %dma_wait3A_33 : memref<1x64xi32, #tpu.memory_space<vmem>> -> memref<64xi32, #tpu.memory_space<vmem>>
        %dma_wait3A_35 = arith.constant 0 : i32
        %dma_wait3A_36 = arith.constant 0 : i32
        %dma_wait3A_37 = tpu.memref_slice %arg11[%dma_wait3A_35, %dma_wait3A_36] : memref<1024x128xf32, #tpu.memory_space<vmem_shared>> -> memref<1024x128xf32, #tpu.memory_space<vmem_shared>>
        tpu.wait_indirect_dma semaphore(%run_scoped3A : memref<!tpu.dma_semaphore, #tpu.memory_space<semaphore_mem>>) src(%arg10 : memref<64x128xf32, #tpu.memory_space<vmem>>) dst(%dma_wait3A_37 : memref<1024x128xf32, #tpu.memory_space<vmem_shared>>)
        tpu.yield
      }) : () -> ()
    }
    %scan3A_13 = arith.constant 5 : i32
    %scan3A_14 = arith.constant 0 : i32
    %scan3A_15 = arith.constant 4 : i32
    %scan3A_16 = arith.addi %scan3A_14, %scan3A_15 : i32
    %scan3A_17 = arith.constant 1 : i32
    scf.for %scan3A_20 = %scan3A_14 to %scan3A_16 step %scan3A_17  : i32 {
      %mul3A_21 = arith.constant 1 : i32
      %mul3A_22 = arith.muli %scan3A_20, %mul3A_21 : i32
      %add3A_23 = arith.constant 0 : i32
      %add3A_24 = arith.addi %add3A_23, %mul3A_22 : i32
      %scan3A_25 = arith.constant 0 : i32
      %scan3A_26 = arith.constant 8 : i32
      %scan3A_27 = arith.addi %scan3A_25, %scan3A_26 : i32
      %scan3A_28 = arith.constant 1 : i32
      scf.for %scan3A_30 = %scan3A_25 to %scan3A_27 step %scan3A_28  : i32 {
        %mul3A_31 = arith.constant 16 : i32
        %mul3A_32 = arith.muli %scan3A_30, %mul3A_31 : i32
        %add3A_33 = arith.constant 0 : i32
        %add3A_34 = arith.addi %add3A_33, %mul3A_32 : i32
        %get3A = arith.index_cast %add3A_24 : i32 to index
        %get3A_35 = arith.index_cast %add3A_34 : i32 to index
        %get3A_36 = tpu.vector_load %arg9[%get3A, %get3A_35] {strides = array<i32>} : memref<4x128xi32, #tpu.memory_space<vmem>>, vector<16xi32>,
        %broadcast_in_dim3A = arith.constant 1.000000e+00 : f32
        %broadcast_in_dim3A_37 = vector.broadcast %broadcast_in_dim3A : f32 to vector<16xf32>
        tpu.vector_store_idx %arg13[%get3A_36], %broadcast_in_dim3A_37 {add = true} : memref<1024xf32, #tpu.memory_space<vmem>>[vector<16xi32>], vector<16xf32>,
      }
      %scan3A_29 = arith.constant 8 : i32
    }
    %scan3A_18 = arith.constant 4 : i32
    %barrier3A_19 = arith.constant 0 : index
    tpu.barrier barrier_id(%barrier3A_19)
    "tpu.region"() ({
      %run_scoped3A = tpu.sem_alloc : memref<!tpu.dma_semaphore, #tpu.memory_space<semaphore_mem>>
      %dma_start3A = arith.constant 0 : i32
      %dma_start3A_20 = tpu.memref_slice %arg6[%arg0, %mul3A_2, %dma_start3A] : memref<2x1024x128xf32, #tpu.memory_space<hbm>> -> memref<1x64x128xf32, #tpu.memory_space<hbm>>
      %dma_start3A_21 = tpu.memref_squeeze %dma_start3A_20 : memref<1x64x128xf32, #tpu.memory_space<hbm>> -> memref<64x128xf32, #tpu.memory_space<hbm>>
      %dma_start3A_22 = arith.constant 0 : i32
      %dma_start3A_23 = tpu.memref_slice %arg11[%mul3A_2, %dma_start3A_22] : memref<1024x128xf32, #tpu.memory_space<vmem_shared>> -> memref<64x128xf32, #tpu.memory_space<vmem_shared>>
      tpu.enqueue_dma source(%dma_start3A_23 : memref<64x128xf32, #tpu.memory_space<vmem_shared>>) target(%dma_start3A_21 : memref<64x128xf32, #tpu.memory_space<hbm>>) target_semaphore(%run_scoped3A : memref<!tpu.dma_semaphore, #tpu.memory_space<semaphore_mem>>)
      %dma_wait3A = arith.constant 0 : i32
      %dma_wait3A_24 = tpu.memref_slice %arg6[%arg0, %mul3A_2, %dma_wait3A] : memref<2x1024x128xf32, #tpu.memory_space<hbm>> -> memref<1x64x128xf32, #tpu.memory_space<hbm>>
      %dma_wait3A_25 = tpu.memref_squeeze %dma_wait3A_24 : memref<1x64x128xf32, #tpu.memory_space<hbm>> -> memref<64x128xf32, #tpu.memory_space<hbm>>
      %dma_wait3A_26 = arith.constant 0 : i32
      %dma_wait3A_27 = tpu.memref_slice %arg11[%mul3A_2, %dma_wait3A_26] : memref<1024x128xf32, #tpu.memory_space<vmem_shared>> -> memref<64x128xf32, #tpu.memory_space<vmem_shared>>
      tpu.wait_dma2 semaphore(%run_scoped3A : memref<!tpu.dma_semaphore, #tpu.memory_space<semaphore_mem>>) src(%dma_wait3A_27 : memref<64x128xf32, #tpu.memory_space<vmem_shared>>) dst(%dma_wait3A_25 : memref<64x128xf32, #tpu.memory_space<hbm>>)
      tpu.yield
    }) : () -> ()
    "tpu.region"() ({
      %run_scoped3A = tpu.sem_alloc : memref<!tpu.dma_semaphore, #tpu.memory_space<semaphore_mem>>
      %dma_start3A = arith.constant 0 : i32
      %dma_start3A_20 = tpu.memref_slice %arg7[%add3A, %dma_start3A] : memref<32x1024xf32, #tpu.memory_space<hbm>> -> memref<1x1024xf32, #tpu.memory_space<hbm>>
      %dma_start3A_21 = tpu.memref_squeeze %dma_start3A_20 : memref<1x1024xf32, #tpu.memory_space<hbm>> -> memref<1024xf32, #tpu.memory_space<hbm>>
      %dma_start3A_22 = arith.constant 0 : i32
      %dma_start3A_23 = tpu.memref_slice %arg7[%add3A, %dma_start3A_22] : memref<32x1024xf32, #tpu.memory_space<hbm>> -> memref<1x1024xf32, #tpu.memory_space<hbm>>
      %dma_start3A_24 = tpu.memref_squeeze %dma_start3A_23 : memref<1x1024xf32, #tpu.memory_space<hbm>> -> memref<1024xf32, #tpu.memory_space<hbm>>
      tpu.enqueue_dma source(%arg13 : memref<1024xf32, #tpu.memory_space<vmem>>) target(%dma_start3A_24 : memref<1024xf32, #tpu.memory_space<hbm>>) target_semaphore(%run_scoped3A : memref<!tpu.dma_semaphore, #tpu.memory_space<semaphore_mem>>)
      %dma_wait3A = arith.constant 0 : i32
      %dma_wait3A_25 = tpu.memref_slice %arg7[%add3A, %dma_wait3A] : memref<32x1024xf32, #tpu.memory_space<hbm>> -> memref<1x1024xf32, #tpu.memory_space<hbm>>
      %dma_wait3A_26 = tpu.memref_squeeze %dma_wait3A_25 : memref<1x1024xf32, #tpu.memory_space<hbm>> -> memref<1024xf32, #tpu.memory_space<hbm>>
      %dma_wait3A_27 = arith.constant 0 : i32
      %dma_wait3A_28 = tpu.memref_slice %arg7[%add3A, %dma_wait3A_27] : memref<32x1024xf32, #tpu.memory_space<hbm>> -> memref<1x1024xf32, #tpu.memory_space<hbm>>
      %dma_wait3A_29 = tpu.memref_squeeze %dma_wait3A_28 : memref<1x1024xf32, #tpu.memory_space<hbm>> -> memref<1024xf32, #tpu.memory_space<hbm>>
      tpu.wait_dma2 semaphore(%run_scoped3A : memref<!tpu.dma_semaphore, #tpu.memory_space<semaphore_mem>>) src(%arg13 : memref<1024xf32, #tpu.memory_space<vmem>>) dst(%dma_wait3A_29 : memref<1024xf32, #tpu.memory_space<hbm>>)
      tpu.yield
    }) : () -> ()
    return
  }
}

#map = affine_map<(d0, d1) -> (0, 0)>
#map1 = affine_map<(d0, d1) -> (0, 0, 0)>
module attributes {stable_mosaic.version = 14 : i64} {
  func.func @body(%arg0: i32, %arg1: i32, %arg2: memref<10000x128xf32, #tpu.memory_space<hbm>>, %arg3: memref<32x79x128xi32, #tpu.memory_space<hbm>>, %arg4: memref<32x79x128xi32, #tpu.memory_space<hbm>>, %arg5: memref<10112x128xf32, #tpu.memory_space<hbm>>, %arg6: memref<2x10112x128xf32, #tpu.memory_space<hbm>>, %arg7: memref<32x10112xf32, #tpu.memory_space<hbm>>, %arg8: memref<79x128xi32, #tpu.memory_space<vmem>>, %arg9: memref<79x128xi32, #tpu.memory_space<vmem>>, %arg10: memref<128x128xf32, #tpu.memory_space<vmem>>, %arg11: memref<10112x128xf32, #tpu.memory_space<vmem_shared>>, %arg12: memref<!tpu.dma_semaphore, #tpu.memory_space<semaphore_mem>>, %arg13: memref<!tpu.dma_semaphore, #tpu.memory_space<semaphore_mem>>, %arg14: memref<10112xf32, #tpu.memory_space<vmem>>) attributes {dimension_semantics = [#tpu.dimension_semantics<core_parallel>, #tpu.dimension_semantics<subcore_parallel>], iteration_bounds = array<i64: 2, 16>, scalar_prefetch = 0 : i64, scratch_operands = 7 : i64, tpu.core_type = #tpu.core_type<sc_vector_subcore>, window_params = [{transform_indices = #map}, {transform_indices = #map1}, {transform_indices = #map1}, {transform_indices = #map}, {transform_indices = #map1}, {transform_indices = #map}]} {
    %mul3A = arith.constant 16 : i32
    %mul3A_0 = arith.muli %arg0, %mul3A : i32
    %add3A = arith.addi %mul3A_0, %arg1 : i32
    %mul3A_1 = arith.constant 632 : i32
    %mul3A_2 = arith.muli %arg1, %mul3A_1 : i32
    "tpu.region"() ({
      %run_scoped3A = tpu.sem_alloc : memref<!tpu.dma_semaphore, #tpu.memory_space<semaphore_mem>>
      %dma_start3A = arith.constant 0 : i32
      %dma_start3A_13 = tpu.memref_slice %arg11[%mul3A_2, %dma_start3A] : memref<10112x128xf32, #tpu.memory_space<vmem_shared>> -> memref<632x128xf32, #tpu.memory_space<vmem_shared>>
      %dma_start3A_14 = arith.constant 0 : i32
      %dma_start3A_15 = tpu.memref_slice %arg5[%mul3A_2, %dma_start3A_14] : memref<10112x128xf32, #tpu.memory_space<hbm>> -> memref<632x128xf32, #tpu.memory_space<hbm>>
      tpu.enqueue_dma source(%dma_start3A_15 : memref<632x128xf32, #tpu.memory_space<hbm>>) target(%dma_start3A_13 : memref<632x128xf32, #tpu.memory_space<vmem_shared>>) target_semaphore(%run_scoped3A : memref<!tpu.dma_semaphore, #tpu.memory_space<semaphore_mem>>)
      %dma_wait3A = arith.constant 0 : i32
      %dma_wait3A_16 = tpu.memref_slice %arg11[%mul3A_2, %dma_wait3A] : memref<10112x128xf32, #tpu.memory_space<vmem_shared>> -> memref<632x128xf32, #tpu.memory_space<vmem_shared>>
      %dma_wait3A_17 = arith.constant 0 : i32
      %dma_wait3A_18 = tpu.memref_slice %arg5[%mul3A_2, %dma_wait3A_17] : memref<10112x128xf32, #tpu.memory_space<hbm>> -> memref<632x128xf32, #tpu.memory_space<hbm>>
      tpu.wait_dma2 semaphore(%run_scoped3A : memref<!tpu.dma_semaphore, #tpu.memory_space<semaphore_mem>>) src(%dma_wait3A_18 : memref<632x128xf32, #tpu.memory_space<hbm>>) dst(%dma_wait3A_16 : memref<632x128xf32, #tpu.memory_space<vmem_shared>>)
      tpu.yield
    }) : () -> ()
    %scan3A = arith.constant 0 : i32
    %scan3A_3 = arith.constant 632 : i32
    %scan3A_4 = arith.addi %scan3A, %scan3A_3 : i32
    %scan3A_5 = arith.constant 1 : i32
    scf.for %scan3A_13 = %scan3A to %scan3A_4 step %scan3A_5  : i32 {
      %mul3A_14 = arith.constant 16 : i32
      %mul3A_15 = arith.muli %scan3A_13, %mul3A_14 : i32
      %add3A_16 = arith.constant 0 : i32
      %add3A_17 = arith.addi %add3A_16, %mul3A_15 : i32
      %broadcast_in_dim3A = arith.constant 0.000000e+00 : f32
      %broadcast_in_dim3A_18 = vector.broadcast %broadcast_in_dim3A : f32 to vector<16xf32>
      %swap3A = arith.index_cast %add3A_17 : i32 to index
      %swap3A_19 = tpu.vector_load %arg14[%swap3A] {strides = array<i32>} : memref<10112xf32, #tpu.memory_space<vmem>>, vector<16xf32>,
      tpu.vector_store %arg14[%swap3A], %broadcast_in_dim3A_18 {strides = array<i32>} : memref<10112xf32, #tpu.memory_space<vmem>>, vector<16xf32>,
    }
    %scan3A_6 = arith.constant 632 : i32
    "tpu.region"() ({
      %run_scoped3A = tpu.sem_alloc : memref<!tpu.dma_semaphore, #tpu.memory_space<semaphore_mem>>
      %dma_start3A = arith.constant 0 : i32
      %dma_start3A_13 = arith.constant 0 : i32
      %dma_start3A_14 = tpu.memref_slice %arg3[%add3A, %dma_start3A, %dma_start3A_13] : memref<32x79x128xi32, #tpu.memory_space<hbm>> -> memref<1x79x128xi32, #tpu.memory_space<hbm>>
      %dma_start3A_15 = tpu.memref_squeeze %dma_start3A_14 : memref<1x79x128xi32, #tpu.memory_space<hbm>> -> memref<79x128xi32, #tpu.memory_space<hbm>>
      %dma_start3A_16 = arith.constant 0 : i32
      %dma_start3A_17 = arith.constant 0 : i32
      %dma_start3A_18 = tpu.memref_slice %arg3[%add3A, %dma_start3A_16, %dma_start3A_17] : memref<32x79x128xi32, #tpu.memory_space<hbm>> -> memref<1x79x128xi32, #tpu.memory_space<hbm>>
      %dma_start3A_19 = tpu.memref_squeeze %dma_start3A_18 : memref<1x79x128xi32, #tpu.memory_space<hbm>> -> memref<79x128xi32, #tpu.memory_space<hbm>>
      tpu.enqueue_dma source(%dma_start3A_19 : memref<79x128xi32, #tpu.memory_space<hbm>>) target(%arg8 : memref<79x128xi32, #tpu.memory_space<vmem>>) target_semaphore(%run_scoped3A : memref<!tpu.dma_semaphore, #tpu.memory_space<semaphore_mem>>)
      %dma_wait3A = arith.constant 0 : i32
      %dma_wait3A_20 = arith.constant 0 : i32
      %dma_wait3A_21 = tpu.memref_slice %arg3[%add3A, %dma_wait3A, %dma_wait3A_20] : memref<32x79x128xi32, #tpu.memory_space<hbm>> -> memref<1x79x128xi32, #tpu.memory_space<hbm>>
      %dma_wait3A_22 = tpu.memref_squeeze %dma_wait3A_21 : memref<1x79x128xi32, #tpu.memory_space<hbm>> -> memref<79x128xi32, #tpu.memory_space<hbm>>
      %dma_wait3A_23 = arith.constant 0 : i32
      %dma_wait3A_24 = arith.constant 0 : i32
      %dma_wait3A_25 = tpu.memref_slice %arg3[%add3A, %dma_wait3A_23, %dma_wait3A_24] : memref<32x79x128xi32, #tpu.memory_space<hbm>> -> memref<1x79x128xi32, #tpu.memory_space<hbm>>
      %dma_wait3A_26 = tpu.memref_squeeze %dma_wait3A_25 : memref<1x79x128xi32, #tpu.memory_space<hbm>> -> memref<79x128xi32, #tpu.memory_space<hbm>>
      tpu.wait_dma2 semaphore(%run_scoped3A : memref<!tpu.dma_semaphore, #tpu.memory_space<semaphore_mem>>) src(%dma_wait3A_26 : memref<79x128xi32, #tpu.memory_space<hbm>>) dst(%arg8 : memref<79x128xi32, #tpu.memory_space<vmem>>)
      tpu.yield
    }) : () -> ()
    "tpu.region"() ({
      %run_scoped3A = tpu.sem_alloc : memref<!tpu.dma_semaphore, #tpu.memory_space<semaphore_mem>>
      %dma_start3A = arith.constant 0 : i32
      %dma_start3A_13 = arith.constant 0 : i32
      %dma_start3A_14 = tpu.memref_slice %arg4[%add3A, %dma_start3A, %dma_start3A_13] : memref<32x79x128xi32, #tpu.memory_space<hbm>> -> memref<1x79x128xi32, #tpu.memory_space<hbm>>
      %dma_start3A_15 = tpu.memref_squeeze %dma_start3A_14 : memref<1x79x128xi32, #tpu.memory_space<hbm>> -> memref<79x128xi32, #tpu.memory_space<hbm>>
      %dma_start3A_16 = arith.constant 0 : i32
      %dma_start3A_17 = arith.constant 0 : i32
      %dma_start3A_18 = tpu.memref_slice %arg4[%add3A, %dma_start3A_16, %dma_start3A_17] : memref<32x79x128xi32, #tpu.memory_space<hbm>> -> memref<1x79x128xi32, #tpu.memory_space<hbm>>
      %dma_start3A_19 = tpu.memref_squeeze %dma_start3A_18 : memref<1x79x128xi32, #tpu.memory_space<hbm>> -> memref<79x128xi32, #tpu.memory_space<hbm>>
      tpu.enqueue_dma source(%dma_start3A_19 : memref<79x128xi32, #tpu.memory_space<hbm>>) target(%arg9 : memref<79x128xi32, #tpu.memory_space<vmem>>) target_semaphore(%run_scoped3A : memref<!tpu.dma_semaphore, #tpu.memory_space<semaphore_mem>>)
      %dma_wait3A = arith.constant 0 : i32
      %dma_wait3A_20 = arith.constant 0 : i32
      %dma_wait3A_21 = tpu.memref_slice %arg4[%add3A, %dma_wait3A, %dma_wait3A_20] : memref<32x79x128xi32, #tpu.memory_space<hbm>> -> memref<1x79x128xi32, #tpu.memory_space<hbm>>
      %dma_wait3A_22 = tpu.memref_squeeze %dma_wait3A_21 : memref<1x79x128xi32, #tpu.memory_space<hbm>> -> memref<79x128xi32, #tpu.memory_space<hbm>>
      %dma_wait3A_23 = arith.constant 0 : i32
      %dma_wait3A_24 = arith.constant 0 : i32
      %dma_wait3A_25 = tpu.memref_slice %arg4[%add3A, %dma_wait3A_23, %dma_wait3A_24] : memref<32x79x128xi32, #tpu.memory_space<hbm>> -> memref<1x79x128xi32, #tpu.memory_space<hbm>>
      %dma_wait3A_26 = tpu.memref_squeeze %dma_wait3A_25 : memref<1x79x128xi32, #tpu.memory_space<hbm>> -> memref<79x128xi32, #tpu.memory_space<hbm>>
      tpu.wait_dma2 semaphore(%run_scoped3A : memref<!tpu.dma_semaphore, #tpu.memory_space<semaphore_mem>>) src(%dma_wait3A_26 : memref<79x128xi32, #tpu.memory_space<hbm>>) dst(%arg9 : memref<79x128xi32, #tpu.memory_space<vmem>>)
      tpu.yield
    }) : () -> ()
    %barrier3A = arith.constant 0 : index
    tpu.barrier barrier_id(%barrier3A)
    %scan3A_7 = arith.constant 0 : i32
    %scan3A_8 = arith.constant 79 : i32
    %scan3A_9 = arith.addi %scan3A_7, %scan3A_8 : i32
    %scan3A_10 = arith.constant 1 : i32
    scf.for %scan3A_13 = %scan3A_7 to %scan3A_9 step %scan3A_10  : i32 {
      %mul3A_14 = arith.constant 1 : i32
      %mul3A_15 = arith.muli %scan3A_13, %mul3A_14 : i32
      %add3A_16 = arith.constant 0 : i32
      %add3A_17 = arith.addi %add3A_16, %mul3A_15 : i32
      %dma_start3A = arith.constant 0 : i32
      %dma_start3A_18 = tpu.memref_slice %arg8[%add3A_17, %dma_start3A] : memref<79x128xi32, #tpu.memory_space<vmem>> -> memref<1x128xi32, #tpu.memory_space<vmem>>
      %dma_start3A_19 = tpu.memref_squeeze %dma_start3A_18 : memref<1x128xi32, #tpu.memory_space<vmem>> -> memref<128xi32, #tpu.memory_space<vmem>>
      %dma_start3A_20 = arith.constant 0 : i32
      %dma_start3A_21 = arith.constant 0 : i32
      %dma_start3A_22 = tpu.memref_slice %arg2[%dma_start3A_20, %dma_start3A_21] : memref<10000x128xf32, #tpu.memory_space<hbm>> -> memref<10000x128xf32, #tpu.memory_space<hbm>>
      tpu.enqueue_indirect_dma source(%dma_start3A_22 : memref<10000x128xf32, #tpu.memory_space<hbm>>) target(%arg10 : memref<128x128xf32, #tpu.memory_space<vmem>>) offsets(%dma_start3A_19 : memref<128xi32, #tpu.memory_space<vmem>>) semaphore(%arg12 : memref<!tpu.dma_semaphore, #tpu.memory_space<semaphore_mem>>)
      %dma_wait3A = arith.constant 0 : i32
      %dma_wait3A_23 = tpu.memref_slice %arg8[%add3A_17, %dma_wait3A] : memref<79x128xi32, #tpu.memory_space<vmem>> -> memref<1x128xi32, #tpu.memory_space<vmem>>
      %dma_wait3A_24 = tpu.memref_squeeze %dma_wait3A_23 : memref<1x128xi32, #tpu.memory_space<vmem>> -> memref<128xi32, #tpu.memory_space<vmem>>
      %dma_wait3A_25 = arith.constant 0 : i32
      %dma_wait3A_26 = arith.constant 0 : i32
      %dma_wait3A_27 = tpu.memref_slice %arg2[%dma_wait3A_25, %dma_wait3A_26] : memref<10000x128xf32, #tpu.memory_space<hbm>> -> memref<10000x128xf32, #tpu.memory_space<hbm>>
      tpu.wait_indirect_dma semaphore(%arg12 : memref<!tpu.dma_semaphore, #tpu.memory_space<semaphore_mem>>) src(%dma_wait3A_27 : memref<10000x128xf32, #tpu.memory_space<hbm>>) dst(%arg10 : memref<128x128xf32, #tpu.memory_space<vmem>>)
      %dma_start3A_28 = arith.constant 0 : i32
      %dma_start3A_29 = tpu.memref_slice %arg9[%add3A_17, %dma_start3A_28] : memref<79x128xi32, #tpu.memory_space<vmem>> -> memref<1x128xi32, #tpu.memory_space<vmem>>
      %dma_start3A_30 = tpu.memref_squeeze %dma_start3A_29 : memref<1x128xi32, #tpu.memory_space<vmem>> -> memref<128xi32, #tpu.memory_space<vmem>>
      %dma_start3A_31 = arith.constant 0 : i32
      %dma_start3A_32 = arith.constant 0 : i32
      %dma_start3A_33 = tpu.memref_slice %arg11[%dma_start3A_31, %dma_start3A_32] : memref<10112x128xf32, #tpu.memory_space<vmem_shared>> -> memref<10112x128xf32, #tpu.memory_space<vmem_shared>>
      tpu.enqueue_indirect_dma source(%arg10 : memref<128x128xf32, #tpu.memory_space<vmem>>) target(%dma_start3A_33 : memref<10112x128xf32, #tpu.memory_space<vmem_shared>>) offsets(%dma_start3A_30 : memref<128xi32, #tpu.memory_space<vmem>>) semaphore(%arg13 : memref<!tpu.dma_semaphore, #tpu.memory_space<semaphore_mem>>) {add = true}
      %scan3A_34 = arith.constant 0 : i32
      %scan3A_35 = arith.constant 8 : i32
      %scan3A_36 = arith.addi %scan3A_34, %scan3A_35 : i32
      %scan3A_37 = arith.constant 1 : i32
      scf.for %scan3A_45 = %scan3A_34 to %scan3A_36 step %scan3A_37  : i32 {
        %mul3A_46 = arith.constant 16 : i32
        %mul3A_47 = arith.muli %scan3A_45, %mul3A_46 : i32
        %add3A_48 = arith.constant 0 : i32
        %add3A_49 = arith.addi %add3A_48, %mul3A_47 : i32
        %get3A = arith.index_cast %add3A_17 : i32 to index
        %get3A_50 = arith.index_cast %add3A_49 : i32 to index
        %get3A_51 = tpu.vector_load %arg9[%get3A, %get3A_50] {strides = array<i32>} : memref<79x128xi32, #tpu.memory_space<vmem>>, vector<16xi32>,
        %broadcast_in_dim3A = arith.constant 1.000000e+00 : f32
        %broadcast_in_dim3A_52 = vector.broadcast %broadcast_in_dim3A : f32 to vector<16xf32>
        tpu.vector_store_idx %arg14[%get3A_51], %broadcast_in_dim3A_52 {add = true} : memref<10112xf32, #tpu.memory_space<vmem>>[vector<16xi32>], vector<16xf32>,
      }
      %scan3A_38 = arith.constant 8 : i32
      %dma_wait3A_39 = arith.constant 0 : i32
      %dma_wait3A_40 = tpu.memref_slice %arg9[%add3A_17, %dma_wait3A_39] : memref<79x128xi32, #tpu.memory_space<vmem>> -> memref<1x128xi32, #tpu.memory_space<vmem>>
      %dma_wait3A_41 = tpu.memref_squeeze %dma_wait3A_40 : memref<1x128xi32, #tpu.memory_space<vmem>> -> memref<128xi32, #tpu.memory_space<vmem>>
      %dma_wait3A_42 = arith.constant 0 : i32
      %dma_wait3A_43 = arith.constant 0 : i32
      %dma_wait3A_44 = tpu.memref_slice %arg11[%dma_wait3A_42, %dma_wait3A_43] : memref<10112x128xf32, #tpu.memory_space<vmem_shared>> -> memref<10112x128xf32, #tpu.memory_space<vmem_shared>>
      tpu.wait_indirect_dma semaphore(%arg13 : memref<!tpu.dma_semaphore, #tpu.memory_space<semaphore_mem>>) src(%arg10 : memref<128x128xf32, #tpu.memory_space<vmem>>) dst(%dma_wait3A_44 : memref<10112x128xf32, #tpu.memory_space<vmem_shared>>)
    }
    %scan3A_11 = arith.constant 79 : i32
    %barrier3A_12 = arith.constant 0 : index
    tpu.barrier barrier_id(%barrier3A_12)
    "tpu.region"() ({
      %run_scoped3A = tpu.sem_alloc : memref<!tpu.dma_semaphore, #tpu.memory_space<semaphore_mem>>
      %dma_start3A = arith.constant 0 : i32
      %dma_start3A_13 = tpu.memref_slice %arg6[%arg0, %mul3A_2, %dma_start3A] : memref<2x10112x128xf32, #tpu.memory_space<hbm>> -> memref<1x632x128xf32, #tpu.memory_space<hbm>>
      %dma_start3A_14 = tpu.memref_squeeze %dma_start3A_13 : memref<1x632x128xf32, #tpu.memory_space<hbm>> -> memref<632x128xf32, #tpu.memory_space<hbm>>
      %dma_start3A_15 = arith.constant 0 : i32
      %dma_start3A_16 = tpu.memref_slice %arg11[%mul3A_2, %dma_start3A_15] : memref<10112x128xf32, #tpu.memory_space<vmem_shared>> -> memref<632x128xf32, #tpu.memory_space<vmem_shared>>
      tpu.enqueue_dma source(%dma_start3A_16 : memref<632x128xf32, #tpu.memory_space<vmem_shared>>) target(%dma_start3A_14 : memref<632x128xf32, #tpu.memory_space<hbm>>) target_semaphore(%run_scoped3A : memref<!tpu.dma_semaphore, #tpu.memory_space<semaphore_mem>>)
      %dma_wait3A = arith.constant 0 : i32
      %dma_wait3A_17 = tpu.memref_slice %arg6[%arg0, %mul3A_2, %dma_wait3A] : memref<2x10112x128xf32, #tpu.memory_space<hbm>> -> memref<1x632x128xf32, #tpu.memory_space<hbm>>
      %dma_wait3A_18 = tpu.memref_squeeze %dma_wait3A_17 : memref<1x632x128xf32, #tpu.memory_space<hbm>> -> memref<632x128xf32, #tpu.memory_space<hbm>>
      %dma_wait3A_19 = arith.constant 0 : i32
      %dma_wait3A_20 = tpu.memref_slice %arg11[%mul3A_2, %dma_wait3A_19] : memref<10112x128xf32, #tpu.memory_space<vmem_shared>> -> memref<632x128xf32, #tpu.memory_space<vmem_shared>>
      tpu.wait_dma2 semaphore(%run_scoped3A : memref<!tpu.dma_semaphore, #tpu.memory_space<semaphore_mem>>) src(%dma_wait3A_20 : memref<632x128xf32, #tpu.memory_space<vmem_shared>>) dst(%dma_wait3A_18 : memref<632x128xf32, #tpu.memory_space<hbm>>)
      tpu.yield
    }) : () -> ()
    "tpu.region"() ({
      %run_scoped3A = tpu.sem_alloc : memref<!tpu.dma_semaphore, #tpu.memory_space<semaphore_mem>>
      %dma_start3A = arith.constant 0 : i32
      %dma_start3A_13 = tpu.memref_slice %arg7[%add3A, %dma_start3A] : memref<32x10112xf32, #tpu.memory_space<hbm>> -> memref<1x10112xf32, #tpu.memory_space<hbm>>
      %dma_start3A_14 = tpu.memref_squeeze %dma_start3A_13 : memref<1x10112xf32, #tpu.memory_space<hbm>> -> memref<10112xf32, #tpu.memory_space<hbm>>
      %dma_start3A_15 = arith.constant 0 : i32
      %dma_start3A_16 = tpu.memref_slice %arg7[%add3A, %dma_start3A_15] : memref<32x10112xf32, #tpu.memory_space<hbm>> -> memref<1x10112xf32, #tpu.memory_space<hbm>>
      %dma_start3A_17 = tpu.memref_squeeze %dma_start3A_16 : memref<1x10112xf32, #tpu.memory_space<hbm>> -> memref<10112xf32, #tpu.memory_space<hbm>>
      tpu.enqueue_dma source(%arg14 : memref<10112xf32, #tpu.memory_space<vmem>>) target(%dma_start3A_17 : memref<10112xf32, #tpu.memory_space<hbm>>) target_semaphore(%run_scoped3A : memref<!tpu.dma_semaphore, #tpu.memory_space<semaphore_mem>>)
      %dma_wait3A = arith.constant 0 : i32
      %dma_wait3A_18 = tpu.memref_slice %arg7[%add3A, %dma_wait3A] : memref<32x10112xf32, #tpu.memory_space<hbm>> -> memref<1x10112xf32, #tpu.memory_space<hbm>>
      %dma_wait3A_19 = tpu.memref_squeeze %dma_wait3A_18 : memref<1x10112xf32, #tpu.memory_space<hbm>> -> memref<10112xf32, #tpu.memory_space<hbm>>
      %dma_wait3A_20 = arith.constant 0 : i32
      %dma_wait3A_21 = tpu.memref_slice %arg7[%add3A, %dma_wait3A_20] : memref<32x10112xf32, #tpu.memory_space<hbm>> -> memref<1x10112xf32, #tpu.memory_space<hbm>>
      %dma_wait3A_22 = tpu.memref_squeeze %dma_wait3A_21 : memref<1x10112xf32, #tpu.memory_space<hbm>> -> memref<10112xf32, #tpu.memory_space<hbm>>
      tpu.wait_dma2 semaphore(%run_scoped3A : memref<!tpu.dma_semaphore, #tpu.memory_space<semaphore_mem>>) src(%arg14 : memref<10112xf32, #tpu.memory_space<vmem>>) dst(%dma_wait3A_22 : memref<10112xf32, #tpu.memory_space<hbm>>)
      tpu.yield
    }) : () -> ()
    return
  }
}

#map = affine_map<(d0, d1) -> (0, 0)>
#map1 = affine_map<(d0, d1) -> (0, 0, 0)>
module attributes {stable_mosaic.version = 14 : i64} {
  func.func @body(%arg0: i32, %arg1: i32, %arg2: memref<1000x128xf32, #tpu.memory_space<hbm>>, %arg3: memref<32x4x128xi32, #tpu.memory_space<hbm>>, %arg4: memref<32x4x128xi32, #tpu.memory_space<hbm>>, %arg5: memref<10112x128xf32, #tpu.memory_space<hbm>>, %arg6: memref<2x1024x128xf32, #tpu.memory_space<hbm>>, %arg7: memref<4x128xi32, #tpu.memory_space<vmem>>, %arg8: memref<4x128xi32, #tpu.memory_space<vmem>>, %arg9: memref<128x128xf32, #tpu.memory_space<vmem>>, %arg10: memref<1024x128xf32, #tpu.memory_space<vmem_shared>>, %arg11: memref<!tpu.dma_semaphore, #tpu.memory_space<semaphore_mem>>) attributes {dimension_semantics = [#tpu.dimension_semantics<core_parallel>, #tpu.dimension_semantics<subcore_parallel>], iteration_bounds = array<i64: 2, 16>, scalar_prefetch = 0 : i64, scratch_operands = 5 : i64, tpu.core_type = #tpu.core_type<sc_vector_subcore>, window_params = [{transform_indices = #map}, {transform_indices = #map1}, {transform_indices = #map1}, {transform_indices = #map}, {transform_indices = #map1}]} {
    %mul3A = arith.constant 16 : i32
    %mul3A_0 = arith.muli %arg0, %mul3A : i32
    %add3A = arith.addi %mul3A_0, %arg1 : i32
    %mul3A_1 = arith.constant 64 : i32
    %mul3A_2 = arith.muli %arg1, %mul3A_1 : i32
    "tpu.region"() ({
      %run_scoped3A = tpu.sem_alloc : memref<!tpu.dma_semaphore, #tpu.memory_space<semaphore_mem>>
      %dma_start3A = arith.constant 0 : i32
      %dma_start3A_8 = tpu.memref_slice %arg10[%mul3A_2, %dma_start3A] : memref<1024x128xf32, #tpu.memory_space<vmem_shared>> -> memref<64x128xf32, #tpu.memory_space<vmem_shared>>
      %dma_start3A_9 = arith.constant 0 : i32
      %dma_start3A_10 = tpu.memref_slice %arg5[%mul3A_2, %dma_start3A_9] : memref<10112x128xf32, #tpu.memory_space<hbm>> -> memref<64x128xf32, #tpu.memory_space<hbm>>
      tpu.enqueue_dma source(%dma_start3A_10 : memref<64x128xf32, #tpu.memory_space<hbm>>) target(%dma_start3A_8 : memref<64x128xf32, #tpu.memory_space<vmem_shared>>) target_semaphore(%run_scoped3A : memref<!tpu.dma_semaphore, #tpu.memory_space<semaphore_mem>>)
      %dma_wait3A = arith.constant 0 : i32
      %dma_wait3A_11 = tpu.memref_slice %arg10[%mul3A_2, %dma_wait3A] : memref<1024x128xf32, #tpu.memory_space<vmem_shared>> -> memref<64x128xf32, #tpu.memory_space<vmem_shared>>
      %dma_wait3A_12 = arith.constant 0 : i32
      %dma_wait3A_13 = tpu.memref_slice %arg5[%mul3A_2, %dma_wait3A_12] : memref<10112x128xf32, #tpu.memory_space<hbm>> -> memref<64x128xf32, #tpu.memory_space<hbm>>
      tpu.wait_dma2 semaphore(%run_scoped3A : memref<!tpu.dma_semaphore, #tpu.memory_space<semaphore_mem>>) src(%dma_wait3A_13 : memref<64x128xf32, #tpu.memory_space<hbm>>) dst(%dma_wait3A_11 : memref<64x128xf32, #tpu.memory_space<vmem_shared>>)
      tpu.yield
    }) : () -> ()
    "tpu.region"() ({
      %run_scoped3A = tpu.sem_alloc : memref<!tpu.dma_semaphore, #tpu.memory_space<semaphore_mem>>
      %dma_start3A = arith.constant 0 : i32
      %dma_start3A_8 = arith.constant 0 : i32
      %dma_start3A_9 = tpu.memref_slice %arg3[%add3A, %dma_start3A, %dma_start3A_8] : memref<32x4x128xi32, #tpu.memory_space<hbm>> -> memref<1x4x128xi32, #tpu.memory_space<hbm>>
      %dma_start3A_10 = tpu.memref_squeeze %dma_start3A_9 : memref<1x4x128xi32, #tpu.memory_space<hbm>> -> memref<4x128xi32, #tpu.memory_space<hbm>>
      %dma_start3A_11 = arith.constant 0 : i32
      %dma_start3A_12 = arith.constant 0 : i32
      %dma_start3A_13 = tpu.memref_slice %arg3[%add3A, %dma_start3A_11, %dma_start3A_12] : memref<32x4x128xi32, #tpu.memory_space<hbm>> -> memref<1x4x128xi32, #tpu.memory_space<hbm>>
      %dma_start3A_14 = tpu.memref_squeeze %dma_start3A_13 : memref<1x4x128xi32, #tpu.memory_space<hbm>> -> memref<4x128xi32, #tpu.memory_space<hbm>>
      tpu.enqueue_dma source(%dma_start3A_14 : memref<4x128xi32, #tpu.memory_space<hbm>>) target(%arg7 : memref<4x128xi32, #tpu.memory_space<vmem>>) target_semaphore(%run_scoped3A : memref<!tpu.dma_semaphore, #tpu.memory_space<semaphore_mem>>)
      %dma_wait3A = arith.constant 0 : i32
      %dma_wait3A_15 = arith.constant 0 : i32
      %dma_wait3A_16 = tpu.memref_slice %arg3[%add3A, %dma_wait3A, %dma_wait3A_15] : memref<32x4x128xi32, #tpu.memory_space<hbm>> -> memref<1x4x128xi32, #tpu.memory_space<hbm>>
      %dma_wait3A_17 = tpu.memref_squeeze %dma_wait3A_16 : memref<1x4x128xi32, #tpu.memory_space<hbm>> -> memref<4x128xi32, #tpu.memory_space<hbm>>
      %dma_wait3A_18 = arith.constant 0 : i32
      %dma_wait3A_19 = arith.constant 0 : i32
      %dma_wait3A_20 = tpu.memref_slice %arg3[%add3A, %dma_wait3A_18, %dma_wait3A_19] : memref<32x4x128xi32, #tpu.memory_space<hbm>> -> memref<1x4x128xi32, #tpu.memory_space<hbm>>
      %dma_wait3A_21 = tpu.memref_squeeze %dma_wait3A_20 : memref<1x4x128xi32, #tpu.memory_space<hbm>> -> memref<4x128xi32, #tpu.memory_space<hbm>>
      tpu.wait_dma2 semaphore(%run_scoped3A : memref<!tpu.dma_semaphore, #tpu.memory_space<semaphore_mem>>) src(%dma_wait3A_21 : memref<4x128xi32, #tpu.memory_space<hbm>>) dst(%arg7 : memref<4x128xi32, #tpu.memory_space<vmem>>)
      tpu.yield
    }) : () -> ()
    "tpu.region"() ({
      %run_scoped3A = tpu.sem_alloc : memref<!tpu.dma_semaphore, #tpu.memory_space<semaphore_mem>>
      %dma_start3A = arith.constant 0 : i32
      %dma_start3A_8 = arith.constant 0 : i32
      %dma_start3A_9 = tpu.memref_slice %arg4[%add3A, %dma_start3A, %dma_start3A_8] : memref<32x4x128xi32, #tpu.memory_space<hbm>> -> memref<1x4x128xi32, #tpu.memory_space<hbm>>
      %dma_start3A_10 = tpu.memref_squeeze %dma_start3A_9 : memref<1x4x128xi32, #tpu.memory_space<hbm>> -> memref<4x128xi32, #tpu.memory_space<hbm>>
      %dma_start3A_11 = arith.constant 0 : i32
      %dma_start3A_12 = arith.constant 0 : i32
      %dma_start3A_13 = tpu.memref_slice %arg4[%add3A, %dma_start3A_11, %dma_start3A_12] : memref<32x4x128xi32, #tpu.memory_space<hbm>> -> memref<1x4x128xi32, #tpu.memory_space<hbm>>
      %dma_start3A_14 = tpu.memref_squeeze %dma_start3A_13 : memref<1x4x128xi32, #tpu.memory_space<hbm>> -> memref<4x128xi32, #tpu.memory_space<hbm>>
      tpu.enqueue_dma source(%dma_start3A_14 : memref<4x128xi32, #tpu.memory_space<hbm>>) target(%arg8 : memref<4x128xi32, #tpu.memory_space<vmem>>) target_semaphore(%run_scoped3A : memref<!tpu.dma_semaphore, #tpu.memory_space<semaphore_mem>>)
      %dma_wait3A = arith.constant 0 : i32
      %dma_wait3A_15 = arith.constant 0 : i32
      %dma_wait3A_16 = tpu.memref_slice %arg4[%add3A, %dma_wait3A, %dma_wait3A_15] : memref<32x4x128xi32, #tpu.memory_space<hbm>> -> memref<1x4x128xi32, #tpu.memory_space<hbm>>
      %dma_wait3A_17 = tpu.memref_squeeze %dma_wait3A_16 : memref<1x4x128xi32, #tpu.memory_space<hbm>> -> memref<4x128xi32, #tpu.memory_space<hbm>>
      %dma_wait3A_18 = arith.constant 0 : i32
      %dma_wait3A_19 = arith.constant 0 : i32
      %dma_wait3A_20 = tpu.memref_slice %arg4[%add3A, %dma_wait3A_18, %dma_wait3A_19] : memref<32x4x128xi32, #tpu.memory_space<hbm>> -> memref<1x4x128xi32, #tpu.memory_space<hbm>>
      %dma_wait3A_21 = tpu.memref_squeeze %dma_wait3A_20 : memref<1x4x128xi32, #tpu.memory_space<hbm>> -> memref<4x128xi32, #tpu.memory_space<hbm>>
      tpu.wait_dma2 semaphore(%run_scoped3A : memref<!tpu.dma_semaphore, #tpu.memory_space<semaphore_mem>>) src(%dma_wait3A_21 : memref<4x128xi32, #tpu.memory_space<hbm>>) dst(%arg8 : memref<4x128xi32, #tpu.memory_space<vmem>>)
      tpu.yield
    }) : () -> ()
    %barrier3A = arith.constant 0 : index
    tpu.barrier barrier_id(%barrier3A)
    %scan3A = arith.constant 0 : i32
    %scan3A_3 = arith.constant 4 : i32
    %scan3A_4 = arith.addi %scan3A, %scan3A_3 : i32
    %scan3A_5 = arith.constant 1 : i32
    scf.for %scan3A_8 = %scan3A to %scan3A_4 step %scan3A_5  : i32 {
      %mul3A_9 = arith.constant 1 : i32
      %mul3A_10 = arith.muli %scan3A_8, %mul3A_9 : i32
      %add3A_11 = arith.constant 0 : i32
      %add3A_12 = arith.addi %add3A_11, %mul3A_10 : i32
      %dma_start3A = arith.constant 0 : i32
      %dma_start3A_13 = tpu.memref_slice %arg7[%add3A_12, %dma_start3A] : memref<4x128xi32, #tpu.memory_space<vmem>> -> memref<1x128xi32, #tpu.memory_space<vmem>>
      %dma_start3A_14 = tpu.memref_squeeze %dma_start3A_13 : memref<1x128xi32, #tpu.memory_space<vmem>> -> memref<128xi32, #tpu.memory_space<vmem>>
      %dma_start3A_15 = arith.constant 0 : i32
      %dma_start3A_16 = arith.constant 0 : i32
      %dma_start3A_17 = tpu.memref_slice %arg2[%dma_start3A_15, %dma_start3A_16] : memref<1000x128xf32, #tpu.memory_space<hbm>> -> memref<1000x128xf32, #tpu.memory_space<hbm>>
      tpu.enqueue_indirect_dma source(%dma_start3A_17 : memref<1000x128xf32, #tpu.memory_space<hbm>>) target(%arg9 : memref<128x128xf32, #tpu.memory_space<vmem>>) offsets(%dma_start3A_14 : memref<128xi32, #tpu.memory_space<vmem>>) semaphore(%arg11 : memref<!tpu.dma_semaphore, #tpu.memory_space<semaphore_mem>>)
      %dma_wait3A = arith.constant 0 : i32
      %dma_wait3A_18 = tpu.memref_slice %arg7[%add3A_12, %dma_wait3A] : memref<4x128xi32, #tpu.memory_space<vmem>> -> memref<1x128xi32, #tpu.memory_space<vmem>>
      %dma_wait3A_19 = tpu.memref_squeeze %dma_wait3A_18 : memref<1x128xi32, #tpu.memory_space<vmem>> -> memref<128xi32, #tpu.memory_space<vmem>>
      %dma_wait3A_20 = arith.constant 0 : i32
      %dma_wait3A_21 = arith.constant 0 : i32
      %dma_wait3A_22 = tpu.memref_slice %arg2[%dma_wait3A_20, %dma_wait3A_21] : memref<1000x128xf32, #tpu.memory_space<hbm>> -> memref<1000x128xf32, #tpu.memory_space<hbm>>
      tpu.wait_indirect_dma semaphore(%arg11 : memref<!tpu.dma_semaphore, #tpu.memory_space<semaphore_mem>>) src(%dma_wait3A_22 : memref<1000x128xf32, #tpu.memory_space<hbm>>) dst(%arg9 : memref<128x128xf32, #tpu.memory_space<vmem>>)
      "tpu.region"() ({
        %run_scoped3A = tpu.sem_alloc : memref<!tpu.dma_semaphore, #tpu.memory_space<semaphore_mem>>
        %dma_start3A_23 = arith.constant 0 : i32
        %dma_start3A_24 = tpu.memref_slice %arg8[%add3A_12, %dma_start3A_23] : memref<4x128xi32, #tpu.memory_space<vmem>> -> memref<1x128xi32, #tpu.memory_space<vmem>>
        %dma_start3A_25 = tpu.memref_squeeze %dma_start3A_24 : memref<1x128xi32, #tpu.memory_space<vmem>> -> memref<128xi32, #tpu.memory_space<vmem>>
        %dma_start3A_26 = arith.constant 0 : i32
        %dma_start3A_27 = arith.constant 0 : i32
        %dma_start3A_28 = tpu.memref_slice %arg10[%dma_start3A_26, %dma_start3A_27] : memref<1024x128xf32, #tpu.memory_space<vmem_shared>> -> memref<1024x128xf32, #tpu.memory_space<vmem_shared>>
        tpu.enqueue_indirect_dma source(%arg9 : memref<128x128xf32, #tpu.memory_space<vmem>>) target(%dma_start3A_28 : memref<1024x128xf32, #tpu.memory_space<vmem_shared>>) offsets(%dma_start3A_25 : memref<128xi32, #tpu.memory_space<vmem>>) semaphore(%run_scoped3A : memref<!tpu.dma_semaphore, #tpu.memory_space<semaphore_mem>>) {add = true}
        %dma_wait3A_29 = arith.constant 0 : i32
        %dma_wait3A_30 = tpu.memref_slice %arg8[%add3A_12, %dma_wait3A_29] : memref<4x128xi32, #tpu.memory_space<vmem>> -> memref<1x128xi32, #tpu.memory_space<vmem>>
        %dma_wait3A_31 = tpu.memref_squeeze %dma_wait3A_30 : memref<1x128xi32, #tpu.memory_space<vmem>> -> memref<128xi32, #tpu.memory_space<vmem>>
        %dma_wait3A_32 = arith.constant 0 : i32
        %dma_wait3A_33 = arith.constant 0 : i32
        %dma_wait3A_34 = tpu.memref_slice %arg10[%dma_wait3A_32, %dma_wait3A_33] : memref<1024x128xf32, #tpu.memory_space<vmem_shared>> -> memref<1024x128xf32, #tpu.memory_space<vmem_shared>>
        tpu.wait_indirect_dma semaphore(%run_scoped3A : memref<!tpu.dma_semaphore, #tpu.memory_space<semaphore_mem>>) src(%arg9 : memref<128x128xf32, #tpu.memory_space<vmem>>) dst(%dma_wait3A_34 : memref<1024x128xf32, #tpu.memory_space<vmem_shared>>)
        tpu.yield
      }) : () -> ()
    }
    %scan3A_6 = arith.constant 4 : i32
    %barrier3A_7 = arith.constant 0 : index
    tpu.barrier barrier_id(%barrier3A_7)
    "tpu.region"() ({
      %run_scoped3A = tpu.sem_alloc : memref<!tpu.dma_semaphore, #tpu.memory_space<semaphore_mem>>
      %dma_start3A = arith.constant 0 : i32
      %dma_start3A_8 = tpu.memref_slice %arg6[%arg0, %mul3A_2, %dma_start3A] : memref<2x1024x128xf32, #tpu.memory_space<hbm>> -> memref<1x64x128xf32, #tpu.memory_space<hbm>>
      %dma_start3A_9 = tpu.memref_squeeze %dma_start3A_8 : memref<1x64x128xf32, #tpu.memory_space<hbm>> -> memref<64x128xf32, #tpu.memory_space<hbm>>
      %dma_start3A_10 = arith.constant 0 : i32
      %dma_start3A_11 = tpu.memref_slice %arg10[%mul3A_2, %dma_start3A_10] : memref<1024x128xf32, #tpu.memory_space<vmem_shared>> -> memref<64x128xf32, #tpu.memory_space<vmem_shared>>
      tpu.enqueue_dma source(%dma_start3A_11 : memref<64x128xf32, #tpu.memory_space<vmem_shared>>) target(%dma_start3A_9 : memref<64x128xf32, #tpu.memory_space<hbm>>) target_semaphore(%run_scoped3A : memref<!tpu.dma_semaphore, #tpu.memory_space<semaphore_mem>>)
      %dma_wait3A = arith.constant 0 : i32
      %dma_wait3A_12 = tpu.memref_slice %arg6[%arg0, %mul3A_2, %dma_wait3A] : memref<2x1024x128xf32, #tpu.memory_space<hbm>> -> memref<1x64x128xf32, #tpu.memory_space<hbm>>
      %dma_wait3A_13 = tpu.memref_squeeze %dma_wait3A_12 : memref<1x64x128xf32, #tpu.memory_space<hbm>> -> memref<64x128xf32, #tpu.memory_space<hbm>>
      %dma_wait3A_14 = arith.constant 0 : i32
      %dma_wait3A_15 = tpu.memref_slice %arg10[%mul3A_2, %dma_wait3A_14] : memref<1024x128xf32, #tpu.memory_space<vmem_shared>> -> memref<64x128xf32, #tpu.memory_space<vmem_shared>>
      tpu.wait_dma2 semaphore(%run_scoped3A : memref<!tpu.dma_semaphore, #tpu.memory_space<semaphore_mem>>) src(%dma_wait3A_15 : memref<64x128xf32, #tpu.memory_space<vmem_shared>>) dst(%dma_wait3A_13 : memref<64x128xf32, #tpu.memory_space<hbm>>)
      tpu.yield
    }) : () -> ()
    return
  }
}

module attributes {stable_mosaic.version = 14 : i64} {
  func.func @_mm_body(%arg0: memref<10000x128xf32, #tpu.memory_space<vmem>>, %arg1: memref<128x128xf32, #tpu.memory_space<vmem>>, %arg2: memref<10000x128xf32, #tpu.memory_space<vmem>>) attributes {dimension_semantics = [], scalar_prefetch = 0 : i64, scratch_operands = 0 : i64, tpu.core_type = #tpu.core_type<tc>} {
    %get3A = arith.constant 0 : index
    %get3A_0 = arith.constant 0 : index
    %get3A_1 = vector.load %arg0[%get3A, %get3A_0] : memref<10000x128xf32, #tpu.memory_space<vmem>>, vector<10000x128xf32>
    %get3A_2 = arith.constant 0 : index
    %get3A_3 = arith.constant 0 : index
    %get3A_4 = vector.load %arg1[%get3A_2, %get3A_3] : memref<128x128xf32, #tpu.memory_space<vmem>>, vector<128x128xf32>
    %dot_general3A = arith.constant dense<0.000000e+00> : vector<10000x128xf32>
    %dot_general3A_5 = tpu.matmul %get3A_1, %get3A_4, %dot_general3A {dimension_numbers = #tpu.dot_dimension_numbers<[1], [0], [0], [1], [0, 0, 1, 1], [], []>, transpose_lhs_hint = false} : vector<10000x128xf32>, vector<128x128xf32>, vector<10000x128xf32> -> vector<10000x128xf32>
    %swap3A = arith.constant 0 : index
    %swap3A_6 = arith.constant 0 : index
    %swap3A_7 = vector.load %arg2[%swap3A, %swap3A_6] : memref<10000x128xf32, #tpu.memory_space<vmem>>, vector<10000x128xf32>
    tpu.vector_store %arg2[%swap3A, %swap3A_6], %dot_general3A_5 {strides = array<i32>} : memref<10000x128xf32, #tpu.memory_space<vmem>>, vector<10000x128xf32>,
    return
  }
}

module attributes {stable_mosaic.version = 14 : i64} {
  func.func @body(%arg0: memref<2x10112x128xf32, #tpu.memory_space<vmem>>, %arg1: memref<32x10112xf32, #tpu.memory_space<vmem>>, %arg2: memref<128x128xf32, #tpu.memory_space<vmem>>, %arg3: memref<5x128xf32, #tpu.memory_space<vmem>>, %arg4: memref<10000x128xf32, #tpu.memory_space<vmem>>) attributes {dimension_semantics = [], scalar_prefetch = 0 : i64, scratch_operands = 0 : i64, tpu.core_type = #tpu.core_type<tc>} {
    %get3A = arith.constant 0 : index
    %get3A_0 = arith.constant 0 : index
    %get3A_1 = arith.constant 0 : index
    %get3A_2 = vector.load %arg0[%get3A, %get3A_0, %get3A_1] : memref<2x10112x128xf32, #tpu.memory_space<vmem>>, vector<1x10000x128xf32>
    %get3A_3 = vector.shape_cast %get3A_2 : vector<1x10000x128xf32> to vector<10000x128xf32>
    %get3A_4 = arith.constant 1 : index
    %get3A_5 = arith.constant 0 : index
    %get3A_6 = arith.constant 0 : index
    %get3A_7 = vector.load %arg0[%get3A_4, %get3A_5, %get3A_6] : memref<2x10112x128xf32, #tpu.memory_space<vmem>>, vector<1x10000x128xf32>
    %get3A_8 = vector.shape_cast %get3A_7 : vector<1x10000x128xf32> to vector<10000x128xf32>
    %add3A = arith.addf %get3A_3, %get3A_8 : vector<10000x128xf32>
    %get3A_9 = arith.constant 0 : index
    %get3A_10 = arith.constant 0 : index
    %get3A_11 = vector.load %arg1[%get3A_9, %get3A_10] : memref<32x10112xf32, #tpu.memory_space<vmem>>, vector<32x10112xf32>
    %reduce_sum3A = arith.constant dense<0.000000e+00> : vector<10112xf32>
    %reduce_sum3A_12 = vector.multi_reduction <add>, %get3A_11, %reduce_sum3A [0] : vector<32x10112xf32> to vector<10112xf32>
    %slice3A = vector.extract_strided_slice %reduce_sum3A_12 {offsets = [0], sizes = [10000], strides = [1]} : vector<10112xf32> to vector<10000xf32>
    %max3A = arith.constant 1.000000e+00 : f32
    %max3A_13 = vector.broadcast %max3A : f32 to vector<10000xf32>
    %max3A_14 = arith.maximumf %slice3A, %max3A_13 : vector<10000xf32>
    %broadcast_in_dim3A = vector.shape_cast %max3A_14 : vector<10000xf32> to vector<10000x1xf32>
    %div3A = vector.broadcast %broadcast_in_dim3A : vector<10000x1xf32> to vector<10000x128xf32>
    %div3A_15 = arith.divf %add3A, %div3A : vector<10000x128xf32>
    %get3A_16 = arith.constant 0 : index
    %get3A_17 = arith.constant 0 : index
    %get3A_18 = vector.load %arg3[%get3A_16, %get3A_17] : memref<5x128xf32, #tpu.memory_space<vmem>>, vector<1x128xf32>
    %get3A_19 = vector.shape_cast %get3A_18 : vector<1x128xf32> to vector<128xf32>
    %broadcast_in_dim3A_20 = vector.shape_cast %get3A_19 : vector<128xf32> to vector<1x128xf32>
    %add3A_21 = vector.broadcast %broadcast_in_dim3A_20 : vector<1x128xf32> to vector<10000x128xf32>
    %add3A_22 = arith.addf %div3A_15, %add3A_21 : vector<10000x128xf32>
    %get3A_23 = arith.constant 1 : index
    %get3A_24 = arith.constant 0 : index
    %get3A_25 = vector.load %arg3[%get3A_23, %get3A_24] : memref<5x128xf32, #tpu.memory_space<vmem>>, vector<1x128xf32>
    %get3A_26 = vector.shape_cast %get3A_25 : vector<1x128xf32> to vector<128xf32>
    %broadcast_in_dim3A_27 = vector.shape_cast %get3A_26 : vector<128xf32> to vector<1x128xf32>
    %get3A_28 = arith.constant 3 : index
    %get3A_29 = arith.constant 0 : index
    %get3A_30 = vector.load %arg3[%get3A_28, %get3A_29] : memref<5x128xf32, #tpu.memory_space<vmem>>, vector<1x128xf32>
    %get3A_31 = vector.shape_cast %get3A_30 : vector<1x128xf32> to vector<128xf32>
    %broadcast_in_dim3A_32 = vector.shape_cast %get3A_31 : vector<128xf32> to vector<1x128xf32>
    %get3A_33 = arith.constant 4 : index
    %get3A_34 = arith.constant 0 : index
    %get3A_35 = vector.load %arg3[%get3A_33, %get3A_34] : memref<5x128xf32, #tpu.memory_space<vmem>>, vector<1x128xf32>
    %get3A_36 = vector.shape_cast %get3A_35 : vector<1x128xf32> to vector<128xf32>
    %broadcast_in_dim3A_37 = vector.shape_cast %get3A_36 : vector<128xf32> to vector<1x128xf32>
    %reduce_sum3A_38 = arith.constant dense<0.000000e+00> : vector<128xf32>
    %reduce_sum3A_39 = vector.multi_reduction <add>, %add3A_22, %reduce_sum3A_38 [0] : vector<10000x128xf32> to vector<128xf32>
    %broadcast_in_dim3A_40 = vector.shape_cast %reduce_sum3A_39 : vector<128xf32> to vector<1x128xf32>
    %div3A_41 = arith.constant 1.000000e+04 : f32
    %div3A_42 = vector.broadcast %div3A_41 : f32 to vector<1x128xf32>
    %div3A_43 = arith.divf %broadcast_in_dim3A_40, %div3A_42 : vector<1x128xf32>
    %sub3A = vector.broadcast %div3A_43 : vector<1x128xf32> to vector<10000x128xf32>
    %sub3A_44 = arith.subf %add3A_22, %sub3A : vector<10000x128xf32>
    %integer_pow3A = arith.mulf %sub3A_44, %sub3A_44 : vector<10000x128xf32>
    %reduce_sum3A_45 = arith.constant dense<0.000000e+00> : vector<128xf32>
    %reduce_sum3A_46 = vector.multi_reduction <add>, %integer_pow3A, %reduce_sum3A_45 [0] : vector<10000x128xf32> to vector<128xf32>
    %broadcast_in_dim3A_47 = vector.shape_cast %reduce_sum3A_46 : vector<128xf32> to vector<1x128xf32>
    %div3A_48 = arith.constant 1.000000e+04 : f32
    %div3A_49 = vector.broadcast %div3A_48 : f32 to vector<1x128xf32>
    %div3A_50 = arith.divf %broadcast_in_dim3A_47, %div3A_49 : vector<1x128xf32>
    %add3A_51 = arith.constant 9.99999974E-6 : f32
    %add3A_52 = vector.broadcast %add3A_51 : f32 to vector<1x128xf32>
    %add3A_53 = arith.addf %div3A_50, %add3A_52 : vector<1x128xf32>
    %sqrt3A = math.sqrt %add3A_53 : vector<1x128xf32>
    %mul3A = arith.mulf %broadcast_in_dim3A_27, %broadcast_in_dim3A_27 : vector<1x128xf32>
    %mul3A_54 = arith.mulf %mul3A, %div3A_50 : vector<1x128xf32>
    %add3A_55 = arith.constant 9.99999974E-6 : f32
    %add3A_56 = vector.broadcast %add3A_55 : f32 to vector<1x128xf32>
    %add3A_57 = arith.addf %div3A_50, %add3A_56 : vector<1x128xf32>
    %div3A_58 = arith.divf %mul3A_54, %add3A_57 : vector<1x128xf32>
    %add3A_59 = arith.constant 9.99999974E-6 : f32
    %add3A_60 = vector.broadcast %add3A_59 : f32 to vector<1x128xf32>
    %add3A_61 = arith.addf %div3A_58, %add3A_60 : vector<1x128xf32>
    %sqrt3A_62 = math.sqrt %add3A_61 : vector<1x128xf32>
    %sub3A_63 = vector.broadcast %div3A_43 : vector<1x128xf32> to vector<10000x128xf32>
    %sub3A_64 = arith.subf %add3A_22, %sub3A_63 : vector<10000x128xf32>
    %mul3A_65 = arith.mulf %broadcast_in_dim3A_27, %broadcast_in_dim3A_32 : vector<1x128xf32>
    %mul3A_66 = arith.mulf %sqrt3A, %sqrt3A_62 : vector<1x128xf32>
    %div3A_67 = arith.divf %mul3A_65, %mul3A_66 : vector<1x128xf32>
    %mul3A_68 = vector.broadcast %div3A_67 : vector<1x128xf32> to vector<10000x128xf32>
    %mul3A_69 = arith.mulf %sub3A_64, %mul3A_68 : vector<10000x128xf32>
    %add3A_70 = vector.broadcast %broadcast_in_dim3A_37 : vector<1x128xf32> to vector<10000x128xf32>
    %add3A_71 = arith.addf %mul3A_69, %add3A_70 : vector<10000x128xf32>
    %max3A_72 = arith.constant 0.000000e+00 : f32
    %max3A_73 = vector.broadcast %max3A_72 : f32 to vector<10000x128xf32>
    %max3A_74 = arith.maximumf %add3A_71, %max3A_73 : vector<10000x128xf32>
    %get3A_75 = arith.constant 0 : index
    %get3A_76 = arith.constant 0 : index
    %get3A_77 = vector.load %arg2[%get3A_75, %get3A_76] : memref<128x128xf32, #tpu.memory_space<vmem>>, vector<128x128xf32>
    %dot_general3A = arith.constant dense<0.000000e+00> : vector<10000x128xf32>
    %dot_general3A_78 = tpu.matmul %max3A_74, %get3A_77, %dot_general3A {dimension_numbers = #tpu.dot_dimension_numbers<[1], [0], [0], [1], [0, 0, 1, 1], [], []>, transpose_lhs_hint = false} : vector<10000x128xf32>, vector<128x128xf32>, vector<10000x128xf32> -> vector<10000x128xf32>
    %swap3A = arith.constant 0 : index
    %swap3A_79 = arith.constant 0 : index
    %swap3A_80 = vector.load %arg4[%swap3A, %swap3A_79] : memref<10000x128xf32, #tpu.memory_space<vmem>>, vector<10000x128xf32>
    tpu.vector_store %arg4[%swap3A, %swap3A_79], %dot_general3A_78 {strides = array<i32>} : memref<10000x128xf32, #tpu.memory_space<vmem>>, vector<10000x128xf32>,
    return
  }
}

module attributes {stable_mosaic.version = 14 : i64} {
  func.func @_argmax_body(%arg0: i32, %arg1: memref<2000x1000xf32, #tpu.memory_space<vmem>>, %arg2: memref<2000x1xi32, #tpu.memory_space<vmem>>) attributes {dimension_semantics = [#tpu.dimension_semantics<arbitrary>], iteration_bounds = array<i64: 5>, scalar_prefetch = 0 : i64, scratch_operands = 0 : i64, tpu.core_type = #tpu.core_type<tc>, window_params = [{transform_indices = @transform_0, window_bounds = array<i64: 2000, 1000>}, {transform_indices = @transform_1, window_bounds = array<i64: 2000, 1>}]} {
    %get3A = arith.constant 0 : index
    %get3A_0 = arith.constant 0 : index
    %get3A_1 = vector.load %arg1[%get3A, %get3A_0] : memref<2000x1000xf32, #tpu.memory_space<vmem>>, vector<2000x1000xf32>
    %reduce_max3A = arith.constant dense<0xFF800000> : vector<2000xf32>
    %reduce_max3A_2 = vector.multi_reduction <maximumf>, %get3A_1, %reduce_max3A [1] : vector<2000x1000xf32> to vector<2000xf32>
    %broadcast_in_dim3A = vector.shape_cast %reduce_max3A_2 : vector<2000xf32> to vector<2000x1xf32>
    %iota3A = tpu.iota {dimensions = array<i32: 1>} : vector<2000x1000xi32>
    %eq3A = vector.broadcast %broadcast_in_dim3A : vector<2000x1xf32> to vector<2000x1000xf32>
    %eq3A_3 = arith.cmpf oeq, %get3A_1, %eq3A : vector<2000x1000xf32>
    %jit3A = arith.constant 1073741824 : i32
    %broadcast_in_dim3A_4 = vector.broadcast %jit3A : i32 to vector<2000x1000xi32>
    %select_n3A = arith.select %eq3A_3, %iota3A, %broadcast_in_dim3A_4 : vector<2000x1000xi1>, vector<2000x1000xi32>
    %reduce_min3A = arith.constant dense<2147483647> : vector<2000xi32>
    %reduce_min3A_5 = vector.multi_reduction <minsi>, %select_n3A, %reduce_min3A [1] : vector<2000x1000xi32> to vector<2000xi32>
    %broadcast_in_dim3A_6 = vector.shape_cast %reduce_min3A_5 : vector<2000xi32> to vector<2000x1xi32>
    %swap3A = arith.constant 0 : index
    %swap3A_7 = arith.constant 0 : index
    %swap3A_8 = vector.load %arg2[%swap3A, %swap3A_7] : memref<2000x1xi32, #tpu.memory_space<vmem>>, vector<2000x1xi32>
    tpu.vector_store %arg2[%swap3A, %swap3A_7], %broadcast_in_dim3A_6 {strides = array<i32>} : memref<2000x1xi32, #tpu.memory_space<vmem>>, vector<2000x1xi32>,
    return
  }
  func.func @transform_0(%arg0: i32) -> (i32, i32) {
    %c0_i32 = arith.constant 0 : i32
    %c0_i32_0 = arith.constant 0 : i32
    return %arg0, %c0_i32 : i32, i32
  }
  func.func @transform_1(%arg0: i32) -> (i32, i32) {
    %c0_i32 = arith.constant 0 : i32
    %c0_i32_0 = arith.constant 0 : i32
    return %arg0, %c0_i32 : i32, i32
  }
}

module attributes {stable_mosaic.version = 14 : i64} {
  func.func @body(%arg0: memref<2x10112x128xf32, #tpu.memory_space<vmem>>, %arg1: memref<32x10112xf32, #tpu.memory_space<vmem>>, %arg2: memref<5x128xf32, #tpu.memory_space<vmem>>, %arg3: memref<10240x128xf32, #tpu.memory_space<vmem>>) attributes {dimension_semantics = [], scalar_prefetch = 0 : i64, scratch_operands = 0 : i64, tpu.core_type = #tpu.core_type<tc>} {
    %get3A = arith.constant 0 : index
    %get3A_0 = arith.constant 0 : index
    %get3A_1 = arith.constant 0 : index
    %get3A_2 = vector.load %arg0[%get3A, %get3A_0, %get3A_1] : memref<2x10112x128xf32, #tpu.memory_space<vmem>>, vector<1x10000x128xf32>
    %get3A_3 = vector.shape_cast %get3A_2 : vector<1x10000x128xf32> to vector<10000x128xf32>
    %get3A_4 = arith.constant 1 : index
    %get3A_5 = arith.constant 0 : index
    %get3A_6 = arith.constant 0 : index
    %get3A_7 = vector.load %arg0[%get3A_4, %get3A_5, %get3A_6] : memref<2x10112x128xf32, #tpu.memory_space<vmem>>, vector<1x10000x128xf32>
    %get3A_8 = vector.shape_cast %get3A_7 : vector<1x10000x128xf32> to vector<10000x128xf32>
    %add3A = arith.addf %get3A_3, %get3A_8 : vector<10000x128xf32>
    %get3A_9 = arith.constant 0 : index
    %get3A_10 = arith.constant 0 : index
    %get3A_11 = vector.load %arg1[%get3A_9, %get3A_10] : memref<32x10112xf32, #tpu.memory_space<vmem>>, vector<32x10112xf32>
    %reduce_sum3A = arith.constant dense<0.000000e+00> : vector<10112xf32>
    %reduce_sum3A_12 = vector.multi_reduction <add>, %get3A_11, %reduce_sum3A [0] : vector<32x10112xf32> to vector<10112xf32>
    %slice3A = vector.extract_strided_slice %reduce_sum3A_12 {offsets = [0], sizes = [10000], strides = [1]} : vector<10112xf32> to vector<10000xf32>
    %max3A = arith.constant 1.000000e+00 : f32
    %max3A_13 = vector.broadcast %max3A : f32 to vector<10000xf32>
    %max3A_14 = arith.maximumf %slice3A, %max3A_13 : vector<10000xf32>
    %broadcast_in_dim3A = vector.shape_cast %max3A_14 : vector<10000xf32> to vector<10000x1xf32>
    %div3A = vector.broadcast %broadcast_in_dim3A : vector<10000x1xf32> to vector<10000x128xf32>
    %div3A_15 = arith.divf %add3A, %div3A : vector<10000x128xf32>
    %get3A_16 = arith.constant 0 : index
    %get3A_17 = arith.constant 0 : index
    %get3A_18 = vector.load %arg2[%get3A_16, %get3A_17] : memref<5x128xf32, #tpu.memory_space<vmem>>, vector<1x128xf32>
    %get3A_19 = vector.shape_cast %get3A_18 : vector<1x128xf32> to vector<128xf32>
    %broadcast_in_dim3A_20 = vector.shape_cast %get3A_19 : vector<128xf32> to vector<1x128xf32>
    %add3A_21 = vector.broadcast %broadcast_in_dim3A_20 : vector<1x128xf32> to vector<10000x128xf32>
    %add3A_22 = arith.addf %div3A_15, %add3A_21 : vector<10000x128xf32>
    %get3A_23 = arith.constant 1 : index
    %get3A_24 = arith.constant 0 : index
    %get3A_25 = vector.load %arg2[%get3A_23, %get3A_24] : memref<5x128xf32, #tpu.memory_space<vmem>>, vector<1x128xf32>
    %get3A_26 = vector.shape_cast %get3A_25 : vector<1x128xf32> to vector<128xf32>
    %broadcast_in_dim3A_27 = vector.shape_cast %get3A_26 : vector<128xf32> to vector<1x128xf32>
    %get3A_28 = arith.constant 3 : index
    %get3A_29 = arith.constant 0 : index
    %get3A_30 = vector.load %arg2[%get3A_28, %get3A_29] : memref<5x128xf32, #tpu.memory_space<vmem>>, vector<1x128xf32>
    %get3A_31 = vector.shape_cast %get3A_30 : vector<1x128xf32> to vector<128xf32>
    %broadcast_in_dim3A_32 = vector.shape_cast %get3A_31 : vector<128xf32> to vector<1x128xf32>
    %get3A_33 = arith.constant 4 : index
    %get3A_34 = arith.constant 0 : index
    %get3A_35 = vector.load %arg2[%get3A_33, %get3A_34] : memref<5x128xf32, #tpu.memory_space<vmem>>, vector<1x128xf32>
    %get3A_36 = vector.shape_cast %get3A_35 : vector<1x128xf32> to vector<128xf32>
    %broadcast_in_dim3A_37 = vector.shape_cast %get3A_36 : vector<128xf32> to vector<1x128xf32>
    %reduce_sum3A_38 = arith.constant dense<0.000000e+00> : vector<128xf32>
    %reduce_sum3A_39 = vector.multi_reduction <add>, %add3A_22, %reduce_sum3A_38 [0] : vector<10000x128xf32> to vector<128xf32>
    %broadcast_in_dim3A_40 = vector.shape_cast %reduce_sum3A_39 : vector<128xf32> to vector<1x128xf32>
    %div3A_41 = arith.constant 1.000000e+04 : f32
    %div3A_42 = vector.broadcast %div3A_41 : f32 to vector<1x128xf32>
    %div3A_43 = arith.divf %broadcast_in_dim3A_40, %div3A_42 : vector<1x128xf32>
    %sub3A = vector.broadcast %div3A_43 : vector<1x128xf32> to vector<10000x128xf32>
    %sub3A_44 = arith.subf %add3A_22, %sub3A : vector<10000x128xf32>
    %integer_pow3A = arith.mulf %sub3A_44, %sub3A_44 : vector<10000x128xf32>
    %reduce_sum3A_45 = arith.constant dense<0.000000e+00> : vector<128xf32>
    %reduce_sum3A_46 = vector.multi_reduction <add>, %integer_pow3A, %reduce_sum3A_45 [0] : vector<10000x128xf32> to vector<128xf32>
    %broadcast_in_dim3A_47 = vector.shape_cast %reduce_sum3A_46 : vector<128xf32> to vector<1x128xf32>
    %div3A_48 = arith.constant 1.000000e+04 : f32
    %div3A_49 = vector.broadcast %div3A_48 : f32 to vector<1x128xf32>
    %div3A_50 = arith.divf %broadcast_in_dim3A_47, %div3A_49 : vector<1x128xf32>
    %add3A_51 = arith.constant 9.99999974E-6 : f32
    %add3A_52 = vector.broadcast %add3A_51 : f32 to vector<1x128xf32>
    %add3A_53 = arith.addf %div3A_50, %add3A_52 : vector<1x128xf32>
    %sqrt3A = math.sqrt %add3A_53 : vector<1x128xf32>
    %mul3A = arith.mulf %broadcast_in_dim3A_27, %broadcast_in_dim3A_27 : vector<1x128xf32>
    %mul3A_54 = arith.mulf %mul3A, %div3A_50 : vector<1x128xf32>
    %add3A_55 = arith.constant 9.99999974E-6 : f32
    %add3A_56 = vector.broadcast %add3A_55 : f32 to vector<1x128xf32>
    %add3A_57 = arith.addf %div3A_50, %add3A_56 : vector<1x128xf32>
    %div3A_58 = arith.divf %mul3A_54, %add3A_57 : vector<1x128xf32>
    %add3A_59 = arith.constant 9.99999974E-6 : f32
    %add3A_60 = vector.broadcast %add3A_59 : f32 to vector<1x128xf32>
    %add3A_61 = arith.addf %div3A_58, %add3A_60 : vector<1x128xf32>
    %sqrt3A_62 = math.sqrt %add3A_61 : vector<1x128xf32>
    %sub3A_63 = vector.broadcast %div3A_43 : vector<1x128xf32> to vector<10000x128xf32>
    %sub3A_64 = arith.subf %add3A_22, %sub3A_63 : vector<10000x128xf32>
    %mul3A_65 = arith.mulf %broadcast_in_dim3A_27, %broadcast_in_dim3A_32 : vector<1x128xf32>
    %mul3A_66 = arith.mulf %sqrt3A, %sqrt3A_62 : vector<1x128xf32>
    %div3A_67 = arith.divf %mul3A_65, %mul3A_66 : vector<1x128xf32>
    %mul3A_68 = vector.broadcast %div3A_67 : vector<1x128xf32> to vector<10000x128xf32>
    %mul3A_69 = arith.mulf %sub3A_64, %mul3A_68 : vector<10000x128xf32>
    %add3A_70 = vector.broadcast %broadcast_in_dim3A_37 : vector<1x128xf32> to vector<10000x128xf32>
    %add3A_71 = arith.addf %mul3A_69, %add3A_70 : vector<10000x128xf32>
    %max3A_72 = arith.constant 0.000000e+00 : f32
    %max3A_73 = vector.broadcast %max3A_72 : f32 to vector<10000x128xf32>
    %max3A_74 = arith.maximumf %add3A_71, %max3A_73 : vector<10000x128xf32>
    %swap3A = arith.constant 0 : index
    %swap3A_75 = arith.constant 0 : index
    %swap3A_76 = vector.load %arg3[%swap3A, %swap3A_75] : memref<10240x128xf32, #tpu.memory_space<vmem>>, vector<10000x128xf32>
    tpu.vector_store %arg3[%swap3A, %swap3A_75], %max3A_74 {strides = array<i32>} : memref<10240x128xf32, #tpu.memory_space<vmem>>, vector<10000x128xf32>,
    %broadcast_in_dim3A_77 = arith.constant 0.000000e+00 : f32
    %broadcast_in_dim3A_78 = vector.broadcast %broadcast_in_dim3A_77 : f32 to vector<240x128xf32>
    %swap3A_79 = arith.constant 10000 : index
    %swap3A_80 = arith.constant 0 : index
    %swap3A_81 = vector.load %arg3[%swap3A_79, %swap3A_80] : memref<10240x128xf32, #tpu.memory_space<vmem>>, vector<240x128xf32>
    tpu.vector_store %arg3[%swap3A_79, %swap3A_80], %broadcast_in_dim3A_78 {strides = array<i32>} : memref<10240x128xf32, #tpu.memory_space<vmem>>, vector<240x128xf32>,
    return
  }
}

module attributes {stable_mosaic.version = 14 : i64} {
  func.func @_tg_body(%arg0: memref<2x1024x128xf32, #tpu.memory_space<vmem>>, %arg1: memref<1000x128xf32, #tpu.memory_space<vmem>>, %arg2: memref<128x128xf32, #tpu.memory_space<vmem>>, %arg3: memref<1000x128xf32, #tpu.memory_space<vmem>>) attributes {dimension_semantics = [], scalar_prefetch = 0 : i64, scratch_operands = 0 : i64, tpu.core_type = #tpu.core_type<tc>} {
    %get3A = arith.constant 0 : index
    %get3A_0 = arith.constant 0 : index
    %get3A_1 = arith.constant 0 : index
    %get3A_2 = vector.load %arg0[%get3A, %get3A_0, %get3A_1] : memref<2x1024x128xf32, #tpu.memory_space<vmem>>, vector<1x1000x128xf32>
    %get3A_3 = vector.shape_cast %get3A_2 : vector<1x1000x128xf32> to vector<1000x128xf32>
    %get3A_4 = arith.constant 1 : index
    %get3A_5 = arith.constant 0 : index
    %get3A_6 = arith.constant 0 : index
    %get3A_7 = vector.load %arg0[%get3A_4, %get3A_5, %get3A_6] : memref<2x1024x128xf32, #tpu.memory_space<vmem>>, vector<1x1000x128xf32>
    %get3A_8 = vector.shape_cast %get3A_7 : vector<1x1000x128xf32> to vector<1000x128xf32>
    %add3A = arith.addf %get3A_3, %get3A_8 : vector<1000x128xf32>
    %get3A_9 = arith.constant 0 : index
    %get3A_10 = arith.constant 0 : index
    %get3A_11 = vector.load %arg1[%get3A_9, %get3A_10] : memref<1000x128xf32, #tpu.memory_space<vmem>>, vector<1000x128xf32>
    %add3A_12 = arith.addf %add3A, %get3A_11 : vector<1000x128xf32>
    %get3A_13 = arith.constant 0 : index
    %get3A_14 = arith.constant 0 : index
    %get3A_15 = vector.load %arg2[%get3A_13, %get3A_14] : memref<128x128xf32, #tpu.memory_space<vmem>>, vector<128x128xf32>
    %dot_general3A = arith.constant dense<0.000000e+00> : vector<1000x128xf32>
    %dot_general3A_16 = tpu.matmul %add3A_12, %get3A_15, %dot_general3A {dimension_numbers = #tpu.dot_dimension_numbers<[1], [0], [0], [1], [0, 0, 1, 1], [], []>, transpose_lhs_hint = false} : vector<1000x128xf32>, vector<128x128xf32>, vector<1000x128xf32> -> vector<1000x128xf32>
    %swap3A = arith.constant 0 : index
    %swap3A_17 = arith.constant 0 : index
    %swap3A_18 = vector.load %arg3[%swap3A, %swap3A_17] : memref<1000x128xf32, #tpu.memory_space<vmem>>, vector<1000x128xf32>
    tpu.vector_store %arg3[%swap3A, %swap3A_17], %dot_general3A_16 {strides = array<i32>} : memref<1000x128xf32, #tpu.memory_space<vmem>>, vector<1000x128xf32>,
    return
  }
}

module attributes {stable_mosaic.version = 14 : i64} {
  func.func @body(%arg0: memref<2x1024x128xf32, #tpu.memory_space<vmem>>, %arg1: memref<32x1024xf32, #tpu.memory_space<vmem>>, %arg2: memref<128x128xf32, #tpu.memory_space<vmem>>, %arg3: memref<5x128xf32, #tpu.memory_space<vmem>>, %arg4: memref<1000x128xf32, #tpu.memory_space<vmem>>) attributes {dimension_semantics = [], scalar_prefetch = 0 : i64, scratch_operands = 0 : i64, tpu.core_type = #tpu.core_type<tc>} {
    %get3A = arith.constant 0 : index
    %get3A_0 = arith.constant 0 : index
    %get3A_1 = arith.constant 0 : index
    %get3A_2 = vector.load %arg0[%get3A, %get3A_0, %get3A_1] : memref<2x1024x128xf32, #tpu.memory_space<vmem>>, vector<1x1000x128xf32>
    %get3A_3 = vector.shape_cast %get3A_2 : vector<1x1000x128xf32> to vector<1000x128xf32>
    %get3A_4 = arith.constant 1 : index
    %get3A_5 = arith.constant 0 : index
    %get3A_6 = arith.constant 0 : index
    %get3A_7 = vector.load %arg0[%get3A_4, %get3A_5, %get3A_6] : memref<2x1024x128xf32, #tpu.memory_space<vmem>>, vector<1x1000x128xf32>
    %get3A_8 = vector.shape_cast %get3A_7 : vector<1x1000x128xf32> to vector<1000x128xf32>
    %add3A = arith.addf %get3A_3, %get3A_8 : vector<1000x128xf32>
    %get3A_9 = arith.constant 0 : index
    %get3A_10 = arith.constant 0 : index
    %get3A_11 = vector.load %arg1[%get3A_9, %get3A_10] : memref<32x1024xf32, #tpu.memory_space<vmem>>, vector<32x1024xf32>
    %reduce_sum3A = arith.constant dense<0.000000e+00> : vector<1024xf32>
    %reduce_sum3A_12 = vector.multi_reduction <add>, %get3A_11, %reduce_sum3A [0] : vector<32x1024xf32> to vector<1024xf32>
    %slice3A = vector.extract_strided_slice %reduce_sum3A_12 {offsets = [0], sizes = [1000], strides = [1]} : vector<1024xf32> to vector<1000xf32>
    %max3A = arith.constant 1.000000e+00 : f32
    %max3A_13 = vector.broadcast %max3A : f32 to vector<1000xf32>
    %max3A_14 = arith.maximumf %slice3A, %max3A_13 : vector<1000xf32>
    %broadcast_in_dim3A = vector.shape_cast %max3A_14 : vector<1000xf32> to vector<1000x1xf32>
    %div3A = vector.broadcast %broadcast_in_dim3A : vector<1000x1xf32> to vector<1000x128xf32>
    %div3A_15 = arith.divf %add3A, %div3A : vector<1000x128xf32>
    %get3A_16 = arith.constant 0 : index
    %get3A_17 = arith.constant 0 : index
    %get3A_18 = vector.load %arg3[%get3A_16, %get3A_17] : memref<5x128xf32, #tpu.memory_space<vmem>>, vector<1x128xf32>
    %get3A_19 = vector.shape_cast %get3A_18 : vector<1x128xf32> to vector<128xf32>
    %broadcast_in_dim3A_20 = vector.shape_cast %get3A_19 : vector<128xf32> to vector<1x128xf32>
    %add3A_21 = vector.broadcast %broadcast_in_dim3A_20 : vector<1x128xf32> to vector<1000x128xf32>
    %add3A_22 = arith.addf %div3A_15, %add3A_21 : vector<1000x128xf32>
    %get3A_23 = arith.constant 1 : index
    %get3A_24 = arith.constant 0 : index
    %get3A_25 = vector.load %arg3[%get3A_23, %get3A_24] : memref<5x128xf32, #tpu.memory_space<vmem>>, vector<1x128xf32>
    %get3A_26 = vector.shape_cast %get3A_25 : vector<1x128xf32> to vector<128xf32>
    %broadcast_in_dim3A_27 = vector.shape_cast %get3A_26 : vector<128xf32> to vector<1x128xf32>
    %get3A_28 = arith.constant 3 : index
    %get3A_29 = arith.constant 0 : index
    %get3A_30 = vector.load %arg3[%get3A_28, %get3A_29] : memref<5x128xf32, #tpu.memory_space<vmem>>, vector<1x128xf32>
    %get3A_31 = vector.shape_cast %get3A_30 : vector<1x128xf32> to vector<128xf32>
    %broadcast_in_dim3A_32 = vector.shape_cast %get3A_31 : vector<128xf32> to vector<1x128xf32>
    %get3A_33 = arith.constant 4 : index
    %get3A_34 = arith.constant 0 : index
    %get3A_35 = vector.load %arg3[%get3A_33, %get3A_34] : memref<5x128xf32, #tpu.memory_space<vmem>>, vector<1x128xf32>
    %get3A_36 = vector.shape_cast %get3A_35 : vector<1x128xf32> to vector<128xf32>
    %broadcast_in_dim3A_37 = vector.shape_cast %get3A_36 : vector<128xf32> to vector<1x128xf32>
    %reduce_sum3A_38 = arith.constant dense<0.000000e+00> : vector<128xf32>
    %reduce_sum3A_39 = vector.multi_reduction <add>, %add3A_22, %reduce_sum3A_38 [0] : vector<1000x128xf32> to vector<128xf32>
    %broadcast_in_dim3A_40 = vector.shape_cast %reduce_sum3A_39 : vector<128xf32> to vector<1x128xf32>
    %div3A_41 = arith.constant 1.000000e+03 : f32
    %div3A_42 = vector.broadcast %div3A_41 : f32 to vector<1x128xf32>
    %div3A_43 = arith.divf %broadcast_in_dim3A_40, %div3A_42 : vector<1x128xf32>
    %sub3A = vector.broadcast %div3A_43 : vector<1x128xf32> to vector<1000x128xf32>
    %sub3A_44 = arith.subf %add3A_22, %sub3A : vector<1000x128xf32>
    %integer_pow3A = arith.mulf %sub3A_44, %sub3A_44 : vector<1000x128xf32>
    %reduce_sum3A_45 = arith.constant dense<0.000000e+00> : vector<128xf32>
    %reduce_sum3A_46 = vector.multi_reduction <add>, %integer_pow3A, %reduce_sum3A_45 [0] : vector<1000x128xf32> to vector<128xf32>
    %broadcast_in_dim3A_47 = vector.shape_cast %reduce_sum3A_46 : vector<128xf32> to vector<1x128xf32>
    %div3A_48 = arith.constant 1.000000e+03 : f32
    %div3A_49 = vector.broadcast %div3A_48 : f32 to vector<1x128xf32>
    %div3A_50 = arith.divf %broadcast_in_dim3A_47, %div3A_49 : vector<1x128xf32>
    %add3A_51 = arith.constant 9.99999974E-6 : f32
    %add3A_52 = vector.broadcast %add3A_51 : f32 to vector<1x128xf32>
    %add3A_53 = arith.addf %div3A_50, %add3A_52 : vector<1x128xf32>
    %sqrt3A = math.sqrt %add3A_53 : vector<1x128xf32>
    %mul3A = arith.mulf %broadcast_in_dim3A_27, %broadcast_in_dim3A_27 : vector<1x128xf32>
    %mul3A_54 = arith.mulf %mul3A, %div3A_50 : vector<1x128xf32>
    %add3A_55 = arith.constant 9.99999974E-6 : f32
    %add3A_56 = vector.broadcast %add3A_55 : f32 to vector<1x128xf32>
    %add3A_57 = arith.addf %div3A_50, %add3A_56 : vector<1x128xf32>
    %div3A_58 = arith.divf %mul3A_54, %add3A_57 : vector<1x128xf32>
    %add3A_59 = arith.constant 9.99999974E-6 : f32
    %add3A_60 = vector.broadcast %add3A_59 : f32 to vector<1x128xf32>
    %add3A_61 = arith.addf %div3A_58, %add3A_60 : vector<1x128xf32>
    %sqrt3A_62 = math.sqrt %add3A_61 : vector<1x128xf32>
    %sub3A_63 = vector.broadcast %div3A_43 : vector<1x128xf32> to vector<1000x128xf32>
    %sub3A_64 = arith.subf %add3A_22, %sub3A_63 : vector<1000x128xf32>
    %mul3A_65 = arith.mulf %broadcast_in_dim3A_27, %broadcast_in_dim3A_32 : vector<1x128xf32>
    %mul3A_66 = arith.mulf %sqrt3A, %sqrt3A_62 : vector<1x128xf32>
    %div3A_67 = arith.divf %mul3A_65, %mul3A_66 : vector<1x128xf32>
    %mul3A_68 = vector.broadcast %div3A_67 : vector<1x128xf32> to vector<1000x128xf32>
    %mul3A_69 = arith.mulf %sub3A_64, %mul3A_68 : vector<1000x128xf32>
    %add3A_70 = vector.broadcast %broadcast_in_dim3A_37 : vector<1x128xf32> to vector<1000x128xf32>
    %add3A_71 = arith.addf %mul3A_69, %add3A_70 : vector<1000x128xf32>
    %max3A_72 = arith.constant 0.000000e+00 : f32
    %max3A_73 = vector.broadcast %max3A_72 : f32 to vector<1000x128xf32>
    %max3A_74 = arith.maximumf %add3A_71, %max3A_73 : vector<1000x128xf32>
    %get3A_75 = arith.constant 0 : index
    %get3A_76 = arith.constant 0 : index
    %get3A_77 = vector.load %arg2[%get3A_75, %get3A_76] : memref<128x128xf32, #tpu.memory_space<vmem>>, vector<128x128xf32>
    %dot_general3A = arith.constant dense<0.000000e+00> : vector<1000x128xf32>
    %dot_general3A_78 = tpu.matmul %max3A_74, %get3A_77, %dot_general3A {dimension_numbers = #tpu.dot_dimension_numbers<[1], [0], [0], [1], [0, 0, 1, 1], [], []>, transpose_lhs_hint = false} : vector<1000x128xf32>, vector<128x128xf32>, vector<1000x128xf32> -> vector<1000x128xf32>
    %swap3A = arith.constant 0 : index
    %swap3A_79 = arith.constant 0 : index
    %swap3A_80 = vector.load %arg4[%swap3A, %swap3A_79] : memref<1000x128xf32, #tpu.memory_space<vmem>>, vector<1000x128xf32>
    tpu.vector_store %arg4[%swap3A, %swap3A_79], %dot_general3A_78 {strides = array<i32>} : memref<1000x128xf32, #tpu.memory_space<vmem>>, vector<1000x128xf32>,
    return
  }
}

module attributes {stable_mosaic.version = 14 : i64} {
  func.func @body(%arg0: memref<2x1024x128xf32, #tpu.memory_space<vmem>>, %arg1: memref<32x1024xf32, #tpu.memory_space<vmem>>, %arg2: memref<5x128xf32, #tpu.memory_space<vmem>>, %arg3: memref<1000x128xf32, #tpu.memory_space<vmem>>) attributes {dimension_semantics = [], scalar_prefetch = 0 : i64, scratch_operands = 0 : i64, tpu.core_type = #tpu.core_type<tc>} {
    %get3A = arith.constant 0 : index
    %get3A_0 = arith.constant 0 : index
    %get3A_1 = arith.constant 0 : index
    %get3A_2 = vector.load %arg0[%get3A, %get3A_0, %get3A_1] : memref<2x1024x128xf32, #tpu.memory_space<vmem>>, vector<1x1000x128xf32>
    %get3A_3 = vector.shape_cast %get3A_2 : vector<1x1000x128xf32> to vector<1000x128xf32>
    %get3A_4 = arith.constant 1 : index
    %get3A_5 = arith.constant 0 : index
    %get3A_6 = arith.constant 0 : index
    %get3A_7 = vector.load %arg0[%get3A_4, %get3A_5, %get3A_6] : memref<2x1024x128xf32, #tpu.memory_space<vmem>>, vector<1x1000x128xf32>
    %get3A_8 = vector.shape_cast %get3A_7 : vector<1x1000x128xf32> to vector<1000x128xf32>
    %add3A = arith.addf %get3A_3, %get3A_8 : vector<1000x128xf32>
    %get3A_9 = arith.constant 0 : index
    %get3A_10 = arith.constant 0 : index
    %get3A_11 = vector.load %arg1[%get3A_9, %get3A_10] : memref<32x1024xf32, #tpu.memory_space<vmem>>, vector<32x1024xf32>
    %reduce_sum3A = arith.constant dense<0.000000e+00> : vector<1024xf32>
    %reduce_sum3A_12 = vector.multi_reduction <add>, %get3A_11, %reduce_sum3A [0] : vector<32x1024xf32> to vector<1024xf32>
    %slice3A = vector.extract_strided_slice %reduce_sum3A_12 {offsets = [0], sizes = [1000], strides = [1]} : vector<1024xf32> to vector<1000xf32>
    %max3A = arith.constant 1.000000e+00 : f32
    %max3A_13 = vector.broadcast %max3A : f32 to vector<1000xf32>
    %max3A_14 = arith.maximumf %slice3A, %max3A_13 : vector<1000xf32>
    %broadcast_in_dim3A = vector.shape_cast %max3A_14 : vector<1000xf32> to vector<1000x1xf32>
    %div3A = vector.broadcast %broadcast_in_dim3A : vector<1000x1xf32> to vector<1000x128xf32>
    %div3A_15 = arith.divf %add3A, %div3A : vector<1000x128xf32>
    %get3A_16 = arith.constant 0 : index
    %get3A_17 = arith.constant 0 : index
    %get3A_18 = vector.load %arg2[%get3A_16, %get3A_17] : memref<5x128xf32, #tpu.memory_space<vmem>>, vector<1x128xf32>
    %get3A_19 = vector.shape_cast %get3A_18 : vector<1x128xf32> to vector<128xf32>
    %broadcast_in_dim3A_20 = vector.shape_cast %get3A_19 : vector<128xf32> to vector<1x128xf32>
    %add3A_21 = vector.broadcast %broadcast_in_dim3A_20 : vector<1x128xf32> to vector<1000x128xf32>
    %add3A_22 = arith.addf %div3A_15, %add3A_21 : vector<1000x128xf32>
    %get3A_23 = arith.constant 1 : index
    %get3A_24 = arith.constant 0 : index
    %get3A_25 = vector.load %arg2[%get3A_23, %get3A_24] : memref<5x128xf32, #tpu.memory_space<vmem>>, vector<1x128xf32>
    %get3A_26 = vector.shape_cast %get3A_25 : vector<1x128xf32> to vector<128xf32>
    %broadcast_in_dim3A_27 = vector.shape_cast %get3A_26 : vector<128xf32> to vector<1x128xf32>
    %get3A_28 = arith.constant 3 : index
    %get3A_29 = arith.constant 0 : index
    %get3A_30 = vector.load %arg2[%get3A_28, %get3A_29] : memref<5x128xf32, #tpu.memory_space<vmem>>, vector<1x128xf32>
    %get3A_31 = vector.shape_cast %get3A_30 : vector<1x128xf32> to vector<128xf32>
    %broadcast_in_dim3A_32 = vector.shape_cast %get3A_31 : vector<128xf32> to vector<1x128xf32>
    %get3A_33 = arith.constant 4 : index
    %get3A_34 = arith.constant 0 : index
    %get3A_35 = vector.load %arg2[%get3A_33, %get3A_34] : memref<5x128xf32, #tpu.memory_space<vmem>>, vector<1x128xf32>
    %get3A_36 = vector.shape_cast %get3A_35 : vector<1x128xf32> to vector<128xf32>
    %broadcast_in_dim3A_37 = vector.shape_cast %get3A_36 : vector<128xf32> to vector<1x128xf32>
    %reduce_sum3A_38 = arith.constant dense<0.000000e+00> : vector<128xf32>
    %reduce_sum3A_39 = vector.multi_reduction <add>, %add3A_22, %reduce_sum3A_38 [0] : vector<1000x128xf32> to vector<128xf32>
    %broadcast_in_dim3A_40 = vector.shape_cast %reduce_sum3A_39 : vector<128xf32> to vector<1x128xf32>
    %div3A_41 = arith.constant 1.000000e+03 : f32
    %div3A_42 = vector.broadcast %div3A_41 : f32 to vector<1x128xf32>
    %div3A_43 = arith.divf %broadcast_in_dim3A_40, %div3A_42 : vector<1x128xf32>
    %sub3A = vector.broadcast %div3A_43 : vector<1x128xf32> to vector<1000x128xf32>
    %sub3A_44 = arith.subf %add3A_22, %sub3A : vector<1000x128xf32>
    %integer_pow3A = arith.mulf %sub3A_44, %sub3A_44 : vector<1000x128xf32>
    %reduce_sum3A_45 = arith.constant dense<0.000000e+00> : vector<128xf32>
    %reduce_sum3A_46 = vector.multi_reduction <add>, %integer_pow3A, %reduce_sum3A_45 [0] : vector<1000x128xf32> to vector<128xf32>
    %broadcast_in_dim3A_47 = vector.shape_cast %reduce_sum3A_46 : vector<128xf32> to vector<1x128xf32>
    %div3A_48 = arith.constant 1.000000e+03 : f32
    %div3A_49 = vector.broadcast %div3A_48 : f32 to vector<1x128xf32>
    %div3A_50 = arith.divf %broadcast_in_dim3A_47, %div3A_49 : vector<1x128xf32>
    %add3A_51 = arith.constant 9.99999974E-6 : f32
    %add3A_52 = vector.broadcast %add3A_51 : f32 to vector<1x128xf32>
    %add3A_53 = arith.addf %div3A_50, %add3A_52 : vector<1x128xf32>
    %sqrt3A = math.sqrt %add3A_53 : vector<1x128xf32>
    %mul3A = arith.mulf %broadcast_in_dim3A_27, %broadcast_in_dim3A_27 : vector<1x128xf32>
    %mul3A_54 = arith.mulf %mul3A, %div3A_50 : vector<1x128xf32>
    %add3A_55 = arith.constant 9.99999974E-6 : f32
    %add3A_56 = vector.broadcast %add3A_55 : f32 to vector<1x128xf32>
    %add3A_57 = arith.addf %div3A_50, %add3A_56 : vector<1x128xf32>
    %div3A_58 = arith.divf %mul3A_54, %add3A_57 : vector<1x128xf32>
    %add3A_59 = arith.constant 9.99999974E-6 : f32
    %add3A_60 = vector.broadcast %add3A_59 : f32 to vector<1x128xf32>
    %add3A_61 = arith.addf %div3A_58, %add3A_60 : vector<1x128xf32>
    %sqrt3A_62 = math.sqrt %add3A_61 : vector<1x128xf32>
    %sub3A_63 = vector.broadcast %div3A_43 : vector<1x128xf32> to vector<1000x128xf32>
    %sub3A_64 = arith.subf %add3A_22, %sub3A_63 : vector<1000x128xf32>
    %mul3A_65 = arith.mulf %broadcast_in_dim3A_27, %broadcast_in_dim3A_32 : vector<1x128xf32>
    %mul3A_66 = arith.mulf %sqrt3A, %sqrt3A_62 : vector<1x128xf32>
    %div3A_67 = arith.divf %mul3A_65, %mul3A_66 : vector<1x128xf32>
    %mul3A_68 = vector.broadcast %div3A_67 : vector<1x128xf32> to vector<1000x128xf32>
    %mul3A_69 = arith.mulf %sub3A_64, %mul3A_68 : vector<1000x128xf32>
    %add3A_70 = vector.broadcast %broadcast_in_dim3A_37 : vector<1x128xf32> to vector<1000x128xf32>
    %add3A_71 = arith.addf %mul3A_69, %add3A_70 : vector<1000x128xf32>
    %max3A_72 = arith.constant 0.000000e+00 : f32
    %max3A_73 = vector.broadcast %max3A_72 : f32 to vector<1000x128xf32>
    %max3A_74 = arith.maximumf %add3A_71, %max3A_73 : vector<1000x128xf32>
    %swap3A = arith.constant 0 : index
    %swap3A_75 = arith.constant 0 : index
    %swap3A_76 = vector.load %arg3[%swap3A, %swap3A_75] : memref<1000x128xf32, #tpu.memory_space<vmem>>, vector<1000x128xf32>
    tpu.vector_store %arg3[%swap3A, %swap3A_75], %max3A_74 {strides = array<i32>} : memref<1000x128xf32, #tpu.memory_space<vmem>>, vector<1000x128xf32>,
    return
  }
}

</mosaic_0001>

<sc_bundles>
// kernel: kernel.14.cloned.1.call-start
scs
__scs_entry_jumppad:
0x0: {  	(pc) =	sbr.rel $0x88, $3  }
0x1: {  	(tag) =	ssettag $0x0;
	lr =	simm.s32 $0x1  }
0x2: {  	[smem:$0x3F96] =	sst lr;
	_ =	strace $0xD0000000  }
0x3: {  	_ = 	snop  }
0x4: {  	_ = 	snop  }
0x5: {  	_ = 	snop  }
0x6: {  	_ = 	snop  }
0x7: {  	_ = 	snop  }
__scs_overlays_trampoline_lowered:
0x8: {  	[smem:$0x3FA5] =	sst s0  }
0x9: {  	[smem:$0x3FA6] =	sst s1  }
0xa: {  	[smem:$0x3FA7] =	sst s2  }
0xb: {  	[smem:$0x3FA8] =	sst s3  }
0xc: {  	[smem:$0x3FA9] =	sst s4  }
0xd: {  	[smem:$0x3FAA] =	sst s5  }
0xe: {  	[smem:$0x3FAB] =	sst s6  }
0xf: {  	[smem:$0x3FAC] =	sst s7  }
0x10: {  	[smem:$0x3FAD] =	sst s8  }
0x11: {  	[smem:$0x3FAE] =	sst s9;
	s0 =	simm.s32 @!p0 $0x0  }
0x12: {  	s1 =	sld [smem:$0x3F94];
	s0 =	simm.s32 @p0 $0x1  }
0x13: {  	[smem:$0x3FAF] =	sst s0;
	s0 =	simm.s32 @!p1 $0x0  }
0x14: {  	s2 =	sld [smem:$0x3F93];
	s0 =	simm.s32 @p1 $0x1  }
0x15: {  	[smem:$0x3FB0] =	sst s0;
	s0 =	simm.s32 @!p2 $0x0  }
0x16: {  	s3 =	sld [smem:$0x3FDB];
	s0 =	simm.s32 @p2 $0x1  }
0x17: {  	s4 =	simm.s32 $0x1BF5;
	[smem:$0x3FB2] =	sst s0  }
0x18: {  	s0 =	sld [smem:$0x3F95];
	_ =	swait.ge [sflag:s4], $0x0  }
0x19: {  	s7 =	sld [smem:$0x3F96]  }
0x1a: {  	s8 =	sadd.s32 $0xFFFFE003, lr  }
0x1b: {  	s9 =	sadd.s32 $0xFFFFFEF7, lr;
	s5 =	simm.s32 $0xFFFFFFFF;
	p2 =	slt.u32 s8, $0xFFFFF086  }
0x1c: {  	p1 =	slt.u32 s9, $0xF7A;
	s5 =	simm.s32 @!p2 $0x0  }
0x1d: {  	s5 =	simm.s32 @p1 $0x1;
	p0 =	seq.s32 s7, s2  }
0x1e: {  	s7 =	smul.u32 @!p0 $0xF7A, s2;
	p2 =	seq.s32 @!p0 s5, $0x0  }
0x1f: {  	s9 =	smul.u32 $0xF7A, s1;
	s8 =	simm.s32 @!p0 $0x1BF5;
	p2 =	por !p2, p0  }
0x20: {  	[sflag:s8] =	ssyncset.s32 @!p0 $0xFFFFF086;
	s6 =	sadd.s32 @!p0 s3, s7;
	s7 =	simm.s32 @!p0 $0x108  }
0x21: {  	s3 =	sadd.s32 s3, s9;
	s6 =	sadd.s32 @!p0 $0x88, s6;
	s7 =	simm.s32 @p2 $0x1082  }
0x22: {  	[simem:s7], [sflag:s8] =	dma.local @!p0 [hbm:s6], $0xF7A  }
0x23: {  	s9 =	sor.u32 $0xD0000000, s2;
	s6 =	simm.s32 $0x108;
	_ =	swait.ge @!p0 [sflag:s8], $0x0  }
0x24: {  	s3 =	sadd.s32 $0x88, s3;
	s6 =	simm.s32 @!p1 $0x1082;
	[sflag:s4] =	ssyncset.s32 $0xFFFFF086  }
0x25: {  	[simem:s6], [sflag:s4] =	dma.local [hbm:s3], $0xF7A  }
0x26: {  	[smem:$0x3F96] =	sst s1;
	(tag) =	ssettag s2;
	_ =	strace s9  }
0x27: {  	s1 =	sld [smem:$0x3FA6]  }
0x28: {  	s2 =	sld [smem:$0x3FA7]  }
0x29: {  	s4 =	sld [smem:$0x3FA9]  }
0x2a: {  	p0 =	seq.s32 s5, $0x0;
	s5 =	sld [smem:$0x3FAA]  }
0x2b: {  	s6 =	sld [smem:$0x3FAB]  }
0x2c: {  	s7 =	sld [smem:$0x3FAC]  }
0x2d: {  	s3 =	simm.s32 $0x108;
	s8 =	sld [smem:$0x3FAD]  }
0x2e: {  	s3 =	simm.s32 @!p0 $0x1082;
	s9 =	sld [smem:$0x3FAE]  }
0x2f: {  	lr =	sadd.s32 s0, s3;
	s0 =	sld [smem:$0x3FA5]  }
0x30: {  	s3 =	sld [smem:$0x3FA8]  }
0x31: {  	[smem:$0x3FB1] =	sst s10  }
0x32: {  	s10 =	sld [smem:$0x3FAF];
	_ =	sdelay $0x3  }
0x33: {  	p0 =	seq.s32 s10, $0x1;
	s10 =	sld [smem:$0x3FB1];
	_ =	sdelay $0x3  }
0x34: {  	[smem:$0x3FB1] =	sst s10  }
0x35: {  	s10 =	sld [smem:$0x3FB0];
	_ =	sdelay $0x3  }
0x36: {  	p1 =	seq.s32 s10, $0x1;
	s10 =	sld [smem:$0x3FB1];
	_ =	sdelay $0x3  }
0x37: {  	[smem:$0x3FB1] =	sst s10  }
0x38: {  	s10 =	sld [smem:$0x3FB2]  }
0x39: {  	_ = 	snop;
	(pc) =	sbr.ind lr, $3  }
0x3a: {  	_ = 	snop  }
0x3b: {  	_ = 	snop  }
0x3c: {  	p2 =	seq.s32 s10, $0x1;
	s10 =	sld [smem:$0x3FB1]  }
0x3d: {  	_ =	shalt  }
0x3e: {  	_ =	shalt  }
0x3f: {  	_ =	shalt  }
0x40: {  	_ =	shalt  }
0x41: {  	_ =	shalt  }
0x42: {  	_ =	shalt  }
0x43: {  	_ =	shalt  }
0x44: {  	_ =	shalt  }
0x45: {  	_ =	shalt  }
0x46: {  	_ =	shalt  }
0x47: {  	_ =	shalt  }
0x48: {  	_ =	shalt  }
0x49: {  	_ =	shalt  }
0x4a: {  	_ =	shalt  }
0x4b: {  	_ =	shalt  }
0x4c: {  	_ =	shalt  }
0x4d: {  	_ =	shalt  }
0x4e: {  	_ =	shalt  }
0x4f: {  	_ =	shalt  }
0x50: {  	_ =	shalt  }
0x51: {  	_ =	shalt  }
0x52: {  	_ =	shalt  }
0x53: {  	_ =	shalt  }
0x54: {  	_ =	shalt  }
0x55: {  	_ =	shalt  }
0x56: {  	_ =	shalt  }
0x57: {  	_ =	shalt  }
0x58: {  	_ =	shalt  }
0x59: {  	_ =	shalt  }
0x5a: {  	_ =	shalt  }
0x5b: {  	_ =	shalt  }
0x5c: {  	_ =	shalt  }
0x5d: {  	_ =	shalt  }
0x5e: {  	_ =	shalt  }
0x5f: {  	_ =	shalt  }
0x60: {  	_ =	shalt  }
0x61: {  	_ =	shalt  }
0x62: {  	_ =	shalt  }
0x63: {  	_ =	shalt  }
0x64: {  	_ =	shalt  }
0x65: {  	_ =	shalt  }
0x66: {  	_ =	shalt  }
0x67: {  	_ =	shalt  }
0x68: {  	_ =	shalt  }
0x69: {  	_ =	shalt  }
0x6a: {  	_ =	shalt  }
0x6b: {  	_ =	shalt  }
0x6c: {  	_ =	shalt  }
0x6d: {  	_ =	shalt  }
0x6e: {  	_ =	shalt  }
0x6f: {  	_ =	shalt  }
0x70: {  	_ =	shalt  }
0x71: {  	_ =	shalt  }
0x72: {  	_ =	shalt  }
0x73: {  	_ =	shalt  }
0x74: {  	_ =	shalt  }
0x75: {  	_ =	shalt  }
0x76: {  	_ =	shalt  }
0x77: {  	_ =	shalt  }
0x78: {  	_ =	shalt  }
0x79: {  	_ =	shalt  }
0x7a: {  	_ =	shalt  }
0x7b: {  	_ =	shalt  }
0x7c: {  	_ =	shalt  }
0x7d: {  	_ =	shalt  }
0x7e: {  	_ =	shalt  }
0x7f: {  	_ =	shalt  }
0x80: {  	_ =	shalt  }
0x81: {  	_ =	shalt  }
0x82: {  	_ =	shalt  }
0x83: {  	_ =	shalt  }
0x84: {  	_ =	shalt  }
0x85: {  	_ =	shalt  }
0x86: {  	_ =	shalt  }
0x87: {  	_ =	shalt  }
.Lfunc_end0:
.L_simem_size_0:
called_computation_lowered:
.L_overlay_start_0:
0x88: {  	s2 =	sld [smem:$0x3FD9]  }
0x89: {  	s3 =	sld [smem:$0x3FFE];
	_ =	sdelay $0x1  }
0x8a: {  	s1 =	srdreg.scid  }
0x8b: {  	s0 =	sand.u32 $0x1, s1  }
0x8c: {  	s16 =	sshll.u32 s0, $0xA;
	s2 =	sadd.s32 s3, s2  }
0x8d: {  	s2 =	sadd.s32 s2, s16  }
0x8e: {  	[smem:$0x3FBD] =	sst s2  }
0x8f: {  	_ = 	snop  }
0x90: {  	(tm) =	ssettm $0x1  }
0x91: {  	s17 =	sld [smem:$0x3FFB];
	_ =	sdelay $0x3  }
0x92: {  	_ =	strace s17  }
0x93: {  	s2 =	sld [smem:$0x3FFC];
	_ =	sdelay $0x3  }
0x94: {  	_ =	strace s2  }
0x95: {  	s2 =	sld [smem:$0x3FFD];
	_ =	sdelay $0x3  }
0x96: {  	_ =	strace s2  }
0x97: {  	_ =	strace $0x8FFFFFFF  }
0x98: {  	s18 =	sld [smem:$0x3FDB];
	_ =	sdelay $0x1  }
0x99: {  	s19 =	simm.s32 $_scs_section_size  }
0x9a: {  	s4 =	simm.s32 $_size__tile_overlayer_lowered;
	s5 =	simm.s32 $_tile_overlayer_lowered  }
0x9b: {  	s22 =	simm.s32 $0x1BFF;
	s21 =	sshll.u32 s5, $0x1;
	s2 =	sadd.s32 s19, s18  }
0x9c: {  	s6 =	simm.s32 $0x0;
	s20 =	sshll.u32 s4, $0x1;
	s4 =	sadd.s32 s21, s2  }
0x9d: {  	[timem:s6], [sflag:s22] =	dma.local [hbm:s4], s20  }
0x9e: {  	_ =	swait.ge [sflag:s22], s20  }
0x9f: {  	s3 =	ssub.s32 $0x0, s20;
	[sflag:s22] =	ssyncset.done $0x0  }
0xa0: {  	[sflag:s22] =	ssyncadd.s32 s3;
	_ =	sdelay $0x1  }
0xa1: {  	s23 =	simm.s32 $0x1B8B  }
0xa2: {  	_ =	swait.ge [sflag:s23], $0x1  }
0xa3: {  	[sflag:s23] =	ssyncset.done $0x0  }
0xa4: {  	s25 =	simm.s32 $0x1B8E;
	s24 =	sld [smem:$0x3FFE];
	[sflag:s23] =	ssyncadd.s32 $0xFFFFFFFF  }
0xa5: {  	s26 =	simm.s32 $execute0_lowered;
	[smem:$0x3FD2] =	sst s25  }
0xa6: {  	s4 =	sshll.u32 s26, $0x1;
	_ =	strace $0x80000046;
	[dreg:$0x1] =	wrdreg $0xFFFFFFFF  }
0xa7: {  	s28 =	simm.s32 $_size_execute0_lowered;
	s2 =	sadd.s32 s2, s4;
	[dreg:$0x0] =	wrdreg $0x0  }
0xa8: {  	s4 =	sshll.u32 s28, $0x1;
	[dreg:$0x2] =	wrdreg s2  }
0xa9: {  	[dreg:$0x3] =	wrdreg s4  }
0xaa: {  	[dreg:$0x4] =	wrdreg $0xC0  }
0xab: {  	_ =	task [dreg:s6], $0x5FFFF  }
0xac: {  	[dreg:$0x1] =	wrdreg $0xFFFFFFFF  }
0xad: {  	[dreg:$0x0] =	wrdreg $0x60  }
0xae: {  	[dreg:$0x2] =	wrdreg s24  }
0xaf: {  	[dreg:$0x3] =	wrdreg $0x90000  }
0xb0: {  	[dreg:$0x4] =	wrdreg $0x9  }
0xb1: {  	_ =	task.clear_ibuf [dreg:s6], $0x5FFFF;
	_ =	strace $0x90000046  }
0xb2: {  	s29 =	simm.s32 $0x9;
	_ =	strace $0x80000048  }
0xb3: {  	_ =	swait.ge [sflag:s29], $0x1  }
0xb4: {  	[sflag:s29] =	ssyncadd.s32 $0xFFFFFFFF  }
0xb5: {  	_ =	strace $0x90000048  }
0xb6: {  	_ =	sfence  }
0xb7: {  	s30 =	sld [smem:$0x0];
	_ =	sdelay $0x2  }
0xb8: {  	s31 =	sshll.u32 s1, $0xD;
	s1 =	sshrl.u32 s1, $0x2  }
0xb9: {  	s3 =	sand.u32 $0x4000, s31;
	s1 =	sadd.s32 s1, s30  }
0xba: {  	s0 =	sor.u32 s3, s0;
	s1 =	sshll.u32 s1, $0x11  }
0xbb: {  	s0 =	sor.u32 s1, s0  }
0xbc: {  	s0 =	sadd.s32 $0x8F2B, s0  }
0xbd: {  	[sflag:s0] =	ssyncadd.remote.s32 $0x1  }
0xbe: {  	_ =	sfence.sel $0xFFFF  }
0xbf: {  	[dreg:$0x0] =	wrdreg $0xFFFFFFFF;
	(pc) =	sbr.abs _section_cstart, $3  }
0xc0: {  	[dreg:$0x1] =	wrdreg $0xFFFFFFFF  }
0xc1: {  	_ =	task.clear_ibuf [dreg:s6], $0x2FFFF;
	_ =	strace $0x9FFFFFFF  }
0xc2: {  	(tm) =	ssettm $0x7FFFFFFF  }
0xc3: {  	_ =	shalt  }
tec
execute0_lowered:
.L_overlay_start_1:
0x0: {  	(tag) =	ssettag $0x1  }
0x1: {  	s6 =	rddreg [dreg:$0x0]  }
0x2: {  	s0 =	srdreg.scid;
	s2 =	rddreg [dreg:$0x1]  }
0x3: {  	s3 =	simm.s32 $0x0;
	s15 =	simm.s32 $0x80;
	s16 =	simm.s32 $0x5000  }
0x4: {  	s17 =	simm.s32 $0x1;
	s18 =	simm.s32 $0x1CC00;
	s19 =	simm.s32 $0x2  }
0x5: {  	s20 =	simm.s32 $0x400;
	s5 =	sand.u32 $0x1, s0;
	s0 =	stileid.u32  }
0x6: {  	[smem:$0x7FF] =	sst s3;
	s4 =	sadd.s32 $0x17C00, s6;
	s9 =	smul.u32 $0x13C00, s0  }
0x7: {  	s1 =	sshll.u32 s5, $0x4;
	s10 =	smul.u32 $0x13C000, s5;
	s28 =	sshll.u32 s0, $0x7  }
0x8: {  	s5 =	ssub.s32 $0x2, s5;
	s29 =	smul.u32 $0x4F000, s0;
	s31 =	sshll.u32 s0, $0x6  }
0x9: {  	s7 =	sor.u32 s0, s1;
	s1 =	rddreg [dreg:$0x2];
	_ =	strace $0x80000047  }
0xa: {  	s12 =	sshrl.u32 s5, $0x1;
	s8 =	smul.u32 $0x500, s7;
	s11 =	sshrl.u32 s9, $0x3  }
0xb: {  	s7 =	sshrl.u32 s7, $0x3;
	s9 =	sadd.s32 s9, s10;
	s10 =	sand.u32 $0x380, s28  }
0xc: {  	s12 =	ssub.s32 s5, s12;
	s30 =	sshrl.u32 s29, $0x2;
	s7 =	smul.u32 $0x13C00, s7  }
0xd: {  	s11 =	sadd.s32 s11, s6;
	s9 =	sshrl.u32 s9, $0x3;
	s14 =	sadd.s32 s30, s2  }
0xe: {  	s8 =	sadd.s32 s8, s6;
	s9 =	sadd.s32 s9, s6;
	s5 =	sadd.s32 $0x3EE00, s11  }
0xf: {  	s11 =	smax.u32 s12, $0x1;
	s12 =	sshrl.u32 s14, $0x3;
	s7 =	sor.u32 s10, s7  }
0x10: {  	s14 =	simm.s32 $0x2800;
	s9 =	sadd.s32 $0x66600, s9;
	s7 =	sshrl.u32 s7, $0x3  }
0x11: {  	s13 =	sadd.s32 s7, s6;
	s6 =	sor.u32 $0x1C03, s31;
	s7 =	sadd.s32 $0x3C00, s8  }
0x12: {  	v0 =	vimm.f32 $0.0e+00;
	v1 =	vimm.f32 $1.000000000e+00;
	s8 =	sadd.s32 $0xDC00, s8;
	s10 =	sadd.s32 $0xB5600, s13;
	s13 =	simm.s32 $0x3  }
.LBB2_1:
0x13: {  	[spmem:s12], [sflag:s6] =	dma.local [hbm:s5], $0x2780  }
0x14: {  	_ =	swait.ge [sflag:s13], $0x2780  }
0x15: {  	[sflag:s13] =	ssyncset.done $0x0  }
0x16: {  	s21 =	simm.s32 $0x40;
	s22 =	simm.s32 $0x0;
	[sflag:s13] =	ssyncadd.s32 $0xFFFFD880  }
.LBB2_2:
0x17: {  	p0 =	sne.s32 s21, $0x9DC0;
	[tilespmem:s22+$0x1CC00] =	vst v0;
	s22 =	smov.u32 s21;
	s21 =	sadd.s32 $0x40, s21  }
.Ltmp0:
0x18: {  	(pc) =	sbr.rel @p0 .LBB2_2-.Ltmp0, $2  }
0x19: {  	_ =	sdelay $0x2  }
0x1a: {  	s22 =	sshra.s32 s22, $0x2  }
0x1b: {  	[tilespmem:s22+$0x1CC00] =	vst v0;
	s21 =	simm.s32 $0x0  }
0x1c: {  	[tilespmem:s21], [sflag:$0x3] =	stream.linear.gather [hbm4b:s7+s21], $0x2780, $0x38;
	[tilespmem:$0x1F380] =	vst v63  }
0x1d: {  	_ =	swait.ge [sflag:s13], $0x2780  }
0x1e: {  	[sflag:s13] =	ssyncset.done $0x0  }
0x1f: {  	[sflag:s13] =	ssyncadd.s32 $0xFFFFD880  }
0x20: {  	[tilespmem:s14], [sflag:$0x3] =	stream.linear.gather [hbm4b:s8+s21], $0x2780, $0x38;
	[tilespmem:$0x1F380] =	vst v63  }
0x21: {  	_ =	swait.ge [sflag:s13], $0x2780  }
0x22: {  	[sflag:s13] =	ssyncset.done $0x0  }
0x23: {  	[sflag:s13] =	ssyncadd.s32 $0xFFFFD880  }
0x24: {  	[bflag:$0x0] =	sbarrier.arrive $0xFFFF  }
.LBB2_4:
0x25: {  	s22 =	sshra.s32 s21, $0x2  }
0x26: {  	[tilespmem:s16], [sflag:$0x1] =	stream.indirect.gather [hbm4b:s4+s15], $0x80, s22, s15, $0xb8;
	[tilespmem:$0x1F380] =	vst v63  }
0x27: {  	_ =	swait.ge [sflag:s17], $0x4000  }
0x28: {  	[sflag:s17] =	ssyncset.done $0x0  }
0x29: {  	s23 =	sadd.s32 $0x2800, s22;
	[sflag:s17] =	ssyncadd.s32 $0xFFFFC000  }
0x2a: {  	[spmem:s2] =	stream.indirect.scatter.add.f32 [tilespmem:s16], [sflag:$0x2], $0x80, s23, s15, $0xb8;
	[tilespmem:$0x1F380] =	vst v63  }
0x2b: {  	v2 =	vld [tilespmem:s22+$0x2800];
	_ =	sdelay $0x7  }
0x2c: {  	[tilespmem:v2+s18+$0x0] =	vst.idx.add.f32.msk $0xffff, v1  }
0x2d: {  	v2 =	vld [tilespmem:s22+$0x2810];
	_ =	sdelay $0x7  }
0x2e: {  	[tilespmem:v2+s18+$0x0] =	vst.idx.add.f32.msk $0xffff, v1  }
0x2f: {  	v2 =	vld [tilespmem:s22+$0x2820];
	_ =	sdelay $0x7  }
0x30: {  	[tilespmem:v2+s18+$0x0] =	vst.idx.add.f32.msk $0xffff, v1  }
0x31: {  	v2 =	vld [tilespmem:s22+$0x2830];
	_ =	sdelay $0x7  }
0x32: {  	[tilespmem:v2+s18+$0x0] =	vst.idx.add.f32.msk $0xffff, v1  }
0x33: {  	v2 =	vld [tilespmem:s22+$0x2840];
	_ =	sdelay $0x7  }
0x34: {  	[tilespmem:v2+s18+$0x0] =	vst.idx.add.f32.msk $0xffff, v1  }
0x35: {  	v2 =	vld [tilespmem:s22+$0x2850];
	_ =	sdelay $0x7  }
0x36: {  	[tilespmem:v2+s18+$0x0] =	vst.idx.add.f32.msk $0xffff, v1  }
0x37: {  	v2 =	vld [tilespmem:s22+$0x2860];
	_ =	sdelay $0x7  }
0x38: {  	[tilespmem:v2+s18+$0x0] =	vst.idx.add.f32.msk $0xffff, v1  }
0x39: {  	v2 =	vld [tilespmem:s22+$0x2870];
	_ =	sdelay $0x5  }
0x3a: {  	p0 =	sne.s32 s21, $0x9C00  }
.Ltmp1:
0x3b: {  	_ = 	snop;
	(pc) =	sbr.rel @p0 .LBB2_4-.Ltmp1, $4  }
0x3c: {  	[tilespmem:v2+s18+$0x0] =	vst.idx.add.f32.msk $0xffff, v1  }
0x3d: {  	_ =	swait.ge [sflag:s19], $0x4000  }
0x3e: {  	[sflag:s19] =	ssyncset.done $0x0  }
0x3f: {  	s21 =	sadd.s32 $0x200, s21;
	[sflag:s19] =	ssyncadd.s32 $0xFFFFC000  }
0x40: {  	[bflag:$0x0] =	sbarrier.arrive $0xFFFF  }
0x41: {  	[hbm:s9], [sflag:s6] =	dma.local [spmem:s12], $0x2780  }
0x42: {  	s3 =	sadd.s32 $0x1, s3;
	_ =	swait.ge [sflag:s13], $0x2780  }
0x43: {  	p0 =	sne.s32 s3, s11;
	[sflag:s13] =	ssyncset.done $0x0  }
.Ltmp2:
0x44: {  	[sflag:s13] =	ssyncadd.s32 $0xFFFFD880;
	(pc) =	sbr.rel @p0 .LBB2_1-.Ltmp2, $4  }
0x45: {  	[hbm4b:s10+s15] =	stream.strided.scatter [tilespmem:s18], [sflag:$0x3], $0x2780, s20, s15, $0x38;
	[tilespmem:$0x1F380] =	vst v63  }
0x46: {  	_ =	swait.ge [sflag:s13], $0x2780  }
0x47: {  	[sflag:s13] =	ssyncset.done $0x0  }
0x48: {  	[sflag:s13] =	ssyncadd.s32 $0xFFFFD880  }
0x49: {  	_ =	sfence.sel $0x180000  }
0x4a: {  	[bflag:$0x0] =	sbarrier.arrive $0xFFFF  }
0x4b: {  	p0 =	sne.s32 s0, $0x0;
	_ =	strace $0x90000047  }
0x4c: {  	s0 =	sadd.s32 @!p0 $0x100000, s1;
	[bflag:$0x2] =	sbarrier.arrive $0xFFFF  }
0x4d: {  	[sflag:s0] =	ssyncadd.tile.s32 @!p0 $0x1;
	_ =	shalt  }
.Lfunc_end2:
_tile_overlayer_lowered:
.L_overlay_start_2:
0x4e: {  	(tag) =	ssettag $0x2  }
0x4f: {  	s0 =	rddreg [dreg:$0x0];
	s2 =	stileid.u32  }
0x50: {  	s1 =	rddreg [dreg:$0x1];
	p0 =	sne.s32 s2, $0x0  }
0x51: {  	s3 =	rddreg [dreg:$0x2];
	[bflag:$0x3] =	sbarrier.arrive $0xFFFF;
	s2 =	simm.s32 @!p0 $0x1C03  }
0x52: {  	[timem:s3], [sflag:s2] =	dma.local @!p0 [hbm:s0], s1  }
0x53: {  	s0 =	simm.s32 @!p0 $0x3  }
0x54: {  	_ =	swait.ge @!p0 [sflag:s0], s1  }
0x55: {  	s1 =	ssub.s32 @!p0 $0x0, s1;
	[sflag:s0] =	ssyncset.done @!p0 $0x0  }
0x56: {  	[sflag:s0] =	ssyncadd.s32 @!p0 s1  }
0x57: {  	[bflag:$0x3] =	sbarrier.arrive $0xFFFF  }
0x58: {  	_ =	shalt  }

// kernel: kernel.17.cloned.1.call-start
scs
__scs_entry_jumppad:
0x0: {  	(pc) =	sbr.rel $0x88, $3  }
0x1: {  	(tag) =	ssettag $0x0;
	lr =	simm.s32 $0x1  }
0x2: {  	[smem:$0x3F96] =	sst lr;
	_ =	strace $0xD0000000  }
0x3: {  	_ = 	snop  }
0x4: {  	_ = 	snop  }
0x5: {  	_ = 	snop  }
0x6: {  	_ = 	snop  }
0x7: {  	_ = 	snop  }
__scs_overlays_trampoline_lowered:
0x8: {  	[smem:$0x3FA5] =	sst s0  }
0x9: {  	[smem:$0x3FA6] =	sst s1  }
0xa: {  	[smem:$0x3FA7] =	sst s2  }
0xb: {  	[smem:$0x3FA8] =	sst s3  }
0xc: {  	[smem:$0x3FA9] =	sst s4  }
0xd: {  	[smem:$0x3FAA] =	sst s5  }
0xe: {  	[smem:$0x3FAB] =	sst s6  }
0xf: {  	[smem:$0x3FAC] =	sst s7  }
0x10: {  	[smem:$0x3FAD] =	sst s8  }
0x11: {  	[smem:$0x3FAE] =	sst s9;
	s0 =	simm.s32 @!p0 $0x0  }
0x12: {  	s1 =	sld [smem:$0x3F94];
	s0 =	simm.s32 @p0 $0x1  }
0x13: {  	[smem:$0x3FAF] =	sst s0;
	s0 =	simm.s32 @!p1 $0x0  }
0x14: {  	s2 =	sld [smem:$0x3F93];
	s0 =	simm.s32 @p1 $0x1  }
0x15: {  	[smem:$0x3FB0] =	sst s0;
	s0 =	simm.s32 @!p2 $0x0  }
0x16: {  	s3 =	sld [smem:$0x3FDB];
	s0 =	simm.s32 @p2 $0x1  }
0x17: {  	s4 =	simm.s32 $0x1BF5;
	[smem:$0x3FB2] =	sst s0  }
0x18: {  	s0 =	sld [smem:$0x3F95];
	_ =	swait.ge [sflag:s4], $0x0  }
0x19: {  	s7 =	sld [smem:$0x3F96]  }
0x1a: {  	s8 =	sadd.s32 $0xFFFFE003, lr  }
0x1b: {  	s9 =	sadd.s32 $0xFFFFFEF7, lr;
	s5 =	simm.s32 $0xFFFFFFFF;
	p2 =	slt.u32 s8, $0xFFFFF086  }
0x1c: {  	p1 =	slt.u32 s9, $0xF7A;
	s5 =	simm.s32 @!p2 $0x0  }
0x1d: {  	s5 =	simm.s32 @p1 $0x1;
	p0 =	seq.s32 s7, s2  }
0x1e: {  	s7 =	smul.u32 @!p0 $0xF7A, s2;
	p2 =	seq.s32 @!p0 s5, $0x0  }
0x1f: {  	s9 =	smul.u32 $0xF7A, s1;
	s8 =	simm.s32 @!p0 $0x1BF5;
	p2 =	por !p2, p0  }
0x20: {  	[sflag:s8] =	ssyncset.s32 @!p0 $0xFFFFF086;
	s6 =	sadd.s32 @!p0 s3, s7;
	s7 =	simm.s32 @!p0 $0x108  }
0x21: {  	s3 =	sadd.s32 s3, s9;
	s6 =	sadd.s32 @!p0 $0x88, s6;
	s7 =	simm.s32 @p2 $0x1082  }
0x22: {  	[simem:s7], [sflag:s8] =	dma.local @!p0 [hbm:s6], $0xF7A  }
0x23: {  	s9 =	sor.u32 $0xD0000000, s2;
	s6 =	simm.s32 $0x108;
	_ =	swait.ge @!p0 [sflag:s8], $0x0  }
0x24: {  	s3 =	sadd.s32 $0x88, s3;
	s6 =	simm.s32 @!p1 $0x1082;
	[sflag:s4] =	ssyncset.s32 $0xFFFFF086  }
0x25: {  	[simem:s6], [sflag:s4] =	dma.local [hbm:s3], $0xF7A  }
0x26: {  	[smem:$0x3F96] =	sst s1;
	(tag) =	ssettag s2;
	_ =	strace s9  }
0x27: {  	s1 =	sld [smem:$0x3FA6]  }
0x28: {  	s2 =	sld [smem:$0x3FA7]  }
0x29: {  	s4 =	sld [smem:$0x3FA9]  }
0x2a: {  	p0 =	seq.s32 s5, $0x0;
	s5 =	sld [smem:$0x3FAA]  }
0x2b: {  	s6 =	sld [smem:$0x3FAB]  }
0x2c: {  	s7 =	sld [smem:$0x3FAC]  }
0x2d: {  	s3 =	simm.s32 $0x108;
	s8 =	sld [smem:$0x3FAD]  }
0x2e: {  	s3 =	simm.s32 @!p0 $0x1082;
	s9 =	sld [smem:$0x3FAE]  }
0x2f: {  	lr =	sadd.s32 s0, s3;
	s0 =	sld [smem:$0x3FA5]  }
0x30: {  	s3 =	sld [smem:$0x3FA8]  }
0x31: {  	[smem:$0x3FB1] =	sst s10  }
0x32: {  	s10 =	sld [smem:$0x3FAF];
	_ =	sdelay $0x3  }
0x33: {  	p0 =	seq.s32 s10, $0x1;
	s10 =	sld [smem:$0x3FB1];
	_ =	sdelay $0x3  }
0x34: {  	[smem:$0x3FB1] =	sst s10  }
0x35: {  	s10 =	sld [smem:$0x3FB0];
	_ =	sdelay $0x3  }
0x36: {  	p1 =	seq.s32 s10, $0x1;
	s10 =	sld [smem:$0x3FB1];
	_ =	sdelay $0x3  }
0x37: {  	[smem:$0x3FB1] =	sst s10  }
0x38: {  	s10 =	sld [smem:$0x3FB2]  }
0x39: {  	_ = 	snop;
	(pc) =	sbr.ind lr, $3  }
0x3a: {  	_ = 	snop  }
0x3b: {  	_ = 	snop  }
0x3c: {  	p2 =	seq.s32 s10, $0x1;
	s10 =	sld [smem:$0x3FB1]  }
0x3d: {  	_ =	shalt  }
0x3e: {  	_ =	shalt  }
0x3f: {  	_ =	shalt  }
0x40: {  	_ =	shalt  }
0x41: {  	_ =	shalt  }
0x42: {  	_ =	shalt  }
0x43: {  	_ =	shalt  }
0x44: {  	_ =	shalt  }
0x45: {  	_ =	shalt  }
0x46: {  	_ =	shalt  }
0x47: {  	_ =	shalt  }
0x48: {  	_ =	shalt  }
0x49: {  	_ =	shalt  }
0x4a: {  	_ =	shalt  }
0x4b: {  	_ =	shalt  }
0x4c: {  	_ =	shalt  }
0x4d: {  	_ =	shalt  }
0x4e: {  	_ =	shalt  }
0x4f: {  	_ =	shalt  }
0x50: {  	_ =	shalt  }
0x51: {  	_ =	shalt  }
0x52: {  	_ =	shalt  }
0x53: {  	_ =	shalt  }
0x54: {  	_ =	shalt  }
0x55: {  	_ =	shalt  }
0x56: {  	_ =	shalt  }
0x57: {  	_ =	shalt  }
0x58: {  	_ =	shalt  }
0x59: {  	_ =	shalt  }
0x5a: {  	_ =	shalt  }
0x5b: {  	_ =	shalt  }
0x5c: {  	_ =	shalt  }
0x5d: {  	_ =	shalt  }
0x5e: {  	_ =	shalt  }
0x5f: {  	_ =	shalt  }
0x60: {  	_ =	shalt  }
0x61: {  	_ =	shalt  }
0x62: {  	_ =	shalt  }
0x63: {  	_ =	shalt  }
0x64: {  	_ =	shalt  }
0x65: {  	_ =	shalt  }
0x66: {  	_ =	shalt  }
0x67: {  	_ =	shalt  }
0x68: {  	_ =	shalt  }
0x69: {  	_ =	shalt  }
0x6a: {  	_ =	shalt  }
0x6b: {  	_ =	shalt  }
0x6c: {  	_ =	shalt  }
0x6d: {  	_ =	shalt  }
0x6e: {  	_ =	shalt  }
0x6f: {  	_ =	shalt  }
0x70: {  	_ =	shalt  }
0x71: {  	_ =	shalt  }
0x72: {  	_ =	shalt  }
0x73: {  	_ =	shalt  }
0x74: {  	_ =	shalt  }
0x75: {  	_ =	shalt  }
0x76: {  	_ =	shalt  }
0x77: {  	_ =	shalt  }
0x78: {  	_ =	shalt  }
0x79: {  	_ =	shalt  }
0x7a: {  	_ =	shalt  }
0x7b: {  	_ =	shalt  }
0x7c: {  	_ =	shalt  }
0x7d: {  	_ =	shalt  }
0x7e: {  	_ =	shalt  }
0x7f: {  	_ =	shalt  }
0x80: {  	_ =	shalt  }
0x81: {  	_ =	shalt  }
0x82: {  	_ =	shalt  }
0x83: {  	_ =	shalt  }
0x84: {  	_ =	shalt  }
0x85: {  	_ =	shalt  }
0x86: {  	_ =	shalt  }
0x87: {  	_ =	shalt  }
.Lfunc_end0:
.L_simem_size_0:
called_computation.1_lowered:
.L_overlay_start_0:
0x88: {  	s2 =	sld [smem:$0x3FD9]  }
0x89: {  	s3 =	sld [smem:$0x3FFE];
	_ =	sdelay $0x1  }
0x8a: {  	s1 =	srdreg.scid  }
0x8b: {  	s0 =	sand.u32 $0x1, s1  }
0x8c: {  	s16 =	sshll.u32 s0, $0xA;
	s2 =	sadd.s32 s3, s2  }
0x8d: {  	s2 =	sadd.s32 s2, s16  }
0x8e: {  	[smem:$0x3FBD] =	sst s2  }
0x8f: {  	_ = 	snop  }
0x90: {  	(tm) =	ssettm $0x1  }
0x91: {  	s17 =	sld [smem:$0x3FFB];
	_ =	sdelay $0x3  }
0x92: {  	_ =	strace s17  }
0x93: {  	s2 =	sld [smem:$0x3FFC];
	_ =	sdelay $0x3  }
0x94: {  	_ =	strace s2  }
0x95: {  	s2 =	sld [smem:$0x3FFD];
	_ =	sdelay $0x3  }
0x96: {  	_ =	strace s2  }
0x97: {  	_ =	strace $0x8FFFFFFF  }
0x98: {  	s18 =	sld [smem:$0x3FDB];
	_ =	sdelay $0x1  }
0x99: {  	s19 =	simm.s32 $_scs_section_size  }
0x9a: {  	s4 =	simm.s32 $_size__tile_overlayer_lowered;
	s5 =	simm.s32 $_tile_overlayer_lowered  }
0x9b: {  	s22 =	simm.s32 $0x1BFF;
	s21 =	sshll.u32 s5, $0x1;
	s2 =	sadd.s32 s19, s18  }
0x9c: {  	s6 =	simm.s32 $0x0;
	s20 =	sshll.u32 s4, $0x1;
	s4 =	sadd.s32 s21, s2  }
0x9d: {  	[timem:s6], [sflag:s22] =	dma.local [hbm:s4], s20  }
0x9e: {  	_ =	swait.ge [sflag:s22], s20  }
0x9f: {  	s3 =	ssub.s32 $0x0, s20;
	[sflag:s22] =	ssyncset.done $0x0  }
0xa0: {  	[sflag:s22] =	ssyncadd.s32 s3;
	_ =	sdelay $0x1  }
0xa1: {  	s23 =	simm.s32 $0x1B8B  }
0xa2: {  	_ =	swait.ge [sflag:s23], $0x1  }
0xa3: {  	[sflag:s23] =	ssyncset.done $0x0  }
0xa4: {  	s25 =	simm.s32 $0x1B8E;
	s24 =	sld [smem:$0x3FFE];
	[sflag:s23] =	ssyncadd.s32 $0xFFFFFFFF  }
0xa5: {  	s26 =	simm.s32 $execute0_lowered;
	[smem:$0x3FD2] =	sst s25  }
0xa6: {  	s4 =	sshll.u32 s26, $0x1;
	_ =	strace $0x80000049;
	[dreg:$0x1] =	wrdreg $0xFFFFFFFF  }
0xa7: {  	s28 =	simm.s32 $_size_execute0_lowered;
	s2 =	sadd.s32 s2, s4;
	[dreg:$0x0] =	wrdreg $0x0  }
0xa8: {  	s4 =	sshll.u32 s28, $0x1;
	[dreg:$0x2] =	wrdreg s2  }
0xa9: {  	[dreg:$0x3] =	wrdreg s4  }
0xaa: {  	[dreg:$0x4] =	wrdreg $0xC0  }
0xab: {  	_ =	task [dreg:s6], $0x5FFFF  }
0xac: {  	[dreg:$0x1] =	wrdreg $0xFFFFFFFF  }
0xad: {  	[dreg:$0x0] =	wrdreg $0x60  }
0xae: {  	[dreg:$0x2] =	wrdreg s24  }
0xaf: {  	[dreg:$0x3] =	wrdreg $0x90000  }
0xb0: {  	[dreg:$0x4] =	wrdreg $0x9  }
0xb1: {  	_ =	task.clear_ibuf [dreg:s6], $0x5FFFF;
	_ =	strace $0x90000049  }
0xb2: {  	s29 =	simm.s32 $0x9;
	_ =	strace $0x8000004B  }
0xb3: {  	_ =	swait.ge [sflag:s29], $0x1  }
0xb4: {  	[sflag:s29] =	ssyncadd.s32 $0xFFFFFFFF  }
0xb5: {  	_ =	strace $0x9000004B  }
0xb6: {  	_ =	sfence  }
0xb7: {  	s30 =	sld [smem:$0x0];
	_ =	sdelay $0x2  }
0xb8: {  	s31 =	sshll.u32 s1, $0xD;
	s1 =	sshrl.u32 s1, $0x2  }
0xb9: {  	s3 =	sand.u32 $0x4000, s31;
	s1 =	sadd.s32 s1, s30  }
0xba: {  	s0 =	sor.u32 s3, s0;
	s1 =	sshll.u32 s1, $0x11  }
0xbb: {  	s0 =	sor.u32 s1, s0  }
0xbc: {  	s0 =	sadd.s32 $0x8F2B, s0  }
0xbd: {  	[sflag:s0] =	ssyncadd.remote.s32 $0x1  }
0xbe: {  	_ =	sfence.sel $0xFFFF  }
0xbf: {  	[dreg:$0x0] =	wrdreg $0xFFFFFFFF;
	(pc) =	sbr.abs _section_cstart, $3  }
0xc0: {  	[dreg:$0x1] =	wrdreg $0xFFFFFFFF  }
0xc1: {  	_ =	task.clear_ibuf [dreg:s6], $0x2FFFF;
	_ =	strace $0x9FFFFFFF  }
0xc2: {  	(tm) =	ssettm $0x7FFFFFFF  }
0xc3: {  	_ =	shalt  }
tec
execute0_lowered:
.L_overlay_start_1:
0x0: {  	(tag) =	ssettag $0x1  }
0x1: {  	s0 =	srdreg.scid;
	s6 =	rddreg [dreg:$0x0]  }
0x2: {  	s2 =	rddreg [dreg:$0x1];
	s3 =	simm.s32 $0x0;
	s14 =	simm.s32 $0x80  }
0x3: {  	s15 =	simm.s32 $0x5000;
	s5 =	sand.u32 $0x1, s0;
	s0 =	stileid.u32  }
0x4: {  	s16 =	simm.s32 $0x1;
	s17 =	simm.s32 $0x0;
	s8 =	smul.u32 $0x13C00, s0  }
0x5: {  	[smem:$0x7FF] =	sst s3;
	s1 =	sshll.u32 s5, $0x4;
	s9 =	smul.u32 $0x13C000, s5  }
0x6: {  	s5 =	ssub.s32 $0x2, s5;
	s29 =	smul.u32 $0x4F000, s0;
	s31 =	sshll.u32 s0, $0x6  }
0x7: {  	s4 =	sor.u32 s0, s1;
	s1 =	rddreg [dreg:$0x2];
	_ =	strace $0x8000004A  }
0x8: {  	s11 =	sshrl.u32 s5, $0x1;
	s7 =	smul.u32 $0x500, s4;
	s4 =	sadd.s32 $0x17C00, s6  }
0x9: {  	s28 =	sshrl.u32 s8, $0x3;
	s8 =	sadd.s32 s8, s9;
	s30 =	sshrl.u32 s29, $0x2  }
0xa: {  	s11 =	ssub.s32 s5, s11;
	s8 =	sshrl.u32 s8, $0x3;
	s13 =	sadd.s32 s30, s2  }
0xb: {  	s10 =	sadd.s32 s7, s6;
	s7 =	sadd.s32 s28, s6;
	s12 =	sadd.s32 s8, s6  }
0xc: {  	s6 =	sor.u32 $0x1C02, s31;
	s5 =	sadd.s32 $0x3EE00, s7;
	s7 =	sadd.s32 $0x3C00, s10  }
0xd: {  	s8 =	sadd.s32 $0xDC00, s10;
	s9 =	sadd.s32 $0x66600, s12;
	s10 =	smax.u32 s11, $0x1  }
0xe: {  	s11 =	sshrl.u32 s13, $0x3;
	s12 =	simm.s32 $0x2;
	s13 =	simm.s32 $0x2800  }
.LBB2_1:
0xf: {  	[spmem:s11], [sflag:s6] =	dma.local [hbm:s5], $0x2780  }
0x10: {  	_ =	swait.ge [sflag:s12], $0x2780  }
0x11: {  	[sflag:s12] =	ssyncset.done $0x0  }
0x12: {  	[sflag:s12] =	ssyncadd.s32 $0xFFFFD880  }
0x13: {  	[tilespmem:s3], [sflag:$0x2] =	stream.linear.gather [hbm4b:s7+s3], $0x2780, $0x38;
	[tilespmem:$0x1CC00] =	vst v63  }
0x14: {  	_ =	swait.ge [sflag:s12], $0x2780  }
0x15: {  	[sflag:s12] =	ssyncset.done $0x0  }
0x16: {  	[sflag:s12] =	ssyncadd.s32 $0xFFFFD880  }
0x17: {  	[tilespmem:s13], [sflag:$0x2] =	stream.linear.gather [hbm4b:s8+s3], $0x2780, $0x38;
	[tilespmem:$0x1CC00] =	vst v63  }
0x18: {  	_ =	swait.ge [sflag:s12], $0x2780  }
0x19: {  	[sflag:s12] =	ssyncset.done $0x0  }
0x1a: {  	[sflag:s12] =	ssyncadd.s32 $0xFFFFD880  }
0x1b: {  	s18 =	simm.s32 $0x0;
	[bflag:$0x0] =	sbarrier.arrive $0xFFFF  }
0x1c: {  	[tilespmem:s15], [sflag:$0x1] =	stream.indirect.gather [hbm4b:s4+s14], $0x80, s18, s14, $0xb8;
	[tilespmem:$0x1CC00] =	vst v63  }
0x1d: {  	_ =	swait.ge [sflag:s16], $0x4000  }
0x1e: {  	[sflag:s16] =	ssyncset.done $0x0  }
0x1f: {  	s31 =	simm.s32 $0x2800;
	[sflag:s16] =	ssyncadd.s32 $0xFFFFC000  }
0x20: {  	[spmem:s2] =	stream.indirect.scatter.add.f32 [tilespmem:s15], [sflag:$0x2], $0x80, s31, s14, $0xb8;
	[tilespmem:$0x1CC00] =	vst v63  }
0x21: {  	_ =	swait.ge [sflag:s12], $0x4000  }
0x22: {  	s19 =	simm.s32 $0x400;
	s18 =	simm.s32 $0x200;
	[sflag:s12] =	ssyncset.done $0x0  }
.LBB2_2:
0x23: {  	s20 =	sshra.s32 s18, $0x2  }
0x24: {  	[sflag:s12] =	ssyncadd.s32 $0xFFFFC000;
	s18 =	smov.u32 s19;
	s21 =	sadd.s32 $0x200, s19  }
0x25: {  	[tilespmem:s15], [sflag:$0x1] =	stream.indirect.gather [hbm4b:s4+s14], $0x80, s20, s14, $0xb8;
	[tilespmem:$0x1CC00] =	vst v63  }
0x26: {  	p0 =	sne.s32 s19, $0x9C00;
	_ =	swait.ge [sflag:s16], $0x4000  }
.Ltmp0:
0x27: {  	[sflag:s16] =	ssyncset.done $0x0;
	(pc) =	sbr.rel @p0 .LBB2_2-.Ltmp0, $4  }
0x28: {  	s19 =	sadd.s32 $0x2800, s20;
	[sflag:s16] =	ssyncadd.s32 $0xFFFFC000  }
0x29: {  	[spmem:s2] =	stream.indirect.scatter.add.f32 [tilespmem:s15], [sflag:$0x2], $0x80, s19, s14, $0xb8;
	[tilespmem:$0x1CC00] =	vst v63  }
0x2a: {  	_ =	swait.ge [sflag:s12], $0x4000  }
0x2b: {  	s19 =	smov.u32 s21;
	[sflag:s12] =	ssyncset.done $0x0  }
0x2c: {  	s18 =	sshra.s32 s18, $0x2;
	[sflag:s12] =	ssyncadd.s32 $0xFFFFC000  }
0x2d: {  	[tilespmem:s15], [sflag:$0x1] =	stream.indirect.gather [hbm4b:s4+s14], $0x80, s18, s14, $0xb8;
	[tilespmem:$0x1CC00] =	vst v63  }
0x2e: {  	_ =	swait.ge [sflag:s16], $0x4000  }
0x2f: {  	[sflag:s16] =	ssyncset.done $0x0  }
0x30: {  	s18 =	sadd.s32 $0x2800, s18;
	[sflag:s16] =	ssyncadd.s32 $0xFFFFC000  }
0x31: {  	[spmem:s2] =	stream.indirect.scatter.add.f32 [tilespmem:s15], [sflag:$0x2], $0x80, s18, s14, $0xb8;
	[tilespmem:$0x1CC00] =	vst v63  }
0x32: {  	_ =	swait.ge [sflag:s12], $0x4000  }
0x33: {  	s17 =	sadd.s32 $0x1, s17;
	[sflag:s12] =	ssyncset.done $0x0  }
0x34: {  	p0 =	sne.s32 s17, s10;
	[sflag:s12] =	ssyncadd.s32 $0xFFFFC000  }
.Ltmp1:
0x35: {  	[bflag:$0x0] =	sbarrier.arrive $0xFFFF;
	(pc) =	sbr.rel @p0 .LBB2_1-.Ltmp1, $4  }
0x36: {  	[hbm:s9], [sflag:s6] =	dma.local [spmem:s11], $0x2780  }
0x37: {  	_ =	swait.ge [sflag:s12], $0x2780  }
0x38: {  	[sflag:s12] =	ssyncset.done $0x0  }
0x39: {  	[sflag:s12] =	ssyncadd.s32 $0xFFFFD880  }
0x3a: {  	_ =	sfence.sel $0x180000  }
0x3b: {  	[bflag:$0x0] =	sbarrier.arrive $0xFFFF  }
0x3c: {  	p0 =	sne.s32 s0, $0x0;
	_ =	strace $0x9000004A  }
0x3d: {  	s0 =	sadd.s32 @!p0 $0x100000, s1;
	[bflag:$0x2] =	sbarrier.arrive $0xFFFF  }
0x3e: {  	[sflag:s0] =	ssyncadd.tile.s32 @!p0 $0x1;
	_ =	shalt  }
.Lfunc_end2:
_tile_overlayer_lowered:
.L_overlay_start_2:
0x3f: {  	(tag) =	ssettag $0x2  }
0x40: {  	s0 =	rddreg [dreg:$0x0];
	s2 =	stileid.u32  }
0x41: {  	s1 =	rddreg [dreg:$0x1];
	p0 =	sne.s32 s2, $0x0  }
0x42: {  	s3 =	rddreg [dreg:$0x2];
	[bflag:$0x3] =	sbarrier.arrive $0xFFFF;
	s2 =	simm.s32 @!p0 $0x1C02  }
0x43: {  	[timem:s3], [sflag:s2] =	dma.local @!p0 [hbm:s0], s1  }
0x44: {  	s0 =	simm.s32 @!p0 $0x2  }
0x45: {  	_ =	swait.ge @!p0 [sflag:s0], s1  }
0x46: {  	s1 =	ssub.s32 @!p0 $0x0, s1;
	[sflag:s0] =	ssyncset.done @!p0 $0x0  }
0x47: {  	[sflag:s0] =	ssyncadd.s32 @!p0 s1  }
0x48: {  	[bflag:$0x3] =	sbarrier.arrive $0xFFFF  }
0x49: {  	_ =	shalt  }

// kernel: kernel.20.cloned.1.call-start
scs
__scs_entry_jumppad:
0x0: {  	(pc) =	sbr.rel $0x88, $3  }
0x1: {  	(tag) =	ssettag $0x0;
	lr =	simm.s32 $0x1  }
0x2: {  	[smem:$0x3F96] =	sst lr;
	_ =	strace $0xD0000000  }
0x3: {  	_ = 	snop  }
0x4: {  	_ = 	snop  }
0x5: {  	_ = 	snop  }
0x6: {  	_ = 	snop  }
0x7: {  	_ = 	snop  }
__scs_overlays_trampoline_lowered:
0x8: {  	[smem:$0x3FA5] =	sst s0  }
0x9: {  	[smem:$0x3FA6] =	sst s1  }
0xa: {  	[smem:$0x3FA7] =	sst s2  }
0xb: {  	[smem:$0x3FA8] =	sst s3  }
0xc: {  	[smem:$0x3FA9] =	sst s4  }
0xd: {  	[smem:$0x3FAA] =	sst s5  }
0xe: {  	[smem:$0x3FAB] =	sst s6  }
0xf: {  	[smem:$0x3FAC] =	sst s7  }
0x10: {  	[smem:$0x3FAD] =	sst s8  }
0x11: {  	[smem:$0x3FAE] =	sst s9;
	s0 =	simm.s32 @!p0 $0x0  }
0x12: {  	s1 =	sld [smem:$0x3F94];
	s0 =	simm.s32 @p0 $0x1  }
0x13: {  	[smem:$0x3FAF] =	sst s0;
	s0 =	simm.s32 @!p1 $0x0  }
0x14: {  	s2 =	sld [smem:$0x3F93];
	s0 =	simm.s32 @p1 $0x1  }
0x15: {  	[smem:$0x3FB0] =	sst s0;
	s0 =	simm.s32 @!p2 $0x0  }
0x16: {  	s3 =	sld [smem:$0x3FDB];
	s0 =	simm.s32 @p2 $0x1  }
0x17: {  	s4 =	simm.s32 $0x1BF5;
	[smem:$0x3FB2] =	sst s0  }
0x18: {  	s0 =	sld [smem:$0x3F95];
	_ =	swait.ge [sflag:s4], $0x0  }
0x19: {  	s7 =	sld [smem:$0x3F96]  }
0x1a: {  	s8 =	sadd.s32 $0xFFFFE003, lr  }
0x1b: {  	s9 =	sadd.s32 $0xFFFFFEF7, lr;
	s5 =	simm.s32 $0xFFFFFFFF;
	p2 =	slt.u32 s8, $0xFFFFF086  }
0x1c: {  	p1 =	slt.u32 s9, $0xF7A;
	s5 =	simm.s32 @!p2 $0x0  }
0x1d: {  	s5 =	simm.s32 @p1 $0x1;
	p0 =	seq.s32 s7, s2  }
0x1e: {  	s7 =	smul.u32 @!p0 $0xF7A, s2;
	p2 =	seq.s32 @!p0 s5, $0x0  }
0x1f: {  	s9 =	smul.u32 $0xF7A, s1;
	s8 =	simm.s32 @!p0 $0x1BF5;
	p2 =	por !p2, p0  }
0x20: {  	[sflag:s8] =	ssyncset.s32 @!p0 $0xFFFFF086;
	s6 =	sadd.s32 @!p0 s3, s7;
	s7 =	simm.s32 @!p0 $0x108  }
0x21: {  	s3 =	sadd.s32 s3, s9;
	s6 =	sadd.s32 @!p0 $0x88, s6;
	s7 =	simm.s32 @p2 $0x1082  }
0x22: {  	[simem:s7], [sflag:s8] =	dma.local @!p0 [hbm:s6], $0xF7A  }
0x23: {  	s9 =	sor.u32 $0xD0000000, s2;
	s6 =	simm.s32 $0x108;
	_ =	swait.ge @!p0 [sflag:s8], $0x0  }
0x24: {  	s3 =	sadd.s32 $0x88, s3;
	s6 =	simm.s32 @!p1 $0x1082;
	[sflag:s4] =	ssyncset.s32 $0xFFFFF086  }
0x25: {  	[simem:s6], [sflag:s4] =	dma.local [hbm:s3], $0xF7A  }
0x26: {  	[smem:$0x3F96] =	sst s1;
	(tag) =	ssettag s2;
	_ =	strace s9  }
0x27: {  	s1 =	sld [smem:$0x3FA6]  }
0x28: {  	s2 =	sld [smem:$0x3FA7]  }
0x29: {  	s4 =	sld [smem:$0x3FA9]  }
0x2a: {  	p0 =	seq.s32 s5, $0x0;
	s5 =	sld [smem:$0x3FAA]  }
0x2b: {  	s6 =	sld [smem:$0x3FAB]  }
0x2c: {  	s7 =	sld [smem:$0x3FAC]  }
0x2d: {  	s3 =	simm.s32 $0x108;
	s8 =	sld [smem:$0x3FAD]  }
0x2e: {  	s3 =	simm.s32 @!p0 $0x1082;
	s9 =	sld [smem:$0x3FAE]  }
0x2f: {  	lr =	sadd.s32 s0, s3;
	s0 =	sld [smem:$0x3FA5]  }
0x30: {  	s3 =	sld [smem:$0x3FA8]  }
0x31: {  	[smem:$0x3FB1] =	sst s10  }
0x32: {  	s10 =	sld [smem:$0x3FAF];
	_ =	sdelay $0x3  }
0x33: {  	p0 =	seq.s32 s10, $0x1;
	s10 =	sld [smem:$0x3FB1];
	_ =	sdelay $0x3  }
0x34: {  	[smem:$0x3FB1] =	sst s10  }
0x35: {  	s10 =	sld [smem:$0x3FB0];
	_ =	sdelay $0x3  }
0x36: {  	p1 =	seq.s32 s10, $0x1;
	s10 =	sld [smem:$0x3FB1];
	_ =	sdelay $0x3  }
0x37: {  	[smem:$0x3FB1] =	sst s10  }
0x38: {  	s10 =	sld [smem:$0x3FB2]  }
0x39: {  	_ = 	snop;
	(pc) =	sbr.ind lr, $3  }
0x3a: {  	_ = 	snop  }
0x3b: {  	_ = 	snop  }
0x3c: {  	p2 =	seq.s32 s10, $0x1;
	s10 =	sld [smem:$0x3FB1]  }
0x3d: {  	_ =	shalt  }
0x3e: {  	_ =	shalt  }
0x3f: {  	_ =	shalt  }
0x40: {  	_ =	shalt  }
0x41: {  	_ =	shalt  }
0x42: {  	_ =	shalt  }
0x43: {  	_ =	shalt  }
0x44: {  	_ =	shalt  }
0x45: {  	_ =	shalt  }
0x46: {  	_ =	shalt  }
0x47: {  	_ =	shalt  }
0x48: {  	_ =	shalt  }
0x49: {  	_ =	shalt  }
0x4a: {  	_ =	shalt  }
0x4b: {  	_ =	shalt  }
0x4c: {  	_ =	shalt  }
0x4d: {  	_ =	shalt  }
0x4e: {  	_ =	shalt  }
0x4f: {  	_ =	shalt  }
0x50: {  	_ =	shalt  }
0x51: {  	_ =	shalt  }
0x52: {  	_ =	shalt  }
0x53: {  	_ =	shalt  }
0x54: {  	_ =	shalt  }
0x55: {  	_ =	shalt  }
0x56: {  	_ =	shalt  }
0x57: {  	_ =	shalt  }
0x58: {  	_ =	shalt  }
0x59: {  	_ =	shalt  }
0x5a: {  	_ =	shalt  }
0x5b: {  	_ =	shalt  }
0x5c: {  	_ =	shalt  }
0x5d: {  	_ =	shalt  }
0x5e: {  	_ =	shalt  }
0x5f: {  	_ =	shalt  }
0x60: {  	_ =	shalt  }
0x61: {  	_ =	shalt  }
0x62: {  	_ =	shalt  }
0x63: {  	_ =	shalt  }
0x64: {  	_ =	shalt  }
0x65: {  	_ =	shalt  }
0x66: {  	_ =	shalt  }
0x67: {  	_ =	shalt  }
0x68: {  	_ =	shalt  }
0x69: {  	_ =	shalt  }
0x6a: {  	_ =	shalt  }
0x6b: {  	_ =	shalt  }
0x6c: {  	_ =	shalt  }
0x6d: {  	_ =	shalt  }
0x6e: {  	_ =	shalt  }
0x6f: {  	_ =	shalt  }
0x70: {  	_ =	shalt  }
0x71: {  	_ =	shalt  }
0x72: {  	_ =	shalt  }
0x73: {  	_ =	shalt  }
0x74: {  	_ =	shalt  }
0x75: {  	_ =	shalt  }
0x76: {  	_ =	shalt  }
0x77: {  	_ =	shalt  }
0x78: {  	_ =	shalt  }
0x79: {  	_ =	shalt  }
0x7a: {  	_ =	shalt  }
0x7b: {  	_ =	shalt  }
0x7c: {  	_ =	shalt  }
0x7d: {  	_ =	shalt  }
0x7e: {  	_ =	shalt  }
0x7f: {  	_ =	shalt  }
0x80: {  	_ =	shalt  }
0x81: {  	_ =	shalt  }
0x82: {  	_ =	shalt  }
0x83: {  	_ =	shalt  }
0x84: {  	_ =	shalt  }
0x85: {  	_ =	shalt  }
0x86: {  	_ =	shalt  }
0x87: {  	_ =	shalt  }
.Lfunc_end0:
.L_simem_size_0:
called_computation.2_lowered:
.L_overlay_start_0:
0x88: {  	s2 =	sld [smem:$0x3FD9]  }
0x89: {  	s3 =	sld [smem:$0x3FFE];
	_ =	sdelay $0x1  }
0x8a: {  	s1 =	srdreg.scid  }
0x8b: {  	s0 =	sand.u32 $0x1, s1  }
0x8c: {  	s17 =	sshll.u32 s0, $0xA;
	s2 =	sadd.s32 s3, s2  }
0x8d: {  	s2 =	sadd.s32 s2, s17  }
0x8e: {  	[smem:$0x3FBD] =	sst s2  }
0x8f: {  	_ = 	snop  }
0x90: {  	s2 =	sld [smem:$0x3FD0];
	(tm) =	ssettm $0x1  }
0x91: {  	s18 =	sld [smem:$0x3FFB];
	_ =	sdelay $0x3  }
0x92: {  	_ =	strace s18  }
0x93: {  	s3 =	sld [smem:$0x3FFC];
	_ =	sdelay $0x3  }
0x94: {  	_ =	strace s3  }
0x95: {  	s3 =	sld [smem:$0x3FFD];
	_ =	sdelay $0x3  }
0x96: {  	_ =	strace s3  }
0x97: {  	_ =	strace $0x8FFFFFFF  }
0x98: {  	s19 =	sld [smem:$0x3FDB];
	_ =	sdelay $0x1  }
0x99: {  	s4 =	simm.s32 $_scs_section_size  }
0x9a: {  	s5 =	simm.s32 $_size__tile_overlayer_lowered;
	s6 =	simm.s32 $_tile_overlayer_lowered  }
0x9b: {  	s22 =	simm.s32 $0x1BFF;
	s21 =	sshll.u32 s6, $0x1;
	s3 =	sadd.s32 s4, s19  }
0x9c: {  	s7 =	simm.s32 $0x0;
	s20 =	sshll.u32 s5, $0x1;
	s5 =	sadd.s32 s21, s3  }
0x9d: {  	[timem:s7], [sflag:s22] =	dma.local [hbm:s5], s20  }
0x9e: {  	_ =	swait.ge [sflag:s22], s20  }
0x9f: {  	s4 =	ssub.s32 $0x0, s20;
	[sflag:s22] =	ssyncset.done $0x0  }
0xa0: {  	[sflag:s22] =	ssyncadd.s32 s4;
	_ =	sdelay $0x1  }
0xa1: {  	s23 =	simm.s32 $0x1B8B  }
0xa2: {  	_ =	swait.ge [sflag:s23], $0x1  }
0xa3: {  	[sflag:s23] =	ssyncset.done $0x0  }
0xa4: {  	s25 =	simm.s32 $0x1B8E;
	s24 =	sld [smem:$0x3FFE];
	[sflag:s23] =	ssyncadd.s32 $0xFFFFFFFF  }
0xa5: {  	s26 =	simm.s32 $execute0_lowered;
	[smem:$0x3FD2] =	sst s25  }
0xa6: {  	s5 =	sshll.u32 s26, $0x1;
	_ =	strace $0x8000004C;
	[dreg:$0x1] =	wrdreg $0xFFFFFFFF  }
0xa7: {  	s28 =	simm.s32 $_size_execute0_lowered;
	s3 =	sadd.s32 s3, s5;
	[dreg:$0x0] =	wrdreg $0x0  }
0xa8: {  	s5 =	sshll.u32 s28, $0x1;
	[dreg:$0x2] =	wrdreg s3  }
0xa9: {  	[dreg:$0x3] =	wrdreg s5  }
0xaa: {  	[dreg:$0x4] =	wrdreg $0xC0  }
0xab: {  	_ =	task [dreg:s7], $0x5FFFF  }
0xac: {  	[dreg:$0x1] =	wrdreg $0xFFFFFFFF  }
0xad: {  	[dreg:$0x0] =	wrdreg $0x60  }
0xae: {  	[dreg:$0x2] =	wrdreg s24  }
0xaf: {  	[dreg:$0x3] =	wrdreg s2  }
0xb0: {  	[dreg:$0x4] =	wrdreg $0x26000  }
0xb1: {  	[dreg:$0x5] =	wrdreg $0x9  }
0xb2: {  	_ =	task.clear_ibuf [dreg:s7], $0x6FFFF;
	_ =	strace $0x9000004C  }
0xb3: {  	s29 =	simm.s32 $0x9;
	_ =	strace $0x8000004E  }
0xb4: {  	_ =	swait.ge [sflag:s29], $0x1  }
0xb5: {  	[sflag:s29] =	ssyncadd.s32 $0xFFFFFFFF  }
0xb6: {  	_ =	strace $0x9000004E  }
0xb7: {  	_ =	sfence  }
0xb8: {  	s30 =	sld [smem:$0x0];
	_ =	sdelay $0x2  }
0xb9: {  	s31 =	sshll.u32 s1, $0xD;
	s1 =	sshrl.u32 s1, $0x2  }
0xba: {  	s3 =	sand.u32 $0x4000, s31;
	s1 =	sadd.s32 s1, s30  }
0xbb: {  	s0 =	sor.u32 s3, s0;
	s1 =	sshll.u32 s1, $0x11  }
0xbc: {  	s0 =	sor.u32 s1, s0  }
0xbd: {  	s0 =	sadd.s32 $0x8F2B, s0  }
0xbe: {  	[sflag:s0] =	ssyncadd.remote.s32 $0x1  }
0xbf: {  	_ =	sfence.sel $0xFFFF  }
0xc0: {  	[dreg:$0x0] =	wrdreg $0xFFFFFFFF;
	(pc) =	sbr.abs _section_cstart, $3  }
0xc1: {  	[dreg:$0x1] =	wrdreg $0xFFFFFFFF  }
0xc2: {  	_ =	task.clear_ibuf [dreg:s7], $0x2FFFF;
	_ =	strace $0x9FFFFFFF  }
0xc3: {  	(tm) =	ssettm $0x7FFFFFFF  }
tec
execute0_lowered:
.L_overlay_start_1:
0x0: {  	(tag) =	ssettag $0x1  }
0x1: {  	s4 =	rddreg [dreg:$0x0]  }
0x2: {  	s7 =	rddreg [dreg:$0x1]  }
0x3: {  	s0 =	srdreg.scid;
	s2 =	rddreg [dreg:$0x2];
	s3 =	simm.s32 $0x0  }
0x4: {  	s17 =	simm.s32 $0x1;
	s18 =	simm.s32 $0x400;
	s19 =	simm.s32 $0x600  }
0x5: {  	s20 =	simm.s32 $0x40;
	s21 =	simm.s32 $0x80;
	s22 =	simm.s32 $0x100  }
0x6: {  	s6 =	sand.u32 $0x1, s0;
	s0 =	stileid.u32;
	[smem:$0x7FF] =	sst s3  }
0x7: {  	s1 =	sshll.u32 s6, $0x4;
	s23 =	sshll.u32 s0, $0xA;
	s10 =	sshll.u32 s0, $0x4  }
0x8: {  	s11 =	ssub.s32 $0x2, s6;
	s26 =	sshll.u32 s0, $0xD;
	s28 =	sshll.u32 s0, $0x6  }
0x9: {  	s29 =	sshll.u32 s6, $0xE;
	s8 =	sor.u32 s0, s1;
	s1 =	rddreg [dreg:$0x3]  }
0xa: {  	_ =	strace $0x8000004D;
	s12 =	sadd.s32 s23, s4;
	s24 =	sand.u32 $0x70, s10  }
0xb: {  	s25 =	sshrl.u32 s11, $0x1;
	s16 =	sadd.s32 s26, s2;
	s23 =	simm.s32 $0x180  }
0xc: {  	s26 =	simm.s32 $0x0;
	s5 =	smul.u32 $0xA000, s8;
	s9 =	sshll.u32 s8, $0x6  }
0xd: {  	s13 =	sadd.s32 s24, s4;
	s10 =	ssub.s32 s11, s25;
	s8 =	sshll.u32 s8, $0x7  }
0xe: {  	s11 =	sadd.s32 s29, s12;
	s16 =	sshrl.u32 s16, $0x3;
	s24 =	simm.s32 $0x200  }
0xf: {  	s25 =	simm.s32 $0x4600;
	s9 =	sadd.s32 s9, s4;
	s6 =	sadd.s32 s7, s8  }
0x10: {  	s30 =	sand.u32 $0xC00, s8;
	s8 =	sadd.s32 $0x2BC00, s11;
	s10 =	smax.u32 s10, $0x1  }
0x11: {  	s5 =	sshrl.u32 s5, $0x3;
	s7 =	sadd.s32 $0xBF400, s9;
	s31 =	sadd.s32 s30, s13  }
0x12: {  	s15 =	sadd.s32 s5, s4;
	s4 =	sadd.s32 $0x3EE00, s12;
	s5 =	sor.u32 $0x1C01, s28  }
0x13: {  	s9 =	sadd.s32 $0x33C00, s31;
	s11 =	sadd.s32 $0x3C00, s15;
	s12 =	sadd.s32 $0x4000, s15  }
0x14: {  	v0 =	vimm.f32 $0.0e+00;
	v1 =	vimm.f32 $1.000000000e+00;
	s13 =	sadd.s32 $0x4400, s15;
	s14 =	sadd.s32 $0x4800, s15;
	s15 =	sadd.s32 $0x4C00, s15  }
.LBB2_1:
0x15: {  	[spmem:s16], [sflag:s5] =	dma.local [hbm:s4], $0x400  }
0x16: {  	_ =	swait.ge [sflag:s17], $0x400  }
0x17: {  	[sflag:s17] =	ssyncset.done $0x0  }
0x18: {  	s28 =	simm.s32 $0x40;
	s29 =	simm.s32 $0x0;
	[sflag:s17] =	ssyncadd.s32 $0xFFFFFC00  }
.LBB2_2:
0x19: {  	p0 =	sne.s32 s28, $0xFC0;
	[tilespmem:s29+$0x4600] =	vst v0;
	s29 =	smov.u32 s28;
	s28 =	sadd.s32 $0x40, s28  }
.Ltmp0:
0x1a: {  	(pc) =	sbr.rel @p0 .LBB2_2-.Ltmp0, $2  }
0x1b: {  	_ =	sdelay $0x2  }
0x1c: {  	s29 =	sshra.s32 s29, $0x2  }
0x1d: {  	[tilespmem:s29+$0x4600] =	vst v0  }
0x1e: {  	[tilespmem:s3], [sflag:$0x1] =	stream.linear.gather [hbm4b:s6+s3], $0x280, $0x38;
	[tilespmem:$0x4A00] =	vst v63  }
0x1f: {  	_ =	swait.ge [sflag:s17], $0x280  }
0x20: {  	[sflag:s17] =	ssyncset.done $0x0  }
0x21: {  	[sflag:s17] =	ssyncadd.s32 $0xFFFFFD80  }
0x22: {  	[tilespmem:s18], [sflag:$0x1] =	stream.linear.gather [hbm4b:s7+s3], $0x200, $0x38;
	[tilespmem:$0x4A00] =	vst v63  }
0x23: {  	_ =	swait.ge [sflag:s17], $0x200  }
0x24: {  	[sflag:s17] =	ssyncset.done $0x0  }
0x25: {  	[sflag:s17] =	ssyncadd.s32 $0xFFFFFE00  }
0x26: {  	[bflag:$0x0] =	sbarrier.arrive $0xFFFF  }
0x27: {  	[tilespmem:s19], [sflag:$0x1] =	stream.linear.gather [hbm4b:s11+s3], $0x2000, $0x38;
	[tilespmem:$0x4A00] =	vst v63  }
0x28: {  	_ =	swait.ge [sflag:s17], $0x2000  }
0x29: {  	[sflag:s17] =	ssyncset.done $0x0  }
0x2a: {  	[sflag:s17] =	ssyncadd.s32 $0xFFFFE000  }
0x2b: {  	[spmem:s2] =	stream.indirect.scatter.add.f32 [tilespmem:s19], [sflag:$0x1], $0x80, s3, s20, $0xb8;
	[tilespmem:$0x4A00] =	vst v63  }
0x2c: {  	_ =	swait.ge [sflag:s17], $0x2000  }
0x2d: {  	[sflag:s17] =	ssyncset.done $0x0  }
0x2e: {  	[sflag:s17] =	ssyncadd.s32 $0xFFFFE000  }
0x2f: {  	[tilespmem:s19], [sflag:$0x1] =	stream.linear.gather [hbm4b:s12+s3], $0x2000, $0x38;
	[tilespmem:$0x4A00] =	vst v63  }
0x30: {  	_ =	swait.ge [sflag:s17], $0x2000  }
0x31: {  	[sflag:s17] =	ssyncset.done $0x0  }
0x32: {  	[sflag:s17] =	ssyncadd.s32 $0xFFFFE000  }
0x33: {  	[spmem:s2] =	stream.indirect.scatter.add.f32 [tilespmem:s19], [sflag:$0x1], $0x80, s21, s20, $0xb8;
	[tilespmem:$0x4A00] =	vst v63  }
0x34: {  	_ =	swait.ge [sflag:s17], $0x2000  }
0x35: {  	[sflag:s17] =	ssyncset.done $0x0  }
0x36: {  	[sflag:s17] =	ssyncadd.s32 $0xFFFFE000  }
0x37: {  	[tilespmem:s19], [sflag:$0x1] =	stream.linear.gather [hbm4b:s13+s3], $0x2000, $0x38;
	[tilespmem:$0x4A00] =	vst v63  }
0x38: {  	_ =	swait.ge [sflag:s17], $0x2000  }
0x39: {  	[sflag:s17] =	ssyncset.done $0x0  }
0x3a: {  	[sflag:s17] =	ssyncadd.s32 $0xFFFFE000  }
0x3b: {  	[spmem:s2] =	stream.indirect.scatter.add.f32 [tilespmem:s19], [sflag:$0x1], $0x80, s22, s20, $0xb8;
	[tilespmem:$0x4A00] =	vst v63  }
0x3c: {  	_ =	swait.ge [sflag:s17], $0x2000  }
0x3d: {  	[sflag:s17] =	ssyncset.done $0x0  }
0x3e: {  	[sflag:s17] =	ssyncadd.s32 $0xFFFFE000  }
0x3f: {  	[tilespmem:s19], [sflag:$0x1] =	stream.linear.gather [hbm4b:s14+s3], $0x2000, $0x38;
	[tilespmem:$0x4A00] =	vst v63  }
0x40: {  	_ =	swait.ge [sflag:s17], $0x2000  }
0x41: {  	[sflag:s17] =	ssyncset.done $0x0  }
0x42: {  	[sflag:s17] =	ssyncadd.s32 $0xFFFFE000  }
0x43: {  	[spmem:s2] =	stream.indirect.scatter.add.f32 [tilespmem:s19], [sflag:$0x1], $0x80, s23, s20, $0xb8;
	[tilespmem:$0x4A00] =	vst v63  }
0x44: {  	_ =	swait.ge [sflag:s17], $0x2000  }
0x45: {  	[sflag:s17] =	ssyncset.done $0x0  }
0x46: {  	[sflag:s17] =	ssyncadd.s32 $0xFFFFE000  }
0x47: {  	[tilespmem:s19], [sflag:$0x1] =	stream.linear.gather [hbm4b:s15+s3], $0x2000, $0x38;
	[tilespmem:$0x4A00] =	vst v63  }
0x48: {  	_ =	swait.ge [sflag:s17], $0x2000  }
0x49: {  	[sflag:s17] =	ssyncset.done $0x0  }
0x4a: {  	[sflag:s17] =	ssyncadd.s32 $0xFFFFE000  }
0x4b: {  	[spmem:s2] =	stream.indirect.scatter.add.f32 [tilespmem:s19], [sflag:$0x1], $0x80, s24, s20, $0xb8;
	[tilespmem:$0x4A00] =	vst v63  }
0x4c: {  	_ =	swait.ge [sflag:s17], $0x2000  }
0x4d: {  	[sflag:s17] =	ssyncset.done $0x0  }
0x4e: {  	[sflag:s17] =	ssyncadd.s32 $0xFFFFE000  }
0x4f: {  	v2 =	vld [tilespmem:$0x400];
	_ =	sdelay $0x7  }
0x50: {  	[tilespmem:v2+s25+$0x0] =	vst.idx.add.f32.msk $0xffff, v1  }
0x51: {  	v2 =	vld [tilespmem:$0x410];
	_ =	sdelay $0x7  }
0x52: {  	[tilespmem:v2+s25+$0x0] =	vst.idx.add.f32.msk $0xffff, v1  }
0x53: {  	v2 =	vld [tilespmem:$0x420];
	_ =	sdelay $0x7  }
0x54: {  	[tilespmem:v2+s25+$0x0] =	vst.idx.add.f32.msk $0xffff, v1  }
0x55: {  	v2 =	vld [tilespmem:$0x430];
	_ =	sdelay $0x7  }
0x56: {  	[tilespmem:v2+s25+$0x0] =	vst.idx.add.f32.msk $0xffff, v1  }
0x57: {  	v2 =	vld [tilespmem:$0x440];
	_ =	sdelay $0x7  }
0x58: {  	[tilespmem:v2+s25+$0x0] =	vst.idx.add.f32.msk $0xffff, v1  }
0x59: {  	v2 =	vld [tilespmem:$0x450];
	_ =	sdelay $0x7  }
0x5a: {  	[tilespmem:v2+s25+$0x0] =	vst.idx.add.f32.msk $0xffff, v1  }
0x5b: {  	v2 =	vld [tilespmem:$0x460];
	_ =	sdelay $0x7  }
0x5c: {  	[tilespmem:v2+s25+$0x0] =	vst.idx.add.f32.msk $0xffff, v1  }
0x5d: {  	v2 =	vld [tilespmem:$0x470];
	_ =	sdelay $0x7  }
0x5e: {  	[tilespmem:v2+s25+$0x0] =	vst.idx.add.f32.msk $0xffff, v1  }
0x5f: {  	v2 =	vld [tilespmem:$0x480];
	_ =	sdelay $0x7  }
0x60: {  	[tilespmem:v2+s25+$0x0] =	vst.idx.add.f32.msk $0xffff, v1  }
0x61: {  	v2 =	vld [tilespmem:$0x490];
	_ =	sdelay $0x7  }
0x62: {  	[tilespmem:v2+s25+$0x0] =	vst.idx.add.f32.msk $0xffff, v1  }
0x63: {  	v2 =	vld [tilespmem:$0x4A0];
	_ =	sdelay $0x7  }
0x64: {  	[tilespmem:v2+s25+$0x0] =	vst.idx.add.f32.msk $0xffff, v1  }
0x65: {  	v2 =	vld [tilespmem:$0x4B0];
	_ =	sdelay $0x7  }
0x66: {  	[tilespmem:v2+s25+$0x0] =	vst.idx.add.f32.msk $0xffff, v1  }
0x67: {  	v2 =	vld [tilespmem:$0x4C0];
	_ =	sdelay $0x7  }
0x68: {  	[tilespmem:v2+s25+$0x0] =	vst.idx.add.f32.msk $0xffff, v1  }
0x69: {  	v2 =	vld [tilespmem:$0x4D0];
	_ =	sdelay $0x7  }
0x6a: {  	[tilespmem:v2+s25+$0x0] =	vst.idx.add.f32.msk $0xffff, v1  }
0x6b: {  	v2 =	vld [tilespmem:$0x4E0];
	_ =	sdelay $0x7  }
0x6c: {  	[tilespmem:v2+s25+$0x0] =	vst.idx.add.f32.msk $0xffff, v1  }
0x6d: {  	v2 =	vld [tilespmem:$0x4F0];
	_ =	sdelay $0x7  }
0x6e: {  	[tilespmem:v2+s25+$0x0] =	vst.idx.add.f32.msk $0xffff, v1  }
0x6f: {  	v2 =	vld [tilespmem:$0x500];
	_ =	sdelay $0x7  }
0x70: {  	[tilespmem:v2+s25+$0x0] =	vst.idx.add.f32.msk $0xffff, v1  }
0x71: {  	v2 =	vld [tilespmem:$0x510];
	_ =	sdelay $0x7  }
0x72: {  	[tilespmem:v2+s25+$0x0] =	vst.idx.add.f32.msk $0xffff, v1  }
0x73: {  	v2 =	vld [tilespmem:$0x520];
	_ =	sdelay $0x7  }
0x74: {  	[tilespmem:v2+s25+$0x0] =	vst.idx.add.f32.msk $0xffff, v1  }
0x75: {  	v2 =	vld [tilespmem:$0x530];
	_ =	sdelay $0x7  }
0x76: {  	[tilespmem:v2+s25+$0x0] =	vst.idx.add.f32.msk $0xffff, v1  }
0x77: {  	v2 =	vld [tilespmem:$0x540];
	_ =	sdelay $0x7  }
0x78: {  	[tilespmem:v2+s25+$0x0] =	vst.idx.add.f32.msk $0xffff, v1  }
0x79: {  	v2 =	vld [tilespmem:$0x550];
	_ =	sdelay $0x7  }
0x7a: {  	[tilespmem:v2+s25+$0x0] =	vst.idx.add.f32.msk $0xffff, v1  }
0x7b: {  	v2 =	vld [tilespmem:$0x560];
	_ =	sdelay $0x7  }
0x7c: {  	[tilespmem:v2+s25+$0x0] =	vst.idx.add.f32.msk $0xffff, v1  }
0x7d: {  	v2 =	vld [tilespmem:$0x570];
	_ =	sdelay $0x7  }
0x7e: {  	[tilespmem:v2+s25+$0x0] =	vst.idx.add.f32.msk $0xffff, v1  }
0x7f: {  	v2 =	vld [tilespmem:$0x580];
	_ =	sdelay $0x7  }
0x80: {  	[tilespmem:v2+s25+$0x0] =	vst.idx.add.f32.msk $0xffff, v1  }
0x81: {  	v2 =	vld [tilespmem:$0x590];
	_ =	sdelay $0x7  }
0x82: {  	[tilespmem:v2+s25+$0x0] =	vst.idx.add.f32.msk $0xffff, v1  }
0x83: {  	v2 =	vld [tilespmem:$0x5A0];
	_ =	sdelay $0x7  }
0x84: {  	[tilespmem:v2+s25+$0x0] =	vst.idx.add.f32.msk $0xffff, v1  }
0x85: {  	v2 =	vld [tilespmem:$0x5B0];
	_ =	sdelay $0x7  }
0x86: {  	[tilespmem:v2+s25+$0x0] =	vst.idx.add.f32.msk $0xffff, v1  }
0x87: {  	v2 =	vld [tilespmem:$0x5C0];
	_ =	sdelay $0x7  }
0x88: {  	[tilespmem:v2+s25+$0x0] =	vst.idx.add.f32.msk $0xffff, v1  }
0x89: {  	v2 =	vld [tilespmem:$0x5D0];
	_ =	sdelay $0x7  }
0x8a: {  	[tilespmem:v2+s25+$0x0] =	vst.idx.add.f32.msk $0xffff, v1  }
0x8b: {  	v2 =	vld [tilespmem:$0x5E0];
	_ =	sdelay $0x7  }
0x8c: {  	[tilespmem:v2+s25+$0x0] =	vst.idx.add.f32.msk $0xffff, v1  }
0x8d: {  	v2 =	vld [tilespmem:$0x5F0];
	_ =	sdelay $0x7  }
0x8e: {  	[tilespmem:v2+s25+$0x0] =	vst.idx.add.f32.msk $0xffff, v1  }
0x8f: {  	[bflag:$0x0] =	sbarrier.arrive $0xFFFF  }
0x90: {  	[hbm:s8], [sflag:s5] =	dma.local [spmem:s16], $0x400  }
0x91: {  	s26 =	sadd.s32 $0x1, s26;
	_ =	swait.ge [sflag:s17], $0x400  }
0x92: {  	p0 =	sne.s32 s26, s10;
	[sflag:s17] =	ssyncset.done $0x0  }
.Ltmp1:
0x93: {  	[sflag:s17] =	ssyncadd.s32 $0xFFFFFC00;
	(pc) =	sbr.rel @p0 .LBB2_1-.Ltmp1, $4  }
0x94: {  	[hbm4b:s9+s21] =	stream.strided.scatter [tilespmem:s25], [sflag:$0x1], $0x400, s18, s21, $0x38;
	[tilespmem:$0x4A00] =	vst v63  }
0x95: {  	_ =	swait.ge [sflag:s17], $0x400  }
0x96: {  	[sflag:s17] =	ssyncset.done $0x0  }
0x97: {  	[sflag:s17] =	ssyncadd.s32 $0xFFFFFC00  }
0x98: {  	_ =	sfence.sel $0x180000  }
0x99: {  	[bflag:$0x0] =	sbarrier.arrive $0xFFFF  }
0x9a: {  	p0 =	sne.s32 s0, $0x0;
	_ =	strace $0x9000004D  }
0x9b: {  	s0 =	sadd.s32 @!p0 $0x100000, s1;
	[bflag:$0x2] =	sbarrier.arrive $0xFFFF  }
0x9c: {  	[sflag:s0] =	ssyncadd.tile.s32 @!p0 $0x1;
	_ =	shalt  }
.Lfunc_end2:
_tile_overlayer_lowered:
.L_overlay_start_2:
0x9d: {  	(tag) =	ssettag $0x2  }
0x9e: {  	s0 =	rddreg [dreg:$0x0];
	s2 =	stileid.u32  }
0x9f: {  	s1 =	rddreg [dreg:$0x1];
	p0 =	sne.s32 s2, $0x0  }
0xa0: {  	s3 =	rddreg [dreg:$0x2];
	[bflag:$0x3] =	sbarrier.arrive $0xFFFF;
	s2 =	simm.s32 @!p0 $0x1C01  }
0xa1: {  	[timem:s3], [sflag:s2] =	dma.local @!p0 [hbm:s0], s1  }
0xa2: {  	s0 =	simm.s32 @!p0 $0x1  }
0xa3: {  	_ =	swait.ge @!p0 [sflag:s0], s1  }
0xa4: {  	s1 =	ssub.s32 @!p0 $0x0, s1;
	[sflag:s0] =	ssyncset.done @!p0 $0x0  }
0xa5: {  	[sflag:s0] =	ssyncadd.s32 @!p0 s1  }
0xa6: {  	[bflag:$0x3] =	sbarrier.arrive $0xFFFF  }
0xa7: {  	_ =	shalt  }

// kernel: kernel.23.cloned.1.call-start
scs
__scs_entry_jumppad:
0x0: {  	(pc) =	sbr.rel $0x88, $3  }
0x1: {  	(tag) =	ssettag $0x0;
	lr =	simm.s32 $0x1  }
0x2: {  	[smem:$0x3F96] =	sst lr;
	_ =	strace $0xD0000000  }
0x3: {  	_ = 	snop  }
0x4: {  	_ = 	snop  }
0x5: {  	_ = 	snop  }
0x6: {  	_ = 	snop  }
0x7: {  	_ = 	snop  }
__scs_overlays_trampoline_lowered:
0x8: {  	[smem:$0x3FA5] =	sst s0  }
0x9: {  	[smem:$0x3FA6] =	sst s1  }
0xa: {  	[smem:$0x3FA7] =	sst s2  }
0xb: {  	[smem:$0x3FA8] =	sst s3  }
0xc: {  	[smem:$0x3FA9] =	sst s4  }
0xd: {  	[smem:$0x3FAA] =	sst s5  }
0xe: {  	[smem:$0x3FAB] =	sst s6  }
0xf: {  	[smem:$0x3FAC] =	sst s7  }
0x10: {  	[smem:$0x3FAD] =	sst s8  }
0x11: {  	[smem:$0x3FAE] =	sst s9;
	s0 =	simm.s32 @!p0 $0x0  }
0x12: {  	s1 =	sld [smem:$0x3F94];
	s0 =	simm.s32 @p0 $0x1  }
0x13: {  	[smem:$0x3FAF] =	sst s0;
	s0 =	simm.s32 @!p1 $0x0  }
0x14: {  	s2 =	sld [smem:$0x3F93];
	s0 =	simm.s32 @p1 $0x1  }
0x15: {  	[smem:$0x3FB0] =	sst s0;
	s0 =	simm.s32 @!p2 $0x0  }
0x16: {  	s3 =	sld [smem:$0x3FDB];
	s0 =	simm.s32 @p2 $0x1  }
0x17: {  	s4 =	simm.s32 $0x1BF5;
	[smem:$0x3FB2] =	sst s0  }
0x18: {  	s0 =	sld [smem:$0x3F95];
	_ =	swait.ge [sflag:s4], $0x0  }
0x19: {  	s7 =	sld [smem:$0x3F96]  }
0x1a: {  	s8 =	sadd.s32 $0xFFFFE003, lr  }
0x1b: {  	s9 =	sadd.s32 $0xFFFFFEF7, lr;
	s5 =	simm.s32 $0xFFFFFFFF;
	p2 =	slt.u32 s8, $0xFFFFF086  }
0x1c: {  	p1 =	slt.u32 s9, $0xF7A;
	s5 =	simm.s32 @!p2 $0x0  }
0x1d: {  	s5 =	simm.s32 @p1 $0x1;
	p0 =	seq.s32 s7, s2  }
0x1e: {  	s7 =	smul.u32 @!p0 $0xF7A, s2;
	p2 =	seq.s32 @!p0 s5, $0x0  }
0x1f: {  	s9 =	smul.u32 $0xF7A, s1;
	s8 =	simm.s32 @!p0 $0x1BF5;
	p2 =	por !p2, p0  }
0x20: {  	[sflag:s8] =	ssyncset.s32 @!p0 $0xFFFFF086;
	s6 =	sadd.s32 @!p0 s3, s7;
	s7 =	simm.s32 @!p0 $0x108  }
0x21: {  	s3 =	sadd.s32 s3, s9;
	s6 =	sadd.s32 @!p0 $0x88, s6;
	s7 =	simm.s32 @p2 $0x1082  }
0x22: {  	[simem:s7], [sflag:s8] =	dma.local @!p0 [hbm:s6], $0xF7A  }
0x23: {  	s9 =	sor.u32 $0xD0000000, s2;
	s6 =	simm.s32 $0x108;
	_ =	swait.ge @!p0 [sflag:s8], $0x0  }
0x24: {  	s3 =	sadd.s32 $0x88, s3;
	s6 =	simm.s32 @!p1 $0x1082;
	[sflag:s4] =	ssyncset.s32 $0xFFFFF086  }
0x25: {  	[simem:s6], [sflag:s4] =	dma.local [hbm:s3], $0xF7A  }
0x26: {  	[smem:$0x3F96] =	sst s1;
	(tag) =	ssettag s2;
	_ =	strace s9  }
0x27: {  	s1 =	sld [smem:$0x3FA6]  }
0x28: {  	s2 =	sld [smem:$0x3FA7]  }
0x29: {  	s4 =	sld [smem:$0x3FA9]  }
0x2a: {  	p0 =	seq.s32 s5, $0x0;
	s5 =	sld [smem:$0x3FAA]  }
0x2b: {  	s6 =	sld [smem:$0x3FAB]  }
0x2c: {  	s7 =	sld [smem:$0x3FAC]  }
0x2d: {  	s3 =	simm.s32 $0x108;
	s8 =	sld [smem:$0x3FAD]  }
0x2e: {  	s3 =	simm.s32 @!p0 $0x1082;
	s9 =	sld [smem:$0x3FAE]  }
0x2f: {  	lr =	sadd.s32 s0, s3;
	s0 =	sld [smem:$0x3FA5]  }
0x30: {  	s3 =	sld [smem:$0x3FA8]  }
0x31: {  	[smem:$0x3FB1] =	sst s10  }
0x32: {  	s10 =	sld [smem:$0x3FAF];
	_ =	sdelay $0x3  }
0x33: {  	p0 =	seq.s32 s10, $0x1;
	s10 =	sld [smem:$0x3FB1];
	_ =	sdelay $0x3  }
0x34: {  	[smem:$0x3FB1] =	sst s10  }
0x35: {  	s10 =	sld [smem:$0x3FB0];
	_ =	sdelay $0x3  }
0x36: {  	p1 =	seq.s32 s10, $0x1;
	s10 =	sld [smem:$0x3FB1];
	_ =	sdelay $0x3  }
0x37: {  	[smem:$0x3FB1] =	sst s10  }
0x38: {  	s10 =	sld [smem:$0x3FB2]  }
0x39: {  	_ = 	snop;
	(pc) =	sbr.ind lr, $3  }
0x3a: {  	_ = 	snop  }
0x3b: {  	_ = 	snop  }
0x3c: {  	p2 =	seq.s32 s10, $0x1;
	s10 =	sld [smem:$0x3FB1]  }
0x3d: {  	_ =	shalt  }
0x3e: {  	_ =	shalt  }
0x3f: {  	_ =	shalt  }
0x40: {  	_ =	shalt  }
0x41: {  	_ =	shalt  }
0x42: {  	_ =	shalt  }
0x43: {  	_ =	shalt  }
0x44: {  	_ =	shalt  }
0x45: {  	_ =	shalt  }
0x46: {  	_ =	shalt  }
0x47: {  	_ =	shalt  }
0x48: {  	_ =	shalt  }
0x49: {  	_ =	shalt  }
0x4a: {  	_ =	shalt  }
0x4b: {  	_ =	shalt  }
0x4c: {  	_ =	shalt  }
0x4d: {  	_ =	shalt  }
0x4e: {  	_ =	shalt  }
0x4f: {  	_ =	shalt  }
0x50: {  	_ =	shalt  }
0x51: {  	_ =	shalt  }
0x52: {  	_ =	shalt  }
0x53: {  	_ =	shalt  }
0x54: {  	_ =	shalt  }
0x55: {  	_ =	shalt  }
0x56: {  	_ =	shalt  }
0x57: {  	_ =	shalt  }
0x58: {  	_ =	shalt  }
0x59: {  	_ =	shalt  }
0x5a: {  	_ =	shalt  }
0x5b: {  	_ =	shalt  }
0x5c: {  	_ =	shalt  }
0x5d: {  	_ =	shalt  }
0x5e: {  	_ =	shalt  }
0x5f: {  	_ =	shalt  }
0x60: {  	_ =	shalt  }
0x61: {  	_ =	shalt  }
0x62: {  	_ =	shalt  }
0x63: {  	_ =	shalt  }
0x64: {  	_ =	shalt  }
0x65: {  	_ =	shalt  }
0x66: {  	_ =	shalt  }
0x67: {  	_ =	shalt  }
0x68: {  	_ =	shalt  }
0x69: {  	_ =	shalt  }
0x6a: {  	_ =	shalt  }
0x6b: {  	_ =	shalt  }
0x6c: {  	_ =	shalt  }
0x6d: {  	_ =	shalt  }
0x6e: {  	_ =	shalt  }
0x6f: {  	_ =	shalt  }
0x70: {  	_ =	shalt  }
0x71: {  	_ =	shalt  }
0x72: {  	_ =	shalt  }
0x73: {  	_ =	shalt  }
0x74: {  	_ =	shalt  }
0x75: {  	_ =	shalt  }
0x76: {  	_ =	shalt  }
0x77: {  	_ =	shalt  }
0x78: {  	_ =	shalt  }
0x79: {  	_ =	shalt  }
0x7a: {  	_ =	shalt  }
0x7b: {  	_ =	shalt  }
0x7c: {  	_ =	shalt  }
0x7d: {  	_ =	shalt  }
0x7e: {  	_ =	shalt  }
0x7f: {  	_ =	shalt  }
0x80: {  	_ =	shalt  }
0x81: {  	_ =	shalt  }
0x82: {  	_ =	shalt  }
0x83: {  	_ =	shalt  }
0x84: {  	_ =	shalt  }
0x85: {  	_ =	shalt  }
0x86: {  	_ =	shalt  }
0x87: {  	_ =	shalt  }
.Lfunc_end0:
.L_simem_size_0:
called_computation.3_lowered:
.L_overlay_start_0:
0x88: {  	s2 =	sld [smem:$0x3FD9]  }
0x89: {  	s3 =	sld [smem:$0x3FFE];
	_ =	sdelay $0x1  }
0x8a: {  	s1 =	srdreg.scid  }
0x8b: {  	s0 =	sand.u32 $0x1, s1  }
0x8c: {  	s17 =	sshll.u32 s0, $0xA;
	s2 =	sadd.s32 s3, s2  }
0x8d: {  	s2 =	sadd.s32 s2, s17  }
0x8e: {  	[smem:$0x3FBD] =	sst s2  }
0x8f: {  	_ = 	snop  }
0x90: {  	s2 =	sld [smem:$0x3FD0];
	(tm) =	ssettm $0x1  }
0x91: {  	s18 =	sld [smem:$0x3FFB];
	_ =	sdelay $0x3  }
0x92: {  	_ =	strace s18  }
0x93: {  	s3 =	sld [smem:$0x3FFC];
	_ =	sdelay $0x3  }
0x94: {  	_ =	strace s3  }
0x95: {  	s3 =	sld [smem:$0x3FFD];
	_ =	sdelay $0x3  }
0x96: {  	_ =	strace s3  }
0x97: {  	_ =	strace $0x8FFFFFFF  }
0x98: {  	s19 =	sld [smem:$0x3FDB];
	_ =	sdelay $0x1  }
0x99: {  	s4 =	simm.s32 $_scs_section_size  }
0x9a: {  	s5 =	simm.s32 $_size__tile_overlayer_lowered;
	s6 =	simm.s32 $_tile_overlayer_lowered  }
0x9b: {  	s22 =	simm.s32 $0x1BFF;
	s21 =	sshll.u32 s6, $0x1;
	s3 =	sadd.s32 s4, s19  }
0x9c: {  	s7 =	simm.s32 $0x0;
	s20 =	sshll.u32 s5, $0x1;
	s5 =	sadd.s32 s21, s3  }
0x9d: {  	[timem:s7], [sflag:s22] =	dma.local [hbm:s5], s20  }
0x9e: {  	_ =	swait.ge [sflag:s22], s20  }
0x9f: {  	s4 =	ssub.s32 $0x0, s20;
	[sflag:s22] =	ssyncset.done $0x0  }
0xa0: {  	[sflag:s22] =	ssyncadd.s32 s4;
	_ =	sdelay $0x1  }
0xa1: {  	s23 =	simm.s32 $0x1B8B  }
0xa2: {  	_ =	swait.ge [sflag:s23], $0x1  }
0xa3: {  	[sflag:s23] =	ssyncset.done $0x0  }
0xa4: {  	s25 =	simm.s32 $0x1B8E;
	s24 =	sld [smem:$0x3FFE];
	[sflag:s23] =	ssyncadd.s32 $0xFFFFFFFF  }
0xa5: {  	s26 =	simm.s32 $execute0_lowered;
	[smem:$0x3FD2] =	sst s25  }
0xa6: {  	s5 =	sshll.u32 s26, $0x1;
	_ =	strace $0x8000004F;
	[dreg:$0x1] =	wrdreg $0xFFFFFFFF  }
0xa7: {  	s28 =	simm.s32 $_size_execute0_lowered;
	s3 =	sadd.s32 s3, s5;
	[dreg:$0x0] =	wrdreg $0x0  }
0xa8: {  	s5 =	sshll.u32 s28, $0x1;
	[dreg:$0x2] =	wrdreg s3  }
0xa9: {  	[dreg:$0x3] =	wrdreg s5  }
0xaa: {  	[dreg:$0x4] =	wrdreg $0xC0  }
0xab: {  	_ =	task [dreg:s7], $0x5FFFF  }
0xac: {  	[dreg:$0x1] =	wrdreg $0xFFFFFFFF  }
0xad: {  	[dreg:$0x0] =	wrdreg $0x60  }
0xae: {  	[dreg:$0x2] =	wrdreg s2  }
0xaf: {  	[dreg:$0x3] =	wrdreg s24  }
0xb0: {  	[dreg:$0x4] =	wrdreg $0x44000  }
0xb1: {  	[dreg:$0x5] =	wrdreg $0x9  }
0xb2: {  	_ =	task.clear_ibuf [dreg:s7], $0x6FFFF;
	_ =	strace $0x9000004F  }
0xb3: {  	s29 =	simm.s32 $0x9;
	_ =	strace $0x80000051  }
0xb4: {  	_ =	swait.ge [sflag:s29], $0x1  }
0xb5: {  	[sflag:s29] =	ssyncadd.s32 $0xFFFFFFFF  }
0xb6: {  	_ =	strace $0x90000051  }
0xb7: {  	_ =	sfence  }
0xb8: {  	s30 =	sld [smem:$0x0];
	_ =	sdelay $0x2  }
0xb9: {  	s31 =	sshll.u32 s1, $0xD;
	s1 =	sshrl.u32 s1, $0x2  }
0xba: {  	s3 =	sand.u32 $0x4000, s31;
	s1 =	sadd.s32 s1, s30  }
0xbb: {  	s0 =	sor.u32 s3, s0;
	s1 =	sshll.u32 s1, $0x11  }
0xbc: {  	s0 =	sor.u32 s1, s0  }
0xbd: {  	s0 =	sadd.s32 $0x8F2B, s0  }
0xbe: {  	[sflag:s0] =	ssyncadd.remote.s32 $0x1  }
0xbf: {  	_ =	sfence.sel $0xFFFF  }
0xc0: {  	[dreg:$0x0] =	wrdreg $0xFFFFFFFF;
	(pc) =	sbr.abs _section_cstart, $3  }
0xc1: {  	[dreg:$0x1] =	wrdreg $0xFFFFFFFF  }
0xc2: {  	_ =	task.clear_ibuf [dreg:s7], $0x2FFFF;
	_ =	strace $0x9FFFFFFF  }
0xc3: {  	(tm) =	ssettm $0x7FFFFFFF  }
tec
execute0_lowered:
.L_overlay_start_1:
0x0: {  	(tag) =	ssettag $0x1  }
0x1: {  	s1 =	rddreg [dreg:$0x0]  }
0x2: {  	s9 =	rddreg [dreg:$0x1]  }
0x3: {  	s3 =	rddreg [dreg:$0x2]  }
0x4: {  	s0 =	rddreg [dreg:$0x3];
	s4 =	simm.s32 $0x0;
	s5 =	srdreg.scid  }
0x5: {  	s2 =	stileid.u32;
	[smem:$0x7FF] =	sst s4  }
0x6: {  	s20 =	sand.u32 $0x1, s5;
	s29 =	sshll.u32 s2, $0xA;
	s30 =	sshll.u32 s2, $0xD  }
0x7: {  	s11 =	sshll.u32 s2, $0x6;
	_ =	strace $0x80000050;
	s10 =	sshll.u32 s20, $0xA  }
0x8: {  	s21 =	sadd.s32 s29, s9;
	s7 =	sadd.s32 s30, s3;
	s6 =	sor.u32 $0x1C02, s11  }
0x9: {  	s5 =	sadd.s32 $0x3EE00, s21;
	s8 =	sshrl.u32 s7, $0x3;
	s7 =	simm.s32 $0x2  }
0xa: {  	[spmem:s8], [sflag:s6] =	dma.local [hbm:s5], $0x400  }
0xb: {  	s10 =	sor.u32 s11, s10;
	_ =	swait.ge [sflag:s7], $0x400  }
0xc: {  	s10 =	sadd.s32 s10, s9;
	[sflag:s7] =	ssyncset.done $0x0  }
0xd: {  	s9 =	sadd.s32 $0x34C00, s10;
	[sflag:s7] =	ssyncadd.s32 $0xFFFFFC00  }
0xe: {  	[tilespmem:s4], [sflag:$0x2] =	stream.linear.gather [hbm4b:s9+s4], $0x200, $0x38;
	[tilespmem:$0x6400] =	vst v63  }
0xf: {  	_ =	swait.ge [sflag:s7], $0x200  }
0x10: {  	[sflag:s7] =	ssyncset.done $0x0  }
0x11: {  	s11 =	simm.s32 $0x200;
	s10 =	sadd.s32 $0xBF400, s10;
	[sflag:s7] =	ssyncadd.s32 $0xFFFFFE00  }
0x12: {  	[tilespmem:s11], [sflag:$0x2] =	stream.linear.gather [hbm4b:s10+s4], $0x200, $0x38;
	[tilespmem:$0x6400] =	vst v63  }
0x13: {  	_ =	swait.ge [sflag:s7], $0x200  }
0x14: {  	[sflag:s7] =	ssyncset.done $0x0  }
0x15: {  	s12 =	simm.s32 $0x80;
	[sflag:s7] =	ssyncadd.s32 $0xFFFFFE00  }
0x16: {  	s13 =	simm.s32 $0x400;
	s14 =	simm.s32 $0x1;
	[bflag:$0x0] =	sbarrier.arrive $0xFFFF  }
0x17: {  	[tilespmem:s13], [sflag:$0x1] =	stream.indirect.gather [hbm4b:s1+s12], $0x80, s4, s12, $0xb8;
	[tilespmem:$0x6400] =	vst v63  }
0x18: {  	_ =	swait.ge [sflag:s14], $0x4000  }
0x19: {  	[sflag:s14] =	ssyncset.done $0x0  }
0x1a: {  	[sflag:s14] =	ssyncadd.s32 $0xFFFFC000  }
0x1b: {  	[spmem:s3] =	stream.indirect.scatter.add.f32 [tilespmem:s13], [sflag:$0x2], $0x80, s11, s12, $0xb8;
	[tilespmem:$0x6400] =	vst v63  }
0x1c: {  	_ =	swait.ge [sflag:s7], $0x4000  }
0x1d: {  	[sflag:s7] =	ssyncset.done $0x0  }
0x1e: {  	[sflag:s7] =	ssyncadd.s32 $0xFFFFC000  }
0x1f: {  	[tilespmem:s13], [sflag:$0x1] =	stream.indirect.gather [hbm4b:s1+s12], $0x80, s12, s12, $0xb8;
	[tilespmem:$0x6400] =	vst v63  }
0x20: {  	_ =	swait.ge [sflag:s14], $0x4000  }
0x21: {  	[sflag:s14] =	ssyncset.done $0x0  }
0x22: {  	s15 =	simm.s32 $0x280;
	[sflag:s14] =	ssyncadd.s32 $0xFFFFC000  }
0x23: {  	[spmem:s3] =	stream.indirect.scatter.add.f32 [tilespmem:s13], [sflag:$0x2], $0x80, s15, s12, $0xb8;
	[tilespmem:$0x6400] =	vst v63  }
0x24: {  	_ =	swait.ge [sflag:s7], $0x4000  }
0x25: {  	[sflag:s7] =	ssyncset.done $0x0  }
0x26: {  	s16 =	simm.s32 $0x100;
	[sflag:s7] =	ssyncadd.s32 $0xFFFFC000  }
0x27: {  	[tilespmem:s13], [sflag:$0x1] =	stream.indirect.gather [hbm4b:s1+s12], $0x80, s16, s12, $0xb8;
	[tilespmem:$0x6400] =	vst v63  }
0x28: {  	_ =	swait.ge [sflag:s14], $0x4000  }
0x29: {  	[sflag:s14] =	ssyncset.done $0x0  }
0x2a: {  	s17 =	simm.s32 $0x300;
	[sflag:s14] =	ssyncadd.s32 $0xFFFFC000  }
0x2b: {  	[spmem:s3] =	stream.indirect.scatter.add.f32 [tilespmem:s13], [sflag:$0x2], $0x80, s17, s12, $0xb8;
	[tilespmem:$0x6400] =	vst v63  }
0x2c: {  	_ =	swait.ge [sflag:s7], $0x4000  }
0x2d: {  	[sflag:s7] =	ssyncset.done $0x0  }
0x2e: {  	s18 =	simm.s32 $0x180;
	[sflag:s7] =	ssyncadd.s32 $0xFFFFC000  }
0x2f: {  	[tilespmem:s13], [sflag:$0x1] =	stream.indirect.gather [hbm4b:s1+s12], $0x80, s18, s12, $0xb8;
	[tilespmem:$0x6400] =	vst v63  }
0x30: {  	s22 =	ssub.s32 $0x2, s20;
	_ =	swait.ge [sflag:s14], $0x4000  }
0x31: {  	s23 =	sshrl.u32 s22, $0x1;
	[sflag:s14] =	ssyncset.done $0x0  }
0x32: {  	s19 =	simm.s32 $0x380;
	s22 =	ssub.s32 s22, s23;
	[sflag:s14] =	ssyncadd.s32 $0xFFFFC000  }
0x33: {  	[spmem:s3] =	stream.indirect.scatter.add.f32 [tilespmem:s13], [sflag:$0x2], $0x80, s19, s12, $0xb8;
	[tilespmem:$0x6400] =	vst v63  }
0x34: {  	s31 =	smax.u32 s22, $0x1;
	_ =	swait.ge [sflag:s7], $0x4000  }
0x35: {  	s20 =	sshll.u32 s20, $0xE;
	p0 =	sne.s32 s31, $0x1;
	[sflag:s7] =	ssyncset.done $0x0  }
.Ltmp0:
0x36: {  	s20 =	sadd.s32 s20, s21;
	[sflag:s7] =	ssyncadd.s32 $0xFFFFC000;
	(pc) =	sbr.rel @!p0 .LBB2_2-.Ltmp0, $4  }
0x37: {  	s20 =	sadd.s32 $0x35400, s20;
	[bflag:$0x0] =	sbarrier.arrive $0xFFFF  }
0x38: {  	[hbm:s20], [sflag:s6] =	dma.local [spmem:s8], $0x400  }
0x39: {  	_ =	swait.ge [sflag:s7], $0x400  }
0x3a: {  	s21 =	sadd.s32 $0xFFFFFFFF, s31;
	[sflag:s7] =	ssyncset.done $0x0  }
.LBB2_1:
0x3b: {  	p0 =	sne.s32 s21, $0x1;
	s21 =	sadd.s32 $0xFFFFFFFF, s21;
	[sflag:s7] =	ssyncadd.s32 $0xFFFFFC00  }
0x3c: {  	[spmem:s8], [sflag:s6] =	dma.local [hbm:s5], $0x400  }
0x3d: {  	_ =	swait.ge [sflag:s7], $0x400  }
0x3e: {  	[sflag:s7] =	ssyncset.done $0x0  }
0x3f: {  	[sflag:s7] =	ssyncadd.s32 $0xFFFFFC00  }
0x40: {  	[tilespmem:s4], [sflag:$0x2] =	stream.linear.gather [hbm4b:s9+s4], $0x200, $0x38;
	[tilespmem:$0x6400] =	vst v63  }
0x41: {  	_ =	swait.ge [sflag:s7], $0x200  }
0x42: {  	[sflag:s7] =	ssyncset.done $0x0  }
0x43: {  	[sflag:s7] =	ssyncadd.s32 $0xFFFFFE00  }
0x44: {  	[tilespmem:s11], [sflag:$0x2] =	stream.linear.gather [hbm4b:s10+s4], $0x200, $0x38;
	[tilespmem:$0x6400] =	vst v63  }
0x45: {  	_ =	swait.ge [sflag:s7], $0x200  }
0x46: {  	[sflag:s7] =	ssyncset.done $0x0  }
0x47: {  	[sflag:s7] =	ssyncadd.s32 $0xFFFFFE00  }
0x48: {  	[bflag:$0x0] =	sbarrier.arrive $0xFFFF  }
0x49: {  	[tilespmem:s13], [sflag:$0x1] =	stream.indirect.gather [hbm4b:s1+s12], $0x80, s4, s12, $0xb8;
	[tilespmem:$0x6400] =	vst v63  }
0x4a: {  	_ =	swait.ge [sflag:s14], $0x4000  }
0x4b: {  	[sflag:s14] =	ssyncset.done $0x0  }
0x4c: {  	[sflag:s14] =	ssyncadd.s32 $0xFFFFC000  }
0x4d: {  	[spmem:s3] =	stream.indirect.scatter.add.f32 [tilespmem:s13], [sflag:$0x2], $0x80, s11, s12, $0xb8;
	[tilespmem:$0x6400] =	vst v63  }
0x4e: {  	_ =	swait.ge [sflag:s7], $0x4000  }
0x4f: {  	[sflag:s7] =	ssyncset.done $0x0  }
0x50: {  	[sflag:s7] =	ssyncadd.s32 $0xFFFFC000  }
0x51: {  	[tilespmem:s13], [sflag:$0x1] =	stream.indirect.gather [hbm4b:s1+s12], $0x80, s12, s12, $0xb8;
	[tilespmem:$0x6400] =	vst v63  }
0x52: {  	_ =	swait.ge [sflag:s14], $0x4000  }
0x53: {  	[sflag:s14] =	ssyncset.done $0x0  }
0x54: {  	[sflag:s14] =	ssyncadd.s32 $0xFFFFC000  }
0x55: {  	[spmem:s3] =	stream.indirect.scatter.add.f32 [tilespmem:s13], [sflag:$0x2], $0x80, s15, s12, $0xb8;
	[tilespmem:$0x6400] =	vst v63  }
0x56: {  	_ =	swait.ge [sflag:s7], $0x4000  }
0x57: {  	[sflag:s7] =	ssyncset.done $0x0  }
0x58: {  	[sflag:s7] =	ssyncadd.s32 $0xFFFFC000  }
0x59: {  	[tilespmem:s13], [sflag:$0x1] =	stream.indirect.gather [hbm4b:s1+s12], $0x80, s16, s12, $0xb8;
	[tilespmem:$0x6400] =	vst v63  }
0x5a: {  	_ =	swait.ge [sflag:s14], $0x4000  }
0x5b: {  	[sflag:s14] =	ssyncset.done $0x0  }
0x5c: {  	[sflag:s14] =	ssyncadd.s32 $0xFFFFC000  }
0x5d: {  	[spmem:s3] =	stream.indirect.scatter.add.f32 [tilespmem:s13], [sflag:$0x2], $0x80, s17, s12, $0xb8;
	[tilespmem:$0x6400] =	vst v63  }
0x5e: {  	_ =	swait.ge [sflag:s7], $0x4000  }
0x5f: {  	[sflag:s7] =	ssyncset.done $0x0  }
0x60: {  	[sflag:s7] =	ssyncadd.s32 $0xFFFFC000  }
0x61: {  	[tilespmem:s13], [sflag:$0x1] =	stream.indirect.gather [hbm4b:s1+s12], $0x80, s18, s12, $0xb8;
	[tilespmem:$0x6400] =	vst v63  }
0x62: {  	_ =	swait.ge [sflag:s14], $0x4000  }
0x63: {  	[sflag:s14] =	ssyncset.done $0x0  }
0x64: {  	[sflag:s14] =	ssyncadd.s32 $0xFFFFC000  }
0x65: {  	[spmem:s3] =	stream.indirect.scatter.add.f32 [tilespmem:s13], [sflag:$0x2], $0x80, s19, s12, $0xb8;
	[tilespmem:$0x6400] =	vst v63  }
0x66: {  	_ =	swait.ge [sflag:s7], $0x4000  }
0x67: {  	[sflag:s7] =	ssyncset.done $0x0  }
.Ltmp1:
0x68: {  	[sflag:s7] =	ssyncadd.s32 $0xFFFFC000;
	(pc) =	sbr.rel @p0 .LBB2_1-.Ltmp1, $4  }
0x69: {  	[bflag:$0x0] =	sbarrier.arrive $0xFFFF  }
0x6a: {  	[hbm:s20], [sflag:s6] =	dma.local [spmem:s8], $0x400  }
0x6b: {  	_ =	swait.ge [sflag:s7], $0x400  }
0x6c: {  	[sflag:s7] =	ssyncset.done $0x0  }
.LBB2_2:
0x6d: {  	[sflag:s7] =	ssyncadd.s32 $0xFFFFFC00  }
0x6e: {  	_ =	sfence.sel $0x180000  }
0x6f: {  	[bflag:$0x0] =	sbarrier.arrive $0xFFFF  }
0x70: {  	p0 =	sne.s32 s2, $0x0;
	_ =	strace $0x90000050  }
0x71: {  	s0 =	sadd.s32 @!p0 $0x100000, s0;
	[bflag:$0x2] =	sbarrier.arrive $0xFFFF  }
0x72: {  	[sflag:s0] =	ssyncadd.tile.s32 @!p0 $0x1;
	_ =	shalt  }
.Lfunc_end2:
_tile_overlayer_lowered:
.L_overlay_start_2:
0x73: {  	(tag) =	ssettag $0x2  }
0x74: {  	s0 =	rddreg [dreg:$0x0];
	s2 =	stileid.u32  }
0x75: {  	s1 =	rddreg [dreg:$0x1];
	p0 =	sne.s32 s2, $0x0  }
0x76: {  	s3 =	rddreg [dreg:$0x2];
	[bflag:$0x3] =	sbarrier.arrive $0xFFFF;
	s2 =	simm.s32 @!p0 $0x1C02  }
0x77: {  	[timem:s3], [sflag:s2] =	dma.local @!p0 [hbm:s0], s1  }
0x78: {  	s0 =	simm.s32 @!p0 $0x2  }
0x79: {  	_ =	swait.ge @!p0 [sflag:s0], s1  }
0x7a: {  	s1 =	ssub.s32 @!p0 $0x0, s1;
	[sflag:s0] =	ssyncset.done @!p0 $0x0  }
0x7b: {  	[sflag:s0] =	ssyncadd.s32 @!p0 s1  }
0x7c: {  	[bflag:$0x3] =	sbarrier.arrive $0xFFFF  }
0x7d: {  	_ =	shalt  }

// kernel: kernel.26.cloned.1.call-start
scs
__scs_entry_jumppad:
0x0: {  	(pc) =	sbr.rel $0x88, $3  }
0x1: {  	(tag) =	ssettag $0x0;
	lr =	simm.s32 $0x1  }
0x2: {  	[smem:$0x3F96] =	sst lr;
	_ =	strace $0xD0000000  }
0x3: {  	_ = 	snop  }
0x4: {  	_ = 	snop  }
0x5: {  	_ = 	snop  }
0x6: {  	_ = 	snop  }
0x7: {  	_ = 	snop  }
__scs_overlays_trampoline_lowered:
0x8: {  	[smem:$0x3FA5] =	sst s0  }
0x9: {  	[smem:$0x3FA6] =	sst s1  }
0xa: {  	[smem:$0x3FA7] =	sst s2  }
0xb: {  	[smem:$0x3FA8] =	sst s3  }
0xc: {  	[smem:$0x3FA9] =	sst s4  }
0xd: {  	[smem:$0x3FAA] =	sst s5  }
0xe: {  	[smem:$0x3FAB] =	sst s6  }
0xf: {  	[smem:$0x3FAC] =	sst s7  }
0x10: {  	[smem:$0x3FAD] =	sst s8  }
0x11: {  	[smem:$0x3FAE] =	sst s9;
	s0 =	simm.s32 @!p0 $0x0  }
0x12: {  	s1 =	sld [smem:$0x3F94];
	s0 =	simm.s32 @p0 $0x1  }
0x13: {  	[smem:$0x3FAF] =	sst s0;
	s0 =	simm.s32 @!p1 $0x0  }
0x14: {  	s2 =	sld [smem:$0x3F93];
	s0 =	simm.s32 @p1 $0x1  }
0x15: {  	[smem:$0x3FB0] =	sst s0;
	s0 =	simm.s32 @!p2 $0x0  }
0x16: {  	s3 =	sld [smem:$0x3FDB];
	s0 =	simm.s32 @p2 $0x1  }
0x17: {  	s4 =	simm.s32 $0x1BF5;
	[smem:$0x3FB2] =	sst s0  }
0x18: {  	s0 =	sld [smem:$0x3F95];
	_ =	swait.ge [sflag:s4], $0x0  }
0x19: {  	s7 =	sld [smem:$0x3F96]  }
0x1a: {  	s8 =	sadd.s32 $0xFFFFE003, lr  }
0x1b: {  	s9 =	sadd.s32 $0xFFFFFEF7, lr;
	s5 =	simm.s32 $0xFFFFFFFF;
	p2 =	slt.u32 s8, $0xFFFFF086  }
0x1c: {  	p1 =	slt.u32 s9, $0xF7A;
	s5 =	simm.s32 @!p2 $0x0  }
0x1d: {  	s5 =	simm.s32 @p1 $0x1;
	p0 =	seq.s32 s7, s2  }
0x1e: {  	s7 =	smul.u32 @!p0 $0xF7A, s2;
	p2 =	seq.s32 @!p0 s5, $0x0  }
0x1f: {  	s9 =	smul.u32 $0xF7A, s1;
	s8 =	simm.s32 @!p0 $0x1BF5;
	p2 =	por !p2, p0  }
0x20: {  	[sflag:s8] =	ssyncset.s32 @!p0 $0xFFFFF086;
	s6 =	sadd.s32 @!p0 s3, s7;
	s7 =	simm.s32 @!p0 $0x108  }
0x21: {  	s3 =	sadd.s32 s3, s9;
	s6 =	sadd.s32 @!p0 $0x88, s6;
	s7 =	simm.s32 @p2 $0x1082  }
0x22: {  	[simem:s7], [sflag:s8] =	dma.local @!p0 [hbm:s6], $0xF7A  }
0x23: {  	s9 =	sor.u32 $0xD0000000, s2;
	s6 =	simm.s32 $0x108;
	_ =	swait.ge @!p0 [sflag:s8], $0x0  }
0x24: {  	s3 =	sadd.s32 $0x88, s3;
	s6 =	simm.s32 @!p1 $0x1082;
	[sflag:s4] =	ssyncset.s32 $0xFFFFF086  }
0x25: {  	[simem:s6], [sflag:s4] =	dma.local [hbm:s3], $0xF7A  }
0x26: {  	[smem:$0x3F96] =	sst s1;
	(tag) =	ssettag s2;
	_ =	strace s9  }
0x27: {  	s1 =	sld [smem:$0x3FA6]  }
0x28: {  	s2 =	sld [smem:$0x3FA7]  }
0x29: {  	s4 =	sld [smem:$0x3FA9]  }
0x2a: {  	p0 =	seq.s32 s5, $0x0;
	s5 =	sld [smem:$0x3FAA]  }
0x2b: {  	s6 =	sld [smem:$0x3FAB]  }
0x2c: {  	s7 =	sld [smem:$0x3FAC]  }
0x2d: {  	s3 =	simm.s32 $0x108;
	s8 =	sld [smem:$0x3FAD]  }
0x2e: {  	s3 =	simm.s32 @!p0 $0x1082;
	s9 =	sld [smem:$0x3FAE]  }
0x2f: {  	lr =	sadd.s32 s0, s3;
	s0 =	sld [smem:$0x3FA5]  }
0x30: {  	s3 =	sld [smem:$0x3FA8]  }
0x31: {  	[smem:$0x3FB1] =	sst s10  }
0x32: {  	s10 =	sld [smem:$0x3FAF];
	_ =	sdelay $0x3  }
0x33: {  	p0 =	seq.s32 s10, $0x1;
	s10 =	sld [smem:$0x3FB1];
	_ =	sdelay $0x3  }
0x34: {  	[smem:$0x3FB1] =	sst s10  }
0x35: {  	s10 =	sld [smem:$0x3FB0];
	_ =	sdelay $0x3  }
0x36: {  	p1 =	seq.s32 s10, $0x1;
	s10 =	sld [smem:$0x3FB1];
	_ =	sdelay $0x3  }
0x37: {  	[smem:$0x3FB1] =	sst s10  }
0x38: {  	s10 =	sld [smem:$0x3FB2]  }
0x39: {  	_ = 	snop;
	(pc) =	sbr.ind lr, $3  }
0x3a: {  	_ = 	snop  }
0x3b: {  	_ = 	snop  }
0x3c: {  	p2 =	seq.s32 s10, $0x1;
	s10 =	sld [smem:$0x3FB1]  }
0x3d: {  	_ =	shalt  }
0x3e: {  	_ =	shalt  }
0x3f: {  	_ =	shalt  }
0x40: {  	_ =	shalt  }
0x41: {  	_ =	shalt  }
0x42: {  	_ =	shalt  }
0x43: {  	_ =	shalt  }
0x44: {  	_ =	shalt  }
0x45: {  	_ =	shalt  }
0x46: {  	_ =	shalt  }
0x47: {  	_ =	shalt  }
0x48: {  	_ =	shalt  }
0x49: {  	_ =	shalt  }
0x4a: {  	_ =	shalt  }
0x4b: {  	_ =	shalt  }
0x4c: {  	_ =	shalt  }
0x4d: {  	_ =	shalt  }
0x4e: {  	_ =	shalt  }
0x4f: {  	_ =	shalt  }
0x50: {  	_ =	shalt  }
0x51: {  	_ =	shalt  }
0x52: {  	_ =	shalt  }
0x53: {  	_ =	shalt  }
0x54: {  	_ =	shalt  }
0x55: {  	_ =	shalt  }
0x56: {  	_ =	shalt  }
0x57: {  	_ =	shalt  }
0x58: {  	_ =	shalt  }
0x59: {  	_ =	shalt  }
0x5a: {  	_ =	shalt  }
0x5b: {  	_ =	shalt  }
0x5c: {  	_ =	shalt  }
0x5d: {  	_ =	shalt  }
0x5e: {  	_ =	shalt  }
0x5f: {  	_ =	shalt  }
0x60: {  	_ =	shalt  }
0x61: {  	_ =	shalt  }
0x62: {  	_ =	shalt  }
0x63: {  	_ =	shalt  }
0x64: {  	_ =	shalt  }
0x65: {  	_ =	shalt  }
0x66: {  	_ =	shalt  }
0x67: {  	_ =	shalt  }
0x68: {  	_ =	shalt  }
0x69: {  	_ =	shalt  }
0x6a: {  	_ =	shalt  }
0x6b: {  	_ =	shalt  }
0x6c: {  	_ =	shalt  }
0x6d: {  	_ =	shalt  }
0x6e: {  	_ =	shalt  }
0x6f: {  	_ =	shalt  }
0x70: {  	_ =	shalt  }
0x71: {  	_ =	shalt  }
0x72: {  	_ =	shalt  }
0x73: {  	_ =	shalt  }
0x74: {  	_ =	shalt  }
0x75: {  	_ =	shalt  }
0x76: {  	_ =	shalt  }
0x77: {  	_ =	shalt  }
0x78: {  	_ =	shalt  }
0x79: {  	_ =	shalt  }
0x7a: {  	_ =	shalt  }
0x7b: {  	_ =	shalt  }
0x7c: {  	_ =	shalt  }
0x7d: {  	_ =	shalt  }
0x7e: {  	_ =	shalt  }
0x7f: {  	_ =	shalt  }
0x80: {  	_ =	shalt  }
0x81: {  	_ =	shalt  }
0x82: {  	_ =	shalt  }
0x83: {  	_ =	shalt  }
0x84: {  	_ =	shalt  }
0x85: {  	_ =	shalt  }
0x86: {  	_ =	shalt  }
0x87: {  	_ =	shalt  }
.Lfunc_end0:
.L_simem_size_0:
called_computation.4_lowered:
.L_overlay_start_0:
0x88: {  	s2 =	sld [smem:$0x3FD9]  }
0x89: {  	s3 =	sld [smem:$0x3FFE];
	_ =	sdelay $0x1  }
0x8a: {  	s1 =	srdreg.scid  }
0x8b: {  	s0 =	sand.u32 $0x1, s1  }
0x8c: {  	s17 =	sshll.u32 s0, $0xA;
	s2 =	sadd.s32 s3, s2  }
0x8d: {  	s2 =	sadd.s32 s2, s17  }
0x8e: {  	[smem:$0x3FBD] =	sst s2  }
0x8f: {  	_ = 	snop  }
0x90: {  	s2 =	sld [smem:$0x3FD0];
	(tm) =	ssettm $0x1  }
0x91: {  	s18 =	sld [smem:$0x3FFB];
	_ =	sdelay $0x3  }
0x92: {  	_ =	strace s18  }
0x93: {  	s3 =	sld [smem:$0x3FFC];
	_ =	sdelay $0x3  }
0x94: {  	_ =	strace s3  }
0x95: {  	s3 =	sld [smem:$0x3FFD];
	_ =	sdelay $0x3  }
0x96: {  	_ =	strace s3  }
0x97: {  	_ =	strace $0x8FFFFFFF  }
0x98: {  	s19 =	sld [smem:$0x3FDB];
	_ =	sdelay $0x1  }
0x99: {  	s4 =	simm.s32 $_scs_section_size  }
0x9a: {  	s5 =	simm.s32 $_size__tile_overlayer_lowered;
	s6 =	simm.s32 $_tile_overlayer_lowered  }
0x9b: {  	s22 =	simm.s32 $0x1BFF;
	s21 =	sshll.u32 s6, $0x1;
	s3 =	sadd.s32 s4, s19  }
0x9c: {  	s7 =	simm.s32 $0x0;
	s20 =	sshll.u32 s5, $0x1;
	s5 =	sadd.s32 s21, s3  }
0x9d: {  	[timem:s7], [sflag:s22] =	dma.local [hbm:s5], s20  }
0x9e: {  	_ =	swait.ge [sflag:s22], s20  }
0x9f: {  	s4 =	ssub.s32 $0x0, s20;
	[sflag:s22] =	ssyncset.done $0x0  }
0xa0: {  	[sflag:s22] =	ssyncadd.s32 s4;
	_ =	sdelay $0x1  }
0xa1: {  	s23 =	simm.s32 $0x1B8B  }
0xa2: {  	_ =	swait.ge [sflag:s23], $0x1  }
0xa3: {  	[sflag:s23] =	ssyncset.done $0x0  }
0xa4: {  	s25 =	simm.s32 $0x1B8E;
	s24 =	sld [smem:$0x3FFE];
	[sflag:s23] =	ssyncadd.s32 $0xFFFFFFFF  }
0xa5: {  	s26 =	simm.s32 $execute0_lowered;
	[smem:$0x3FD2] =	sst s25  }
0xa6: {  	s5 =	sshll.u32 s26, $0x1;
	_ =	strace $0x80000052;
	[dreg:$0x1] =	wrdreg $0xFFFFFFFF  }
0xa7: {  	s28 =	simm.s32 $_size_execute0_lowered;
	s3 =	sadd.s32 s3, s5;
	[dreg:$0x0] =	wrdreg $0x0  }
0xa8: {  	s5 =	sshll.u32 s28, $0x1;
	[dreg:$0x2] =	wrdreg s3  }
0xa9: {  	[dreg:$0x3] =	wrdreg s5  }
0xaa: {  	[dreg:$0x4] =	wrdreg $0xC0  }
0xab: {  	_ =	task [dreg:s7], $0x5FFFF  }
0xac: {  	[dreg:$0x1] =	wrdreg $0xFFFFFFFF  }
0xad: {  	[dreg:$0x0] =	wrdreg $0x60  }
0xae: {  	[dreg:$0x2] =	wrdreg s2  }
0xaf: {  	[dreg:$0x3] =	wrdreg s24  }
0xb0: {  	[dreg:$0x4] =	wrdreg $0x44000  }
0xb1: {  	[dreg:$0x5] =	wrdreg $0x9  }
0xb2: {  	_ =	task.clear_ibuf [dreg:s7], $0x6FFFF;
	_ =	strace $0x90000052  }
0xb3: {  	s29 =	simm.s32 $0x9;
	_ =	strace $0x80000054  }
0xb4: {  	_ =	swait.ge [sflag:s29], $0x1  }
0xb5: {  	[sflag:s29] =	ssyncadd.s32 $0xFFFFFFFF  }
0xb6: {  	_ =	strace $0x90000054  }
0xb7: {  	_ =	sfence  }
0xb8: {  	s30 =	sld [smem:$0x0];
	_ =	sdelay $0x2  }
0xb9: {  	s31 =	sshll.u32 s1, $0xD;
	s1 =	sshrl.u32 s1, $0x2  }
0xba: {  	s3 =	sand.u32 $0x4000, s31;
	s1 =	sadd.s32 s1, s30  }
0xbb: {  	s0 =	sor.u32 s3, s0;
	s1 =	sshll.u32 s1, $0x11  }
0xbc: {  	s0 =	sor.u32 s1, s0  }
0xbd: {  	s0 =	sadd.s32 $0x8F2B, s0  }
0xbe: {  	[sflag:s0] =	ssyncadd.remote.s32 $0x1  }
0xbf: {  	_ =	sfence.sel $0xFFFF  }
0xc0: {  	[dreg:$0x0] =	wrdreg $0xFFFFFFFF;
	(pc) =	sbr.abs _section_cstart, $3  }
0xc1: {  	[dreg:$0x1] =	wrdreg $0xFFFFFFFF  }
0xc2: {  	_ =	task.clear_ibuf [dreg:s7], $0x2FFFF;
	_ =	strace $0x9FFFFFFF  }
0xc3: {  	(tm) =	ssettm $0x7FFFFFFF  }
tec
execute0_lowered:
.L_overlay_start_1:
0x0: {  	(tag) =	ssettag $0x1  }
0x1: {  	s1 =	rddreg [dreg:$0x0]  }
0x2: {  	s9 =	rddreg [dreg:$0x1]  }
0x3: {  	s3 =	rddreg [dreg:$0x2]  }
0x4: {  	s0 =	rddreg [dreg:$0x3];
	s4 =	simm.s32 $0x0;
	s5 =	srdreg.scid  }
0x5: {  	s2 =	stileid.u32;
	[smem:$0x7FF] =	sst s4  }
0x6: {  	s20 =	sand.u32 $0x1, s5;
	s29 =	sshll.u32 s2, $0xA;
	s30 =	sshll.u32 s2, $0xD  }
0x7: {  	s11 =	sshll.u32 s2, $0x6;
	_ =	strace $0x80000053;
	s10 =	sshll.u32 s20, $0xA  }
0x8: {  	s21 =	sadd.s32 s29, s9;
	s7 =	sadd.s32 s30, s3;
	s6 =	sor.u32 $0x1C02, s11  }
0x9: {  	s5 =	sadd.s32 $0x3EE00, s21;
	s8 =	sshrl.u32 s7, $0x3;
	s7 =	simm.s32 $0x2  }
0xa: {  	[spmem:s8], [sflag:s6] =	dma.local [hbm:s5], $0x400  }
0xb: {  	s10 =	sor.u32 s11, s10;
	_ =	swait.ge [sflag:s7], $0x400  }
0xc: {  	s10 =	sadd.s32 s10, s9;
	[sflag:s7] =	ssyncset.done $0x0  }
0xd: {  	s9 =	sadd.s32 $0x34C00, s10;
	[sflag:s7] =	ssyncadd.s32 $0xFFFFFC00  }
0xe: {  	[tilespmem:s4], [sflag:$0x2] =	stream.linear.gather [hbm4b:s9+s4], $0x200, $0x38;
	[tilespmem:$0x6400] =	vst v63  }
0xf: {  	_ =	swait.ge [sflag:s7], $0x200  }
0x10: {  	[sflag:s7] =	ssyncset.done $0x0  }
0x11: {  	s11 =	simm.s32 $0x200;
	s10 =	sadd.s32 $0xBF400, s10;
	[sflag:s7] =	ssyncadd.s32 $0xFFFFFE00  }
0x12: {  	[tilespmem:s11], [sflag:$0x2] =	stream.linear.gather [hbm4b:s10+s4], $0x200, $0x38;
	[tilespmem:$0x6400] =	vst v63  }
0x13: {  	_ =	swait.ge [sflag:s7], $0x200  }
0x14: {  	[sflag:s7] =	ssyncset.done $0x0  }
0x15: {  	s12 =	simm.s32 $0x80;
	[sflag:s7] =	ssyncadd.s32 $0xFFFFFE00  }
0x16: {  	s13 =	simm.s32 $0x400;
	s14 =	simm.s32 $0x1;
	[bflag:$0x0] =	sbarrier.arrive $0xFFFF  }
0x17: {  	[tilespmem:s13], [sflag:$0x1] =	stream.indirect.gather [hbm4b:s1+s12], $0x80, s4, s12, $0xb8;
	[tilespmem:$0x6400] =	vst v63  }
0x18: {  	_ =	swait.ge [sflag:s14], $0x4000  }
0x19: {  	[sflag:s14] =	ssyncset.done $0x0  }
0x1a: {  	[sflag:s14] =	ssyncadd.s32 $0xFFFFC000  }
0x1b: {  	[spmem:s3] =	stream.indirect.scatter.add.f32 [tilespmem:s13], [sflag:$0x2], $0x80, s11, s12, $0xb8;
	[tilespmem:$0x6400] =	vst v63  }
0x1c: {  	_ =	swait.ge [sflag:s7], $0x4000  }
0x1d: {  	[sflag:s7] =	ssyncset.done $0x0  }
0x1e: {  	[sflag:s7] =	ssyncadd.s32 $0xFFFFC000  }
0x1f: {  	[tilespmem:s13], [sflag:$0x1] =	stream.indirect.gather [hbm4b:s1+s12], $0x80, s12, s12, $0xb8;
	[tilespmem:$0x6400] =	vst v63  }
0x20: {  	_ =	swait.ge [sflag:s14], $0x4000  }
0x21: {  	[sflag:s14] =	ssyncset.done $0x0  }
0x22: {  	s15 =	simm.s32 $0x280;
	[sflag:s14] =	ssyncadd.s32 $0xFFFFC000  }
0x23: {  	[spmem:s3] =	stream.indirect.scatter.add.f32 [tilespmem:s13], [sflag:$0x2], $0x80, s15, s12, $0xb8;
	[tilespmem:$0x6400] =	vst v63  }
0x24: {  	_ =	swait.ge [sflag:s7], $0x4000  }
0x25: {  	[sflag:s7] =	ssyncset.done $0x0  }
0x26: {  	s16 =	simm.s32 $0x100;
	[sflag:s7] =	ssyncadd.s32 $0xFFFFC000  }
0x27: {  	[tilespmem:s13], [sflag:$0x1] =	stream.indirect.gather [hbm4b:s1+s12], $0x80, s16, s12, $0xb8;
	[tilespmem:$0x6400] =	vst v63  }
0x28: {  	_ =	swait.ge [sflag:s14], $0x4000  }
0x29: {  	[sflag:s14] =	ssyncset.done $0x0  }
0x2a: {  	s17 =	simm.s32 $0x300;
	[sflag:s14] =	ssyncadd.s32 $0xFFFFC000  }
0x2b: {  	[spmem:s3] =	stream.indirect.scatter.add.f32 [tilespmem:s13], [sflag:$0x2], $0x80, s17, s12, $0xb8;
	[tilespmem:$0x6400] =	vst v63  }
0x2c: {  	_ =	swait.ge [sflag:s7], $0x4000  }
0x2d: {  	[sflag:s7] =	ssyncset.done $0x0  }
0x2e: {  	s18 =	simm.s32 $0x180;
	[sflag:s7] =	ssyncadd.s32 $0xFFFFC000  }
0x2f: {  	[tilespmem:s13], [sflag:$0x1] =	stream.indirect.gather [hbm4b:s1+s12], $0x80, s18, s12, $0xb8;
	[tilespmem:$0x6400] =	vst v63  }
0x30: {  	s22 =	ssub.s32 $0x2, s20;
	_ =	swait.ge [sflag:s14], $0x4000  }
0x31: {  	s23 =	sshrl.u32 s22, $0x1;
	[sflag:s14] =	ssyncset.done $0x0  }
0x32: {  	s19 =	simm.s32 $0x380;
	s22 =	ssub.s32 s22, s23;
	[sflag:s14] =	ssyncadd.s32 $0xFFFFC000  }
0x33: {  	[spmem:s3] =	stream.indirect.scatter.add.f32 [tilespmem:s13], [sflag:$0x2], $0x80, s19, s12, $0xb8;
	[tilespmem:$0x6400] =	vst v63  }
0x34: {  	s31 =	smax.u32 s22, $0x1;
	_ =	swait.ge [sflag:s7], $0x4000  }
0x35: {  	s20 =	sshll.u32 s20, $0xE;
	p0 =	sne.s32 s31, $0x1;
	[sflag:s7] =	ssyncset.done $0x0  }
.Ltmp0:
0x36: {  	s20 =	sadd.s32 s20, s21;
	[sflag:s7] =	ssyncadd.s32 $0xFFFFC000;
	(pc) =	sbr.rel @!p0 .LBB2_2-.Ltmp0, $4  }
0x37: {  	s20 =	sadd.s32 $0x35400, s20;
	[bflag:$0x0] =	sbarrier.arrive $0xFFFF  }
0x38: {  	[hbm:s20], [sflag:s6] =	dma.local [spmem:s8], $0x400  }
0x39: {  	_ =	swait.ge [sflag:s7], $0x400  }
0x3a: {  	s21 =	sadd.s32 $0xFFFFFFFF, s31;
	[sflag:s7] =	ssyncset.done $0x0  }
.LBB2_1:
0x3b: {  	p0 =	sne.s32 s21, $0x1;
	s21 =	sadd.s32 $0xFFFFFFFF, s21;
	[sflag:s7] =	ssyncadd.s32 $0xFFFFFC00  }
0x3c: {  	[spmem:s8], [sflag:s6] =	dma.local [hbm:s5], $0x400  }
0x3d: {  	_ =	swait.ge [sflag:s7], $0x400  }
0x3e: {  	[sflag:s7] =	ssyncset.done $0x0  }
0x3f: {  	[sflag:s7] =	ssyncadd.s32 $0xFFFFFC00  }
0x40: {  	[tilespmem:s4], [sflag:$0x2] =	stream.linear.gather [hbm4b:s9+s4], $0x200, $0x38;
	[tilespmem:$0x6400] =	vst v63  }
0x41: {  	_ =	swait.ge [sflag:s7], $0x200  }
0x42: {  	[sflag:s7] =	ssyncset.done $0x0  }
0x43: {  	[sflag:s7] =	ssyncadd.s32 $0xFFFFFE00  }
0x44: {  	[tilespmem:s11], [sflag:$0x2] =	stream.linear.gather [hbm4b:s10+s4], $0x200, $0x38;
	[tilespmem:$0x6400] =	vst v63  }
0x45: {  	_ =	swait.ge [sflag:s7], $0x200  }
0x46: {  	[sflag:s7] =	ssyncset.done $0x0  }
0x47: {  	[sflag:s7] =	ssyncadd.s32 $0xFFFFFE00  }
0x48: {  	[bflag:$0x0] =	sbarrier.arrive $0xFFFF  }
0x49: {  	[tilespmem:s13], [sflag:$0x1] =	stream.indirect.gather [hbm4b:s1+s12], $0x80, s4, s12, $0xb8;
	[tilespmem:$0x6400] =	vst v63  }
0x4a: {  	_ =	swait.ge [sflag:s14], $0x4000  }
0x4b: {  	[sflag:s14] =	ssyncset.done $0x0  }
0x4c: {  	[sflag:s14] =	ssyncadd.s32 $0xFFFFC000  }
0x4d: {  	[spmem:s3] =	stream.indirect.scatter.add.f32 [tilespmem:s13], [sflag:$0x2], $0x80, s11, s12, $0xb8;
	[tilespmem:$0x6400] =	vst v63  }
0x4e: {  	_ =	swait.ge [sflag:s7], $0x4000  }
0x4f: {  	[sflag:s7] =	ssyncset.done $0x0  }
0x50: {  	[sflag:s7] =	ssyncadd.s32 $0xFFFFC000  }
0x51: {  	[tilespmem:s13], [sflag:$0x1] =	stream.indirect.gather [hbm4b:s1+s12], $0x80, s12, s12, $0xb8;
	[tilespmem:$0x6400] =	vst v63  }
0x52: {  	_ =	swait.ge [sflag:s14], $0x4000  }
0x53: {  	[sflag:s14] =	ssyncset.done $0x0  }
0x54: {  	[sflag:s14] =	ssyncadd.s32 $0xFFFFC000  }
0x55: {  	[spmem:s3] =	stream.indirect.scatter.add.f32 [tilespmem:s13], [sflag:$0x2], $0x80, s15, s12, $0xb8;
	[tilespmem:$0x6400] =	vst v63  }
0x56: {  	_ =	swait.ge [sflag:s7], $0x4000  }
0x57: {  	[sflag:s7] =	ssyncset.done $0x0  }
0x58: {  	[sflag:s7] =	ssyncadd.s32 $0xFFFFC000  }
0x59: {  	[tilespmem:s13], [sflag:$0x1] =	stream.indirect.gather [hbm4b:s1+s12], $0x80, s16, s12, $0xb8;
	[tilespmem:$0x6400] =	vst v63  }
0x5a: {  	_ =	swait.ge [sflag:s14], $0x4000  }
0x5b: {  	[sflag:s14] =	ssyncset.done $0x0  }
0x5c: {  	[sflag:s14] =	ssyncadd.s32 $0xFFFFC000  }
0x5d: {  	[spmem:s3] =	stream.indirect.scatter.add.f32 [tilespmem:s13], [sflag:$0x2], $0x80, s17, s12, $0xb8;
	[tilespmem:$0x6400] =	vst v63  }
0x5e: {  	_ =	swait.ge [sflag:s7], $0x4000  }
0x5f: {  	[sflag:s7] =	ssyncset.done $0x0  }
0x60: {  	[sflag:s7] =	ssyncadd.s32 $0xFFFFC000  }
0x61: {  	[tilespmem:s13], [sflag:$0x1] =	stream.indirect.gather [hbm4b:s1+s12], $0x80, s18, s12, $0xb8;
	[tilespmem:$0x6400] =	vst v63  }
0x62: {  	_ =	swait.ge [sflag:s14], $0x4000  }
0x63: {  	[sflag:s14] =	ssyncset.done $0x0  }
0x64: {  	[sflag:s14] =	ssyncadd.s32 $0xFFFFC000  }
0x65: {  	[spmem:s3] =	stream.indirect.scatter.add.f32 [tilespmem:s13], [sflag:$0x2], $0x80, s19, s12, $0xb8;
	[tilespmem:$0x6400] =	vst v63  }
0x66: {  	_ =	swait.ge [sflag:s7], $0x4000  }
0x67: {  	[sflag:s7] =	ssyncset.done $0x0  }
.Ltmp1:
0x68: {  	[sflag:s7] =	ssyncadd.s32 $0xFFFFC000;
	(pc) =	sbr.rel @p0 .LBB2_1-.Ltmp1, $4  }
0x69: {  	[bflag:$0x0] =	sbarrier.arrive $0xFFFF  }
0x6a: {  	[hbm:s20], [sflag:s6] =	dma.local [spmem:s8], $0x400  }
0x6b: {  	_ =	swait.ge [sflag:s7], $0x400  }
0x6c: {  	[sflag:s7] =	ssyncset.done $0x0  }
.LBB2_2:
0x6d: {  	[sflag:s7] =	ssyncadd.s32 $0xFFFFFC00  }
0x6e: {  	_ =	sfence.sel $0x180000  }
0x6f: {  	[bflag:$0x0] =	sbarrier.arrive $0xFFFF  }
0x70: {  	p0 =	sne.s32 s2, $0x0;
	_ =	strace $0x90000053  }
0x71: {  	s0 =	sadd.s32 @!p0 $0x100000, s0;
	[bflag:$0x2] =	sbarrier.arrive $0xFFFF  }
0x72: {  	[sflag:s0] =	ssyncadd.tile.s32 @!p0 $0x1;
	_ =	shalt  }
.Lfunc_end2:
_tile_overlayer_lowered:
.L_overlay_start_2:
0x73: {  	(tag) =	ssettag $0x2  }
0x74: {  	s0 =	rddreg [dreg:$0x0];
	s2 =	stileid.u32  }
0x75: {  	s1 =	rddreg [dreg:$0x1];
	p0 =	sne.s32 s2, $0x0  }
0x76: {  	s3 =	rddreg [dreg:$0x2];
	[bflag:$0x3] =	sbarrier.arrive $0xFFFF;
	s2 =	simm.s32 @!p0 $0x1C02  }
0x77: {  	[timem:s3], [sflag:s2] =	dma.local @!p0 [hbm:s0], s1  }
0x78: {  	s0 =	simm.s32 @!p0 $0x2  }
0x79: {  	_ =	swait.ge @!p0 [sflag:s0], s1  }
0x7a: {  	s1 =	ssub.s32 @!p0 $0x0, s1;
	[sflag:s0] =	ssyncset.done @!p0 $0x0  }
0x7b: {  	[sflag:s0] =	ssyncadd.s32 @!p0 s1  }
0x7c: {  	[bflag:$0x3] =	sbarrier.arrive $0xFFFF  }
0x7d: {  	_ =	shalt  }

</sc_bundles>
